<compile_context>
chip_gen: v7x
topology: tpu7x:2x2x1
jax: 0.10.2.dev20260603
libtpu: 0.0.44.dev20260713+nightly
codegen_flags: <defaults>
</compile_context>

<pallas_src>
import functools

import jax
import jax.numpy as jnp
from jax import lax
from jax.experimental import pallas as pl
from jax.experimental.pallas import tpu as pltpu
from jax.experimental.pallas import tpu_sc as plsc

N = 10000
E = 320000
D = 128

NC = 2
NS = 16
HD = D // NC
ACHUNK = 80
ACHUNKS = 250
NPAD = 10240
NODES_PT = NPAD // NS

_mesh = plsc.VectorSubcoreMesh(core_axis_name="c", subcore_axis_name="s")


@functools.partial(
    pl.kernel,
    out_type=(
        jax.ShapeDtypeStruct((NC, NPAD, HD), jnp.float32),
        jax.ShapeDtypeStruct((NC, NPAD), jnp.float32),
    ),
    mesh=_mesh,
    scratch_types=[
        pltpu.VMEM((ACHUNKS, ACHUNK), jnp.int32),
        pltpu.VMEM((ACHUNKS, ACHUNK), jnp.int32),
        pltpu.VMEM((NODES_PT, HD), jnp.float32),
        pltpu.VMEM((NODES_PT,), jnp.float32),
        pltpu.VMEM((ACHUNK,), jnp.float32),
        pltpu.VMEM((NODES_PT,), jnp.float32),
        pltpu.VMEM_SHARED((NPAD,), jnp.float32),
        pltpu.VMEM_SHARED((NPAD,), jnp.float32),
        pltpu.SemaphoreType.DMA,
        pltpu.SemaphoreType.DMA,
    ],
    compiler_params=pltpu.CompilerParams(
        use_tc_tiling_on_sc=False, needs_layout_passes=False),
)
def _degscale_kernel(xs_hbm, src_hbm, dst_hbm, h_hbm, ideg_hbm,
                     src_v, dst_v, xbuf_v, norm_v, ones_v, zerov_v,
                     odeg_sh, ideg_sh, dsem, xsem):
    c = lax.axis_index("c")
    s = lax.axis_index("s")

    for i in range(ACHUNK // 16):
        ones_v[pl.ds(i * 16, 16)] = jnp.full((16,), 1.0, jnp.float32)

    def zvfill(i, carry):
        zerov_v[pl.ds(i * 16, 16)] = jnp.zeros((16,), jnp.float32)
        return carry
    lax.fori_loop(0, NODES_PT // 16, zvfill, 0)

    pltpu.sync_copy(src_hbm.at[s], src_v)
    pltpu.sync_copy(dst_hbm.at[s], dst_v)
    sl640 = pl.ds(s * NODES_PT, NODES_PT)
    csl = pl.ds(c * HD, HD)
    LAST = (N // NODES_PT) * NODES_PT
    TAIL = N - LAST
    def _xload_full():
        pltpu.async_copy(xs_hbm.at[sl640, csl], xbuf_v, xsem)

    def _xload_tail():
        pltpu.async_copy(xs_hbm.at[pl.ds(LAST, TAIL), csl],
                         xbuf_v.at[pl.ds(0, TAIL)], xsem)

    pl.when(s < NS - 1)(_xload_full)
    pl.when(s == NS - 1)(_xload_tail)
    pltpu.sync_copy(zerov_v, odeg_sh.at[sl640])
    pltpu.sync_copy(zerov_v, ideg_sh.at[sl640])
    plsc.subcore_barrier()

    def dwait(dst_sh):
        pltpu.make_async_copy(ones_v, dst_sh.at[src_v.at[0]], dsem).wait()

    def obody(j, carry):
        for k in range(25):
            pltpu.async_copy(ones_v, odeg_sh.at[src_v.at[25 * j + k]],
                             dsem, add=True)
        for k in range(25):
            dwait(odeg_sh)
        return carry
    lax.fori_loop(0, ACHUNKS // 25, obody, 0)

    ibase = c * (ACHUNKS // 2)

    def ibody(j, carry):
        for k in range(25):
            pltpu.async_copy(ones_v, ideg_sh.at[dst_v.at[ibase + 25 * j + k]],
                             dsem, add=True)
        for k in range(25):
            dwait(ideg_sh)
        return carry
    lax.fori_loop(0, ACHUNKS // 2 // 25, ibody, 0)
    plsc.subcore_barrier()

    pltpu.sync_copy(ideg_sh.at[sl640], ideg_hbm.at[c, sl640])
    pltpu.sync_copy(odeg_sh.at[sl640], norm_v)

    def nbody(i, carry):
        d = jnp.maximum(norm_v[pl.ds(i * 16, 16)], 1.0)
        u = plsc.bitcast(d, jnp.int32)
        magic = jnp.full((16,), 0x5F3759DF, jnp.int32)
        y = plsc.bitcast(
            magic - lax.shift_right_logical(u, jnp.full((16,), 1, jnp.int32)),
            jnp.float32)
        y = y * (1.5 - 0.5 * d * y * y)
        y = y * (1.5 - 0.5 * d * y * y)
        y = y * (1.5 - 0.5 * d * y * y)
        norm_v[pl.ds(i * 16, 16)] = y
        return carry
    lax.fori_loop(0, NODES_PT // 16, nbody, 0)

    def _xwait_full():
        pltpu.make_async_copy(xs_hbm.at[sl640, csl], xbuf_v, xsem).wait()

    def _xwait_tail():
        pltpu.make_async_copy(xs_hbm.at[pl.ds(LAST, TAIL), csl],
                              xbuf_v.at[pl.ds(0, TAIL)], xsem).wait()

    pl.when(s < NS - 1)(_xwait_full)
    pl.when(s == NS - 1)(_xwait_tail)

    def sbody(i, carry):
        splat = plsc.load_gather(norm_v, [jnp.full((16,), i, jnp.int32)])
        for k in range(HD // 16):
            ksl = pl.ds(k * 16, 16)
            xbuf_v[i, ksl] = xbuf_v[i, ksl] * splat
        return carry
    lax.fori_loop(0, NODES_PT, sbody, 0)

    pltpu.sync_copy(xbuf_v, h_hbm.at[c, sl640])


@functools.partial(
    pl.kernel,
    out_type=jax.ShapeDtypeStruct((NC, NPAD, HD), jnp.float32),
    mesh=_mesh,
    scratch_types=[
        pltpu.VMEM((ACHUNKS, ACHUNK), jnp.int32),
        pltpu.VMEM((ACHUNKS, ACHUNK), jnp.int32),
        pltpu.VMEM((ACHUNK, HD), jnp.float32),
        pltpu.VMEM((ACHUNK, HD), jnp.float32),
        pltpu.VMEM((64, HD), jnp.float32),
        pltpu.VMEM_SHARED((NPAD, HD), jnp.float32),
        pltpu.SemaphoreType.DMA,
        pltpu.SemaphoreType.DMA,
    ],
    compiler_params=pltpu.CompilerParams(use_tc_tiling_on_sc=False),
)
def _agg_kernel(h_hbm, src_hbm, dst_hbm, out_hbm,
                src_v, dst_v, rows0_v, rows1_v,
                zeros_v, agg_sh, g0, g1):
    c = lax.axis_index("c")
    s = lax.axis_index("s")
    bufs = (rows0_v, rows1_v)
    gsems = (g0, g1)

    def zfill(r, carry):
        for k in range(HD // 16):
            zeros_v[r, pl.ds(k * 16, 16)] = jnp.zeros((16,), jnp.float32)
        return carry
    lax.fori_loop(0, 64, zfill, 0)
    sl640 = pl.ds(s * NODES_PT, NODES_PT)
    for i in range(NODES_PT // 64):
        pltpu.sync_copy(zeros_v, agg_sh.at[pl.ds(s * NODES_PT + i * 64, 64)])
    pltpu.sync_copy(src_hbm.at[s], src_v)
    pltpu.sync_copy(dst_hbm.at[s], dst_v)
    plsc.subcore_barrier()

    hc = h_hbm.at[c]

    def start_g(jj, b):
        pltpu.async_copy(hc.at[src_v.at[jj]], bufs[b], gsems[b])

    def wait_g(b):
        pltpu.make_async_copy(hc.at[src_v.at[0]], bufs[b], gsems[b]).wait()

    PAIRS = ACHUNKS // 2
    start_g(0, 0)

    def body(j, carry):
        start_g(2 * j + 1, 1)
        wait_g(0)
        pltpu.sync_copy(bufs[0], agg_sh.at[dst_v.at[2 * j]], add=True)
        pl.when(j < PAIRS - 1)(functools.partial(start_g, 2 * j + 2, 0))
        wait_g(1)
        pltpu.sync_copy(bufs[1], agg_sh.at[dst_v.at[2 * j + 1]], add=True)
        return carry
    lax.fori_loop(0, PAIRS, body, 0)
    plsc.subcore_barrier()
    pltpu.sync_copy(agg_sh.at[sl640], out_hbm.at[c, sl640])


def _final_body(p_ref, w_ref, b_ref, pi_ref, o_ref):
    deg = pi_ref[0, :N] + pi_ref[1, :N]
    norm = lax.rsqrt(jnp.maximum(deg, 1.0))
    rst = (jnp.dot(p_ref[0, :N, :], w_ref[:HD, :],
                   preferred_element_type=jnp.float32)
           + jnp.dot(p_ref[1, :N, :], w_ref[HD:, :],
                     preferred_element_type=jnp.float32))
    o_ref[...] = rst * norm[:, None] + b_ref[...][None, :]


_final = pl.pallas_call(
    _final_body,
    out_shape=jax.ShapeDtypeStruct((N, D), jnp.float32),
)


def kernel(x, edge_index, W, b):
    src = edge_index[0].astype(jnp.int32)
    dst = edge_index[1].astype(jnp.int32)
    src3 = src.reshape(NS, ACHUNKS, ACHUNK)
    dst3 = dst.reshape(NS, ACHUNKS, ACHUNK)
    h, indeg_p = _degscale_kernel(x, src3, dst3)
    parts = _agg_kernel(h, src3, dst3)
    return _final(parts, W, b, indeg_p)

# --- scband reference (transcript-rebuilt; emitter-appended) ---
"""Pipeline reference for scband-dist-graph-conv-51032801411439 (READ-ONLY COPY).

The authoritative reference and input builder live on the scoring server;
editing this copy changes nothing except your own understanding.
"""

import jax, jax.numpy as jnp
import numpy as np

N = 10000
E = 320000
D_IN = 128
D_OUT = 128


def setup_inputs(seed: int = 0) -> dict:
    key = jax.random.key(seed)
    k1, k2, k3 = jax.random.split(key, 3)
    x = jax.random.normal(k1, (N, D_IN), dtype=jnp.float32)
    edge_index = jax.random.randint(k2, (2, E), 0, N, dtype=jnp.int64)
    # xavier_uniform init for weight, zeros for bias (as in reset_parameters)
    limit = float(np.sqrt(6.0 / (D_IN + D_OUT)))
    W = jax.random.uniform(k3, (D_IN, D_OUT), minval=-limit, maxval=limit, dtype=jnp.float32)
    b = jnp.zeros((D_OUT,), dtype=jnp.float32)
    return {"x": x, "edge_index": edge_index, "W": W, "b": b}


def reference(x, edge_index, W, b):
    # Single-partition equivalent of DistGraphConv with norm='both':
    #   rst = D_in^{-1/2} A D_out^{-1/2} X W + b
    src = edge_index[0]
    dst = edge_index[1]
    n = x.shape[0]
    ones = jnp.ones((src.shape[0],), dtype=x.dtype)
    # left norm: out-degrees of source nodes, clamp(min=1), pow(-0.5)
    out_deg = jnp.zeros((n,), dtype=x.dtype).at[src].add(ones)
    out_deg = jnp.clip(out_deg, 1.0, None)
    norm_l = jnp.power(out_deg, -0.5)
    h = x * norm_l[:, None]
    # message passing: copy_u + sum aggregation == scatter-add of h[src] into dst
    msgs = jnp.take(h, src, axis=0)
    agg = jnp.zeros((n, h.shape[1]), dtype=x.dtype).at[dst].add(msgs)
    # dist_mm collapses to a plain matmul on one partition
    rst = agg @ W
    # right norm: in-degrees of destination nodes
    in_deg = jnp.zeros((n,), dtype=x.dtype).at[dst].add(ones)
    in_deg = jnp.clip(in_deg, 1.0, None)
    norm_r = jnp.power(in_deg, -0.5)
    rst = rst * norm_r[:, None]
    # bias (full bias since single partition); activation is None
    rst = rst + b
    return rst

if __name__ == "__main__":
    import jax
    _d = setup_inputs()
    print(jax.jit(kernel)(*tuple(_d.values())))

</pallas_src>

<mosaic_0001>
#map = affine_map<(d0, d1) -> (0, 0)>
#map1 = affine_map<(d0, d1) -> (0, 0, 0)>
module attributes {stable_mosaic.version = 14 : i64} {
  func.func @_degscale_kernel(%arg0: i32, %arg1: i32, %arg2: memref<10000x128xf32, #tpu.memory_space<hbm>>, %arg3: memref<16x250x80xi32, #tpu.memory_space<hbm>>, %arg4: memref<16x250x80xi32, #tpu.memory_space<hbm>>, %arg5: memref<2x10240x64xf32, #tpu.memory_space<hbm>>, %arg6: memref<2x10240xf32, #tpu.memory_space<hbm>>, %arg7: memref<250x80xi32, #tpu.memory_space<vmem>>, %arg8: memref<250x80xi32, #tpu.memory_space<vmem>>, %arg9: memref<640x64xf32, #tpu.memory_space<vmem>>, %arg10: memref<640xf32, #tpu.memory_space<vmem>>, %arg11: memref<80xf32, #tpu.memory_space<vmem>>, %arg12: memref<640xf32, #tpu.memory_space<vmem>>, %arg13: memref<10240xf32, #tpu.memory_space<vmem_shared>>, %arg14: memref<10240xf32, #tpu.memory_space<vmem_shared>>, %arg15: memref<!tpu.dma_semaphore, #tpu.memory_space<semaphore_mem>>, %arg16: memref<!tpu.dma_semaphore, #tpu.memory_space<semaphore_mem>>) attributes {dimension_semantics = [#tpu.dimension_semantics<core_parallel>, #tpu.dimension_semantics<subcore_parallel>], iteration_bounds = array<i64: 2, 16>, scalar_prefetch = 0 : i64, scratch_operands = 10 : i64, tpu.core_type = #tpu.core_type<sc_vector_subcore>, window_params = [{transform_indices = #map}, {transform_indices = #map1}, {transform_indices = #map1}, {transform_indices = #map1}, {transform_indices = #map}]} {
    %broadcast_in_dim3A = arith.constant 1.000000e+00 : f32
    %broadcast_in_dim3A_0 = vector.broadcast %broadcast_in_dim3A : f32 to vector<16xf32>
    %swap3A = arith.constant 0 : index
    %swap3A_1 = tpu.vector_load %arg11[%swap3A] {strides = array<i32>} : memref<80xf32, #tpu.memory_space<vmem>>, vector<16xf32>,
    tpu.vector_store %arg11[%swap3A], %broadcast_in_dim3A_0 {strides = array<i32>} : memref<80xf32, #tpu.memory_space<vmem>>, vector<16xf32>,
    %broadcast_in_dim3A_2 = arith.constant 1.000000e+00 : f32
    %broadcast_in_dim3A_3 = vector.broadcast %broadcast_in_dim3A_2 : f32 to vector<16xf32>
    %swap3A_4 = arith.constant 16 : index
    %swap3A_5 = tpu.vector_load %arg11[%swap3A_4] {strides = array<i32>} : memref<80xf32, #tpu.memory_space<vmem>>, vector<16xf32>,
    tpu.vector_store %arg11[%swap3A_4], %broadcast_in_dim3A_3 {strides = array<i32>} : memref<80xf32, #tpu.memory_space<vmem>>, vector<16xf32>,
    %broadcast_in_dim3A_6 = arith.constant 1.000000e+00 : f32
    %broadcast_in_dim3A_7 = vector.broadcast %broadcast_in_dim3A_6 : f32 to vector<16xf32>
    %swap3A_8 = arith.constant 32 : index
    %swap3A_9 = tpu.vector_load %arg11[%swap3A_8] {strides = array<i32>} : memref<80xf32, #tpu.memory_space<vmem>>, vector<16xf32>,
    tpu.vector_store %arg11[%swap3A_8], %broadcast_in_dim3A_7 {strides = array<i32>} : memref<80xf32, #tpu.memory_space<vmem>>, vector<16xf32>,
    %broadcast_in_dim3A_10 = arith.constant 1.000000e+00 : f32
    %broadcast_in_dim3A_11 = vector.broadcast %broadcast_in_dim3A_10 : f32 to vector<16xf32>
    %swap3A_12 = arith.constant 48 : index
    %swap3A_13 = tpu.vector_load %arg11[%swap3A_12] {strides = array<i32>} : memref<80xf32, #tpu.memory_space<vmem>>, vector<16xf32>,
    tpu.vector_store %arg11[%swap3A_12], %broadcast_in_dim3A_11 {strides = array<i32>} : memref<80xf32, #tpu.memory_space<vmem>>, vector<16xf32>,
    %broadcast_in_dim3A_14 = arith.constant 1.000000e+00 : f32
    %broadcast_in_dim3A_15 = vector.broadcast %broadcast_in_dim3A_14 : f32 to vector<16xf32>
    %swap3A_16 = arith.constant 64 : index
    %swap3A_17 = tpu.vector_load %arg11[%swap3A_16] {strides = array<i32>} : memref<80xf32, #tpu.memory_space<vmem>>, vector<16xf32>,
    tpu.vector_store %arg11[%swap3A_16], %broadcast_in_dim3A_15 {strides = array<i32>} : memref<80xf32, #tpu.memory_space<vmem>>, vector<16xf32>,
    %scan3A = arith.constant 0 : i32
    %scan3A_18 = arith.constant 0 : i32
    %scan3A_19 = arith.constant 40 : i32
    %scan3A_20 = arith.addi %scan3A_18, %scan3A_19 : i32
    %scan3A_21 = arith.constant 1 : i32
    scf.for %scan3A_69 = %scan3A_18 to %scan3A_20 step %scan3A_21  : i32 {
      %broadcast_in_dim3A_70 = arith.constant 0.000000e+00 : f32
      %broadcast_in_dim3A_71 = vector.broadcast %broadcast_in_dim3A_70 : f32 to vector<16xf32>
      %mul3A_72 = arith.constant 16 : i32
      %mul3A_73 = arith.muli %scan3A_69, %mul3A_72 : i32
      %swap3A_74 = arith.index_cast %mul3A_73 : i32 to index
      %swap3A_75 = tpu.vector_load %arg12[%swap3A_74] {strides = array<i32>} : memref<640xf32, #tpu.memory_space<vmem>>, vector<16xf32>,
      tpu.vector_store %arg12[%swap3A_74], %broadcast_in_dim3A_71 {strides = array<i32>} : memref<640xf32, #tpu.memory_space<vmem>>, vector<16xf32>,
    }
    %scan3A_22 = arith.constant 40 : i32
    "tpu.region"() ({
      %run_scoped3A = tpu.sem_alloc : memref<!tpu.dma_semaphore, #tpu.memory_space<semaphore_mem>>
      %dma_start3A = arith.constant 0 : i32
      %dma_start3A_69 = arith.constant 0 : i32
      %dma_start3A_70 = tpu.memref_slice %arg3[%arg1, %dma_start3A, %dma_start3A_69] : memref<16x250x80xi32, #tpu.memory_space<hbm>> -> memref<1x250x80xi32, #tpu.memory_space<hbm>>
      %dma_start3A_71 = tpu.memref_squeeze %dma_start3A_70 : memref<1x250x80xi32, #tpu.memory_space<hbm>> -> memref<250x80xi32, #tpu.memory_space<hbm>>
      %dma_start3A_72 = arith.constant 0 : i32
      %dma_start3A_73 = arith.constant 0 : i32
      %dma_start3A_74 = tpu.memref_slice %arg3[%arg1, %dma_start3A_72, %dma_start3A_73] : memref<16x250x80xi32, #tpu.memory_space<hbm>> -> memref<1x250x80xi32, #tpu.memory_space<hbm>>
      %dma_start3A_75 = tpu.memref_squeeze %dma_start3A_74 : memref<1x250x80xi32, #tpu.memory_space<hbm>> -> memref<250x80xi32, #tpu.memory_space<hbm>>
      tpu.enqueue_dma source(%dma_start3A_75 : memref<250x80xi32, #tpu.memory_space<hbm>>) target(%arg7 : memref<250x80xi32, #tpu.memory_space<vmem>>) target_semaphore(%run_scoped3A : memref<!tpu.dma_semaphore, #tpu.memory_space<semaphore_mem>>)
      %dma_wait3A = arith.constant 0 : i32
      %dma_wait3A_76 = arith.constant 0 : i32
      %dma_wait3A_77 = tpu.memref_slice %arg3[%arg1, %dma_wait3A, %dma_wait3A_76] : memref<16x250x80xi32, #tpu.memory_space<hbm>> -> memref<1x250x80xi32, #tpu.memory_space<hbm>>
      %dma_wait3A_78 = tpu.memref_squeeze %dma_wait3A_77 : memref<1x250x80xi32, #tpu.memory_space<hbm>> -> memref<250x80xi32, #tpu.memory_space<hbm>>
      %dma_wait3A_79 = arith.constant 0 : i32
      %dma_wait3A_80 = arith.constant 0 : i32
      %dma_wait3A_81 = tpu.memref_slice %arg3[%arg1, %dma_wait3A_79, %dma_wait3A_80] : memref<16x250x80xi32, #tpu.memory_space<hbm>> -> memref<1x250x80xi32, #tpu.memory_space<hbm>>
      %dma_wait3A_82 = tpu.memref_squeeze %dma_wait3A_81 : memref<1x250x80xi32, #tpu.memory_space<hbm>> -> memref<250x80xi32, #tpu.memory_space<hbm>>
      tpu.wait_dma2 semaphore(%run_scoped3A : memref<!tpu.dma_semaphore, #tpu.memory_space<semaphore_mem>>) src(%dma_wait3A_82 : memref<250x80xi32, #tpu.memory_space<hbm>>) dst(%arg7 : memref<250x80xi32, #tpu.memory_space<vmem>>)
      tpu.yield
    }) : () -> ()
    "tpu.region"() ({
      %run_scoped3A = tpu.sem_alloc : memref<!tpu.dma_semaphore, #tpu.memory_space<semaphore_mem>>
      %dma_start3A = arith.constant 0 : i32
      %dma_start3A_69 = arith.constant 0 : i32
      %dma_start3A_70 = tpu.memref_slice %arg4[%arg1, %dma_start3A, %dma_start3A_69] : memref<16x250x80xi32, #tpu.memory_space<hbm>> -> memref<1x250x80xi32, #tpu.memory_space<hbm>>
      %dma_start3A_71 = tpu.memref_squeeze %dma_start3A_70 : memref<1x250x80xi32, #tpu.memory_space<hbm>> -> memref<250x80xi32, #tpu.memory_space<hbm>>
      %dma_start3A_72 = arith.constant 0 : i32
      %dma_start3A_73 = arith.constant 0 : i32
      %dma_start3A_74 = tpu.memref_slice %arg4[%arg1, %dma_start3A_72, %dma_start3A_73] : memref<16x250x80xi32, #tpu.memory_space<hbm>> -> memref<1x250x80xi32, #tpu.memory_space<hbm>>
      %dma_start3A_75 = tpu.memref_squeeze %dma_start3A_74 : memref<1x250x80xi32, #tpu.memory_space<hbm>> -> memref<250x80xi32, #tpu.memory_space<hbm>>
      tpu.enqueue_dma source(%dma_start3A_75 : memref<250x80xi32, #tpu.memory_space<hbm>>) target(%arg8 : memref<250x80xi32, #tpu.memory_space<vmem>>) target_semaphore(%run_scoped3A : memref<!tpu.dma_semaphore, #tpu.memory_space<semaphore_mem>>)
      %dma_wait3A = arith.constant 0 : i32
      %dma_wait3A_76 = arith.constant 0 : i32
      %dma_wait3A_77 = tpu.memref_slice %arg4[%arg1, %dma_wait3A, %dma_wait3A_76] : memref<16x250x80xi32, #tpu.memory_space<hbm>> -> memref<1x250x80xi32, #tpu.memory_space<hbm>>
      %dma_wait3A_78 = tpu.memref_squeeze %dma_wait3A_77 : memref<1x250x80xi32, #tpu.memory_space<hbm>> -> memref<250x80xi32, #tpu.memory_space<hbm>>
      %dma_wait3A_79 = arith.constant 0 : i32
      %dma_wait3A_80 = arith.constant 0 : i32
      %dma_wait3A_81 = tpu.memref_slice %arg4[%arg1, %dma_wait3A_79, %dma_wait3A_80] : memref<16x250x80xi32, #tpu.memory_space<hbm>> -> memref<1x250x80xi32, #tpu.memory_space<hbm>>
      %dma_wait3A_82 = tpu.memref_squeeze %dma_wait3A_81 : memref<1x250x80xi32, #tpu.memory_space<hbm>> -> memref<250x80xi32, #tpu.memory_space<hbm>>
      tpu.wait_dma2 semaphore(%run_scoped3A : memref<!tpu.dma_semaphore, #tpu.memory_space<semaphore_mem>>) src(%dma_wait3A_82 : memref<250x80xi32, #tpu.memory_space<hbm>>) dst(%arg8 : memref<250x80xi32, #tpu.memory_space<vmem>>)
      tpu.yield
    }) : () -> ()
    %mul3A = arith.constant 640 : i32
    %mul3A_23 = arith.muli %arg1, %mul3A : i32
    %mul3A_24 = arith.constant 64 : i32
    %mul3A_25 = arith.muli %arg0, %mul3A_24 : i32
    %lt3A = arith.constant 15 : i32
    %lt3A_26 = arith.cmpi slt, %arg1, %lt3A : i32
    %convert_element_type3A = arith.extui %lt3A_26 : i1 to i32
    %cond3A = arith.constant 0 : i32
    %cond3A_27 = arith.cmpi ne, %convert_element_type3A, %cond3A : i32
    scf.if %cond3A_27 {
      %dma_start3A = tpu.memref_slice %arg2[%mul3A_23, %mul3A_25] : memref<10000x128xf32, #tpu.memory_space<hbm>> -> memref<640x64xf32, #tpu.memory_space<hbm>>
      %dma_start3A_69 = tpu.memref_slice %arg2[%mul3A_23, %mul3A_25] : memref<10000x128xf32, #tpu.memory_space<hbm>> -> memref<640x64xf32, #tpu.memory_space<hbm>>
      tpu.enqueue_dma source(%dma_start3A_69 : memref<640x64xf32, #tpu.memory_space<hbm>>) target(%arg9 : memref<640x64xf32, #tpu.memory_space<vmem>>) target_semaphore(%arg16 : memref<!tpu.dma_semaphore, #tpu.memory_space<semaphore_mem>>)
    } else {
    }
    %eq3A = arith.constant 15 : i32
    %eq3A_28 = arith.cmpi eq, %arg1, %eq3A : i32
    %convert_element_type3A_29 = arith.extui %eq3A_28 : i1 to i32
    %cond3A_30 = arith.constant 0 : i32
    %cond3A_31 = arith.cmpi ne, %convert_element_type3A_29, %cond3A_30 : i32
    scf.if %cond3A_31 {
      %dma_start3A = arith.constant 0 : i32
      %dma_start3A_69 = arith.constant 0 : i32
      %dma_start3A_70 = tpu.memref_slice %arg9[%dma_start3A, %dma_start3A_69] : memref<640x64xf32, #tpu.memory_space<vmem>> -> memref<400x64xf32, #tpu.memory_space<vmem>>
      %dma_start3A_71 = arith.constant 9600 : i32
      %dma_start3A_72 = tpu.memref_slice %arg2[%dma_start3A_71, %mul3A_25] : memref<10000x128xf32, #tpu.memory_space<hbm>> -> memref<400x64xf32, #tpu.memory_space<hbm>>
      %dma_start3A_73 = arith.constant 0 : i32
      %dma_start3A_74 = arith.constant 0 : i32
      %dma_start3A_75 = tpu.memref_slice %arg9[%dma_start3A_73, %dma_start3A_74] : memref<640x64xf32, #tpu.memory_space<vmem>> -> memref<400x64xf32, #tpu.memory_space<vmem>>
      %dma_start3A_76 = arith.constant 9600 : i32
      %dma_start3A_77 = tpu.memref_slice %arg2[%dma_start3A_76, %mul3A_25] : memref<10000x128xf32, #tpu.memory_space<hbm>> -> memref<400x64xf32, #tpu.memory_space<hbm>>
      tpu.enqueue_dma source(%dma_start3A_77 : memref<400x64xf32, #tpu.memory_space<hbm>>) target(%dma_start3A_75 : memref<400x64xf32, #tpu.memory_space<vmem>>) target_semaphore(%arg16 : memref<!tpu.dma_semaphore, #tpu.memory_space<semaphore_mem>>)
    } else {
    }
    "tpu.region"() ({
      %run_scoped3A = tpu.sem_alloc : memref<!tpu.dma_semaphore, #tpu.memory_space<semaphore_mem>>
      %dma_start3A = tpu.memref_slice %arg13[%mul3A_23] : memref<10240xf32, #tpu.memory_space<vmem_shared>> -> memref<640xf32, #tpu.memory_space<vmem_shared>>
      %dma_start3A_69 = tpu.memref_slice %arg13[%mul3A_23] : memref<10240xf32, #tpu.memory_space<vmem_shared>> -> memref<640xf32, #tpu.memory_space<vmem_shared>>
      tpu.enqueue_dma source(%arg12 : memref<640xf32, #tpu.memory_space<vmem>>) target(%dma_start3A_69 : memref<640xf32, #tpu.memory_space<vmem_shared>>) target_semaphore(%run_scoped3A : memref<!tpu.dma_semaphore, #tpu.memory_space<semaphore_mem>>)
      %dma_wait3A = tpu.memref_slice %arg13[%mul3A_23] : memref<10240xf32, #tpu.memory_space<vmem_shared>> -> memref<640xf32, #tpu.memory_space<vmem_shared>>
      %dma_wait3A_70 = tpu.memref_slice %arg13[%mul3A_23] : memref<10240xf32, #tpu.memory_space<vmem_shared>> -> memref<640xf32, #tpu.memory_space<vmem_shared>>
      tpu.wait_dma2 semaphore(%run_scoped3A : memref<!tpu.dma_semaphore, #tpu.memory_space<semaphore_mem>>) src(%arg12 : memref<640xf32, #tpu.memory_space<vmem>>) dst(%dma_wait3A_70 : memref<640xf32, #tpu.memory_space<vmem_shared>>)
      tpu.yield
    }) : () -> ()
    "tpu.region"() ({
      %run_scoped3A = tpu.sem_alloc : memref<!tpu.dma_semaphore, #tpu.memory_space<semaphore_mem>>
      %dma_start3A = tpu.memref_slice %arg14[%mul3A_23] : memref<10240xf32, #tpu.memory_space<vmem_shared>> -> memref<640xf32, #tpu.memory_space<vmem_shared>>
      %dma_start3A_69 = tpu.memref_slice %arg14[%mul3A_23] : memref<10240xf32, #tpu.memory_space<vmem_shared>> -> memref<640xf32, #tpu.memory_space<vmem_shared>>
      tpu.enqueue_dma source(%arg12 : memref<640xf32, #tpu.memory_space<vmem>>) target(%dma_start3A_69 : memref<640xf32, #tpu.memory_space<vmem_shared>>) target_semaphore(%run_scoped3A : memref<!tpu.dma_semaphore, #tpu.memory_space<semaphore_mem>>)
      %dma_wait3A = tpu.memref_slice %arg14[%mul3A_23] : memref<10240xf32, #tpu.memory_space<vmem_shared>> -> memref<640xf32, #tpu.memory_space<vmem_shared>>
      %dma_wait3A_70 = tpu.memref_slice %arg14[%mul3A_23] : memref<10240xf32, #tpu.memory_space<vmem_shared>> -> memref<640xf32, #tpu.memory_space<vmem_shared>>
      tpu.wait_dma2 semaphore(%run_scoped3A : memref<!tpu.dma_semaphore, #tpu.memory_space<semaphore_mem>>) src(%arg12 : memref<640xf32, #tpu.memory_space<vmem>>) dst(%dma_wait3A_70 : memref<640xf32, #tpu.memory_space<vmem_shared>>)
      tpu.yield
    }) : () -> ()
    %barrier3A = arith.constant 0 : index
    tpu.barrier barrier_id(%barrier3A)
    %scan3A_32 = arith.constant 0 : i32
    %scan3A_33 = arith.constant 0 : i32
    %scan3A_34 = arith.constant 10 : i32
    %scan3A_35 = arith.addi %scan3A_33, %scan3A_34 : i32
    %scan3A_36 = arith.constant 1 : i32
    scf.for %scan3A_69 = %scan3A_33 to %scan3A_35 step %scan3A_36  : i32 {
      %mul3A_70 = arith.constant 25 : i32
      %mul3A_71 = arith.muli %mul3A_70, %scan3A_69 : i32
      %add3A = arith.constant 0 : i32
      %add3A_72 = arith.addi %mul3A_71, %add3A : i32
      %dma_start3A = arith.constant 0 : i32
      %dma_start3A_73 = tpu.memref_slice %arg7[%add3A_72, %dma_start3A] : memref<250x80xi32, #tpu.memory_space<vmem>> -> memref<1x80xi32, #tpu.memory_space<vmem>>
      %dma_start3A_74 = tpu.memref_squeeze %dma_start3A_73 : memref<1x80xi32, #tpu.memory_space<vmem>> -> memref<80xi32, #tpu.memory_space<vmem>>
      %dma_start3A_75 = arith.constant 0 : i32
      %dma_start3A_76 = tpu.memref_slice %arg13[%dma_start3A_75] : memref<10240xf32, #tpu.memory_space<vmem_shared>> -> memref<10240xf32, #tpu.memory_space<vmem_shared>>
      tpu.enqueue_indirect_dma source(%arg11 : memref<80xf32, #tpu.memory_space<vmem>>) target(%dma_start3A_76 : memref<10240xf32, #tpu.memory_space<vmem_shared>>) offsets(%dma_start3A_74 : memref<80xi32, #tpu.memory_space<vmem>>) semaphore(%arg15 : memref<!tpu.dma_semaphore, #tpu.memory_space<semaphore_mem>>) {add = true}
      %mul3A_77 = arith.constant 25 : i32
      %mul3A_78 = arith.muli %mul3A_77, %scan3A_69 : i32
      %add3A_79 = arith.constant 1 : i32
      %add3A_80 = arith.addi %mul3A_78, %add3A_79 : i32
      %dma_start3A_81 = arith.constant 0 : i32
      %dma_start3A_82 = tpu.memref_slice %arg7[%add3A_80, %dma_start3A_81] : memref<250x80xi32, #tpu.memory_space<vmem>> -> memref<1x80xi32, #tpu.memory_space<vmem>>
      %dma_start3A_83 = tpu.memref_squeeze %dma_start3A_82 : memref<1x80xi32, #tpu.memory_space<vmem>> -> memref<80xi32, #tpu.memory_space<vmem>>
      %dma_start3A_84 = arith.constant 0 : i32
      %dma_start3A_85 = tpu.memref_slice %arg13[%dma_start3A_84] : memref<10240xf32, #tpu.memory_space<vmem_shared>> -> memref<10240xf32, #tpu.memory_space<vmem_shared>>
      tpu.enqueue_indirect_dma source(%arg11 : memref<80xf32, #tpu.memory_space<vmem>>) target(%dma_start3A_85 : memref<10240xf32, #tpu.memory_space<vmem_shared>>) offsets(%dma_start3A_83 : memref<80xi32, #tpu.memory_space<vmem>>) semaphore(%arg15 : memref<!tpu.dma_semaphore, #tpu.memory_space<semaphore_mem>>) {add = true}
      %mul3A_86 = arith.constant 25 : i32
      %mul3A_87 = arith.muli %mul3A_86, %scan3A_69 : i32
      %add3A_88 = arith.constant 2 : i32
      %add3A_89 = arith.addi %mul3A_87, %add3A_88 : i32
      %dma_start3A_90 = arith.constant 0 : i32
      %dma_start3A_91 = tpu.memref_slice %arg7[%add3A_89, %dma_start3A_90] : memref<250x80xi32, #tpu.memory_space<vmem>> -> memref<1x80xi32, #tpu.memory_space<vmem>>
      %dma_start3A_92 = tpu.memref_squeeze %dma_start3A_91 : memref<1x80xi32, #tpu.memory_space<vmem>> -> memref<80xi32, #tpu.memory_space<vmem>>
      %dma_start3A_93 = arith.constant 0 : i32
      %dma_start3A_94 = tpu.memref_slice %arg13[%dma_start3A_93] : memref<10240xf32, #tpu.memory_space<vmem_shared>> -> memref<10240xf32, #tpu.memory_space<vmem_shared>>
      tpu.enqueue_indirect_dma source(%arg11 : memref<80xf32, #tpu.memory_space<vmem>>) target(%dma_start3A_94 : memref<10240xf32, #tpu.memory_space<vmem_shared>>) offsets(%dma_start3A_92 : memref<80xi32, #tpu.memory_space<vmem>>) semaphore(%arg15 : memref<!tpu.dma_semaphore, #tpu.memory_space<semaphore_mem>>) {add = true}
      %mul3A_95 = arith.constant 25 : i32
      %mul3A_96 = arith.muli %mul3A_95, %scan3A_69 : i32
      %add3A_97 = arith.constant 3 : i32
      %add3A_98 = arith.addi %mul3A_96, %add3A_97 : i32
      %dma_start3A_99 = arith.constant 0 : i32
      %dma_start3A_100 = tpu.memref_slice %arg7[%add3A_98, %dma_start3A_99] : memref<250x80xi32, #tpu.memory_space<vmem>> -> memref<1x80xi32, #tpu.memory_space<vmem>>
      %dma_start3A_101 = tpu.memref_squeeze %dma_start3A_100 : memref<1x80xi32, #tpu.memory_space<vmem>> -> memref<80xi32, #tpu.memory_space<vmem>>
      %dma_start3A_102 = arith.constant 0 : i32
      %dma_start3A_103 = tpu.memref_slice %arg13[%dma_start3A_102] : memref<10240xf32, #tpu.memory_space<vmem_shared>> -> memref<10240xf32, #tpu.memory_space<vmem_shared>>
      tpu.enqueue_indirect_dma source(%arg11 : memref<80xf32, #tpu.memory_space<vmem>>) target(%dma_start3A_103 : memref<10240xf32, #tpu.memory_space<vmem_shared>>) offsets(%dma_start3A_101 : memref<80xi32, #tpu.memory_space<vmem>>) semaphore(%arg15 : memref<!tpu.dma_semaphore, #tpu.memory_space<semaphore_mem>>) {add = true}
      %mul3A_104 = arith.constant 25 : i32
      %mul3A_105 = arith.muli %mul3A_104, %scan3A_69 : i32
      %add3A_106 = arith.constant 4 : i32
      %add3A_107 = arith.addi %mul3A_105, %add3A_106 : i32
      %dma_start3A_108 = arith.constant 0 : i32
      %dma_start3A_109 = tpu.memref_slice %arg7[%add3A_107, %dma_start3A_108] : memref<250x80xi32, #tpu.memory_space<vmem>> -> memref<1x80xi32, #tpu.memory_space<vmem>>
      %dma_start3A_110 = tpu.memref_squeeze %dma_start3A_109 : memref<1x80xi32, #tpu.memory_space<vmem>> -> memref<80xi32, #tpu.memory_space<vmem>>
      %dma_start3A_111 = arith.constant 0 : i32
      %dma_start3A_112 = tpu.memref_slice %arg13[%dma_start3A_111] : memref<10240xf32, #tpu.memory_space<vmem_shared>> -> memref<10240xf32, #tpu.memory_space<vmem_shared>>
      tpu.enqueue_indirect_dma source(%arg11 : memref<80xf32, #tpu.memory_space<vmem>>) target(%dma_start3A_112 : memref<10240xf32, #tpu.memory_space<vmem_shared>>) offsets(%dma_start3A_110 : memref<80xi32, #tpu.memory_space<vmem>>) semaphore(%arg15 : memref<!tpu.dma_semaphore, #tpu.memory_space<semaphore_mem>>) {add = true}
      %mul3A_113 = arith.constant 25 : i32
      %mul3A_114 = arith.muli %mul3A_113, %scan3A_69 : i32
      %add3A_115 = arith.constant 5 : i32
      %add3A_116 = arith.addi %mul3A_114, %add3A_115 : i32
      %dma_start3A_117 = arith.constant 0 : i32
      %dma_start3A_118 = tpu.memref_slice %arg7[%add3A_116, %dma_start3A_117] : memref<250x80xi32, #tpu.memory_space<vmem>> -> memref<1x80xi32, #tpu.memory_space<vmem>>
      %dma_start3A_119 = tpu.memref_squeeze %dma_start3A_118 : memref<1x80xi32, #tpu.memory_space<vmem>> -> memref<80xi32, #tpu.memory_space<vmem>>
      %dma_start3A_120 = arith.constant 0 : i32
      %dma_start3A_121 = tpu.memref_slice %arg13[%dma_start3A_120] : memref<10240xf32, #tpu.memory_space<vmem_shared>> -> memref<10240xf32, #tpu.memory_space<vmem_shared>>
      tpu.enqueue_indirect_dma source(%arg11 : memref<80xf32, #tpu.memory_space<vmem>>) target(%dma_start3A_121 : memref<10240xf32, #tpu.memory_space<vmem_shared>>) offsets(%dma_start3A_119 : memref<80xi32, #tpu.memory_space<vmem>>) semaphore(%arg15 : memref<!tpu.dma_semaphore, #tpu.memory_space<semaphore_mem>>) {add = true}
      %mul3A_122 = arith.constant 25 : i32
      %mul3A_123 = arith.muli %mul3A_122, %scan3A_69 : i32
      %add3A_124 = arith.constant 6 : i32
      %add3A_125 = arith.addi %mul3A_123, %add3A_124 : i32
      %dma_start3A_126 = arith.constant 0 : i32
      %dma_start3A_127 = tpu.memref_slice %arg7[%add3A_125, %dma_start3A_126] : memref<250x80xi32, #tpu.memory_space<vmem>> -> memref<1x80xi32, #tpu.memory_space<vmem>>
      %dma_start3A_128 = tpu.memref_squeeze %dma_start3A_127 : memref<1x80xi32, #tpu.memory_space<vmem>> -> memref<80xi32, #tpu.memory_space<vmem>>
      %dma_start3A_129 = arith.constant 0 : i32
      %dma_start3A_130 = tpu.memref_slice %arg13[%dma_start3A_129] : memref<10240xf32, #tpu.memory_space<vmem_shared>> -> memref<10240xf32, #tpu.memory_space<vmem_shared>>
      tpu.enqueue_indirect_dma source(%arg11 : memref<80xf32, #tpu.memory_space<vmem>>) target(%dma_start3A_130 : memref<10240xf32, #tpu.memory_space<vmem_shared>>) offsets(%dma_start3A_128 : memref<80xi32, #tpu.memory_space<vmem>>) semaphore(%arg15 : memref<!tpu.dma_semaphore, #tpu.memory_space<semaphore_mem>>) {add = true}
      %mul3A_131 = arith.constant 25 : i32
      %mul3A_132 = arith.muli %mul3A_131, %scan3A_69 : i32
      %add3A_133 = arith.constant 7 : i32
      %add3A_134 = arith.addi %mul3A_132, %add3A_133 : i32
      %dma_start3A_135 = arith.constant 0 : i32
      %dma_start3A_136 = tpu.memref_slice %arg7[%add3A_134, %dma_start3A_135] : memref<250x80xi32, #tpu.memory_space<vmem>> -> memref<1x80xi32, #tpu.memory_space<vmem>>
      %dma_start3A_137 = tpu.memref_squeeze %dma_start3A_136 : memref<1x80xi32, #tpu.memory_space<vmem>> -> memref<80xi32, #tpu.memory_space<vmem>>
      %dma_start3A_138 = arith.constant 0 : i32
      %dma_start3A_139 = tpu.memref_slice %arg13[%dma_start3A_138] : memref<10240xf32, #tpu.memory_space<vmem_shared>> -> memref<10240xf32, #tpu.memory_space<vmem_shared>>
      tpu.enqueue_indirect_dma source(%arg11 : memref<80xf32, #tpu.memory_space<vmem>>) target(%dma_start3A_139 : memref<10240xf32, #tpu.memory_space<vmem_shared>>) offsets(%dma_start3A_137 : memref<80xi32, #tpu.memory_space<vmem>>) semaphore(%arg15 : memref<!tpu.dma_semaphore, #tpu.memory_space<semaphore_mem>>) {add = true}
      %mul3A_140 = arith.constant 25 : i32
      %mul3A_141 = arith.muli %mul3A_140, %scan3A_69 : i32
      %add3A_142 = arith.constant 8 : i32
      %add3A_143 = arith.addi %mul3A_141, %add3A_142 : i32
      %dma_start3A_144 = arith.constant 0 : i32
      %dma_start3A_145 = tpu.memref_slice %arg7[%add3A_143, %dma_start3A_144] : memref<250x80xi32, #tpu.memory_space<vmem>> -> memref<1x80xi32, #tpu.memory_space<vmem>>
      %dma_start3A_146 = tpu.memref_squeeze %dma_start3A_145 : memref<1x80xi32, #tpu.memory_space<vmem>> -> memref<80xi32, #tpu.memory_space<vmem>>
      %dma_start3A_147 = arith.constant 0 : i32
      %dma_start3A_148 = tpu.memref_slice %arg13[%dma_start3A_147] : memref<10240xf32, #tpu.memory_space<vmem_shared>> -> memref<10240xf32, #tpu.memory_space<vmem_shared>>
      tpu.enqueue_indirect_dma source(%arg11 : memref<80xf32, #tpu.memory_space<vmem>>) target(%dma_start3A_148 : memref<10240xf32, #tpu.memory_space<vmem_shared>>) offsets(%dma_start3A_146 : memref<80xi32, #tpu.memory_space<vmem>>) semaphore(%arg15 : memref<!tpu.dma_semaphore, #tpu.memory_space<semaphore_mem>>) {add = true}
      %mul3A_149 = arith.constant 25 : i32
      %mul3A_150 = arith.muli %mul3A_149, %scan3A_69 : i32
      %add3A_151 = arith.constant 9 : i32
      %add3A_152 = arith.addi %mul3A_150, %add3A_151 : i32
      %dma_start3A_153 = arith.constant 0 : i32
      %dma_start3A_154 = tpu.memref_slice %arg7[%add3A_152, %dma_start3A_153] : memref<250x80xi32, #tpu.memory_space<vmem>> -> memref<1x80xi32, #tpu.memory_space<vmem>>
      %dma_start3A_155 = tpu.memref_squeeze %dma_start3A_154 : memref<1x80xi32, #tpu.memory_space<vmem>> -> memref<80xi32, #tpu.memory_space<vmem>>
      %dma_start3A_156 = arith.constant 0 : i32
      %dma_start3A_157 = tpu.memref_slice %arg13[%dma_start3A_156] : memref<10240xf32, #tpu.memory_space<vmem_shared>> -> memref<10240xf32, #tpu.memory_space<vmem_shared>>
      tpu.enqueue_indirect_dma source(%arg11 : memref<80xf32, #tpu.memory_space<vmem>>) target(%dma_start3A_157 : memref<10240xf32, #tpu.memory_space<vmem_shared>>) offsets(%dma_start3A_155 : memref<80xi32, #tpu.memory_space<vmem>>) semaphore(%arg15 : memref<!tpu.dma_semaphore, #tpu.memory_space<semaphore_mem>>) {add = true}
      %mul3A_158 = arith.constant 25 : i32
      %mul3A_159 = arith.muli %mul3A_158, %scan3A_69 : i32
      %add3A_160 = arith.constant 10 : i32
      %add3A_161 = arith.addi %mul3A_159, %add3A_160 : i32
      %dma_start3A_162 = arith.constant 0 : i32
      %dma_start3A_163 = tpu.memref_slice %arg7[%add3A_161, %dma_start3A_162] : memref<250x80xi32, #tpu.memory_space<vmem>> -> memref<1x80xi32, #tpu.memory_space<vmem>>
      %dma_start3A_164 = tpu.memref_squeeze %dma_start3A_163 : memref<1x80xi32, #tpu.memory_space<vmem>> -> memref<80xi32, #tpu.memory_space<vmem>>
      %dma_start3A_165 = arith.constant 0 : i32
      %dma_start3A_166 = tpu.memref_slice %arg13[%dma_start3A_165] : memref<10240xf32, #tpu.memory_space<vmem_shared>> -> memref<10240xf32, #tpu.memory_space<vmem_shared>>
      tpu.enqueue_indirect_dma source(%arg11 : memref<80xf32, #tpu.memory_space<vmem>>) target(%dma_start3A_166 : memref<10240xf32, #tpu.memory_space<vmem_shared>>) offsets(%dma_start3A_164 : memref<80xi32, #tpu.memory_space<vmem>>) semaphore(%arg15 : memref<!tpu.dma_semaphore, #tpu.memory_space<semaphore_mem>>) {add = true}
      %mul3A_167 = arith.constant 25 : i32
      %mul3A_168 = arith.muli %mul3A_167, %scan3A_69 : i32
      %add3A_169 = arith.constant 11 : i32
      %add3A_170 = arith.addi %mul3A_168, %add3A_169 : i32
      %dma_start3A_171 = arith.constant 0 : i32
      %dma_start3A_172 = tpu.memref_slice %arg7[%add3A_170, %dma_start3A_171] : memref<250x80xi32, #tpu.memory_space<vmem>> -> memref<1x80xi32, #tpu.memory_space<vmem>>
      %dma_start3A_173 = tpu.memref_squeeze %dma_start3A_172 : memref<1x80xi32, #tpu.memory_space<vmem>> -> memref<80xi32, #tpu.memory_space<vmem>>
      %dma_start3A_174 = arith.constant 0 : i32
      %dma_start3A_175 = tpu.memref_slice %arg13[%dma_start3A_174] : memref<10240xf32, #tpu.memory_space<vmem_shared>> -> memref<10240xf32, #tpu.memory_space<vmem_shared>>
      tpu.enqueue_indirect_dma source(%arg11 : memref<80xf32, #tpu.memory_space<vmem>>) target(%dma_start3A_175 : memref<10240xf32, #tpu.memory_space<vmem_shared>>) offsets(%dma_start3A_173 : memref<80xi32, #tpu.memory_space<vmem>>) semaphore(%arg15 : memref<!tpu.dma_semaphore, #tpu.memory_space<semaphore_mem>>) {add = true}
      %mul3A_176 = arith.constant 25 : i32
      %mul3A_177 = arith.muli %mul3A_176, %scan3A_69 : i32
      %add3A_178 = arith.constant 12 : i32
      %add3A_179 = arith.addi %mul3A_177, %add3A_178 : i32
      %dma_start3A_180 = arith.constant 0 : i32
      %dma_start3A_181 = tpu.memref_slice %arg7[%add3A_179, %dma_start3A_180] : memref<250x80xi32, #tpu.memory_space<vmem>> -> memref<1x80xi32, #tpu.memory_space<vmem>>
      %dma_start3A_182 = tpu.memref_squeeze %dma_start3A_181 : memref<1x80xi32, #tpu.memory_space<vmem>> -> memref<80xi32, #tpu.memory_space<vmem>>
      %dma_start3A_183 = arith.constant 0 : i32
      %dma_start3A_184 = tpu.memref_slice %arg13[%dma_start3A_183] : memref<10240xf32, #tpu.memory_space<vmem_shared>> -> memref<10240xf32, #tpu.memory_space<vmem_shared>>
      tpu.enqueue_indirect_dma source(%arg11 : memref<80xf32, #tpu.memory_space<vmem>>) target(%dma_start3A_184 : memref<10240xf32, #tpu.memory_space<vmem_shared>>) offsets(%dma_start3A_182 : memref<80xi32, #tpu.memory_space<vmem>>) semaphore(%arg15 : memref<!tpu.dma_semaphore, #tpu.memory_space<semaphore_mem>>) {add = true}
      %mul3A_185 = arith.constant 25 : i32
      %mul3A_186 = arith.muli %mul3A_185, %scan3A_69 : i32
      %add3A_187 = arith.constant 13 : i32
      %add3A_188 = arith.addi %mul3A_186, %add3A_187 : i32
      %dma_start3A_189 = arith.constant 0 : i32
      %dma_start3A_190 = tpu.memref_slice %arg7[%add3A_188, %dma_start3A_189] : memref<250x80xi32, #tpu.memory_space<vmem>> -> memref<1x80xi32, #tpu.memory_space<vmem>>
      %dma_start3A_191 = tpu.memref_squeeze %dma_start3A_190 : memref<1x80xi32, #tpu.memory_space<vmem>> -> memref<80xi32, #tpu.memory_space<vmem>>
      %dma_start3A_192 = arith.constant 0 : i32
      %dma_start3A_193 = tpu.memref_slice %arg13[%dma_start3A_192] : memref<10240xf32, #tpu.memory_space<vmem_shared>> -> memref<10240xf32, #tpu.memory_space<vmem_shared>>
      tpu.enqueue_indirect_dma source(%arg11 : memref<80xf32, #tpu.memory_space<vmem>>) target(%dma_start3A_193 : memref<10240xf32, #tpu.memory_space<vmem_shared>>) offsets(%dma_start3A_191 : memref<80xi32, #tpu.memory_space<vmem>>) semaphore(%arg15 : memref<!tpu.dma_semaphore, #tpu.memory_space<semaphore_mem>>) {add = true}
      %mul3A_194 = arith.constant 25 : i32
      %mul3A_195 = arith.muli %mul3A_194, %scan3A_69 : i32
      %add3A_196 = arith.constant 14 : i32
      %add3A_197 = arith.addi %mul3A_195, %add3A_196 : i32
      %dma_start3A_198 = arith.constant 0 : i32
      %dma_start3A_199 = tpu.memref_slice %arg7[%add3A_197, %dma_start3A_198] : memref<250x80xi32, #tpu.memory_space<vmem>> -> memref<1x80xi32, #tpu.memory_space<vmem>>
      %dma_start3A_200 = tpu.memref_squeeze %dma_start3A_199 : memref<1x80xi32, #tpu.memory_space<vmem>> -> memref<80xi32, #tpu.memory_space<vmem>>
      %dma_start3A_201 = arith.constant 0 : i32
      %dma_start3A_202 = tpu.memref_slice %arg13[%dma_start3A_201] : memref<10240xf32, #tpu.memory_space<vmem_shared>> -> memref<10240xf32, #tpu.memory_space<vmem_shared>>
      tpu.enqueue_indirect_dma source(%arg11 : memref<80xf32, #tpu.memory_space<vmem>>) target(%dma_start3A_202 : memref<10240xf32, #tpu.memory_space<vmem_shared>>) offsets(%dma_start3A_200 : memref<80xi32, #tpu.memory_space<vmem>>) semaphore(%arg15 : memref<!tpu.dma_semaphore, #tpu.memory_space<semaphore_mem>>) {add = true}
      %mul3A_203 = arith.constant 25 : i32
      %mul3A_204 = arith.muli %mul3A_203, %scan3A_69 : i32
      %add3A_205 = arith.constant 15 : i32
      %add3A_206 = arith.addi %mul3A_204, %add3A_205 : i32
      %dma_start3A_207 = arith.constant 0 : i32
      %dma_start3A_208 = tpu.memref_slice %arg7[%add3A_206, %dma_start3A_207] : memref<250x80xi32, #tpu.memory_space<vmem>> -> memref<1x80xi32, #tpu.memory_space<vmem>>
      %dma_start3A_209 = tpu.memref_squeeze %dma_start3A_208 : memref<1x80xi32, #tpu.memory_space<vmem>> -> memref<80xi32, #tpu.memory_space<vmem>>
      %dma_start3A_210 = arith.constant 0 : i32
      %dma_start3A_211 = tpu.memref_slice %arg13[%dma_start3A_210] : memref<10240xf32, #tpu.memory_space<vmem_shared>> -> memref<10240xf32, #tpu.memory_space<vmem_shared>>
      tpu.enqueue_indirect_dma source(%arg11 : memref<80xf32, #tpu.memory_space<vmem>>) target(%dma_start3A_211 : memref<10240xf32, #tpu.memory_space<vmem_shared>>) offsets(%dma_start3A_209 : memref<80xi32, #tpu.memory_space<vmem>>) semaphore(%arg15 : memref<!tpu.dma_semaphore, #tpu.memory_space<semaphore_mem>>) {add = true}
      %mul3A_212 = arith.constant 25 : i32
      %mul3A_213 = arith.muli %mul3A_212, %scan3A_69 : i32
      %add3A_214 = arith.constant 16 : i32
      %add3A_215 = arith.addi %mul3A_213, %add3A_214 : i32
      %dma_start3A_216 = arith.constant 0 : i32
      %dma_start3A_217 = tpu.memref_slice %arg7[%add3A_215, %dma_start3A_216] : memref<250x80xi32, #tpu.memory_space<vmem>> -> memref<1x80xi32, #tpu.memory_space<vmem>>
      %dma_start3A_218 = tpu.memref_squeeze %dma_start3A_217 : memref<1x80xi32, #tpu.memory_space<vmem>> -> memref<80xi32, #tpu.memory_space<vmem>>
      %dma_start3A_219 = arith.constant 0 : i32
      %dma_start3A_220 = tpu.memref_slice %arg13[%dma_start3A_219] : memref<10240xf32, #tpu.memory_space<vmem_shared>> -> memref<10240xf32, #tpu.memory_space<vmem_shared>>
      tpu.enqueue_indirect_dma source(%arg11 : memref<80xf32, #tpu.memory_space<vmem>>) target(%dma_start3A_220 : memref<10240xf32, #tpu.memory_space<vmem_shared>>) offsets(%dma_start3A_218 : memref<80xi32, #tpu.memory_space<vmem>>) semaphore(%arg15 : memref<!tpu.dma_semaphore, #tpu.memory_space<semaphore_mem>>) {add = true}
      %mul3A_221 = arith.constant 25 : i32
      %mul3A_222 = arith.muli %mul3A_221, %scan3A_69 : i32
      %add3A_223 = arith.constant 17 : i32
      %add3A_224 = arith.addi %mul3A_222, %add3A_223 : i32
      %dma_start3A_225 = arith.constant 0 : i32
      %dma_start3A_226 = tpu.memref_slice %arg7[%add3A_224, %dma_start3A_225] : memref<250x80xi32, #tpu.memory_space<vmem>> -> memref<1x80xi32, #tpu.memory_space<vmem>>
      %dma_start3A_227 = tpu.memref_squeeze %dma_start3A_226 : memref<1x80xi32, #tpu.memory_space<vmem>> -> memref<80xi32, #tpu.memory_space<vmem>>
      %dma_start3A_228 = arith.constant 0 : i32
      %dma_start3A_229 = tpu.memref_slice %arg13[%dma_start3A_228] : memref<10240xf32, #tpu.memory_space<vmem_shared>> -> memref<10240xf32, #tpu.memory_space<vmem_shared>>
      tpu.enqueue_indirect_dma source(%arg11 : memref<80xf32, #tpu.memory_space<vmem>>) target(%dma_start3A_229 : memref<10240xf32, #tpu.memory_space<vmem_shared>>) offsets(%dma_start3A_227 : memref<80xi32, #tpu.memory_space<vmem>>) semaphore(%arg15 : memref<!tpu.dma_semaphore, #tpu.memory_space<semaphore_mem>>) {add = true}
      %mul3A_230 = arith.constant 25 : i32
      %mul3A_231 = arith.muli %mul3A_230, %scan3A_69 : i32
      %add3A_232 = arith.constant 18 : i32
      %add3A_233 = arith.addi %mul3A_231, %add3A_232 : i32
      %dma_start3A_234 = arith.constant 0 : i32
      %dma_start3A_235 = tpu.memref_slice %arg7[%add3A_233, %dma_start3A_234] : memref<250x80xi32, #tpu.memory_space<vmem>> -> memref<1x80xi32, #tpu.memory_space<vmem>>
      %dma_start3A_236 = tpu.memref_squeeze %dma_start3A_235 : memref<1x80xi32, #tpu.memory_space<vmem>> -> memref<80xi32, #tpu.memory_space<vmem>>
      %dma_start3A_237 = arith.constant 0 : i32
      %dma_start3A_238 = tpu.memref_slice %arg13[%dma_start3A_237] : memref<10240xf32, #tpu.memory_space<vmem_shared>> -> memref<10240xf32, #tpu.memory_space<vmem_shared>>
      tpu.enqueue_indirect_dma source(%arg11 : memref<80xf32, #tpu.memory_space<vmem>>) target(%dma_start3A_238 : memref<10240xf32, #tpu.memory_space<vmem_shared>>) offsets(%dma_start3A_236 : memref<80xi32, #tpu.memory_space<vmem>>) semaphore(%arg15 : memref<!tpu.dma_semaphore, #tpu.memory_space<semaphore_mem>>) {add = true}
      %mul3A_239 = arith.constant 25 : i32
      %mul3A_240 = arith.muli %mul3A_239, %scan3A_69 : i32
      %add3A_241 = arith.constant 19 : i32
      %add3A_242 = arith.addi %mul3A_240, %add3A_241 : i32
      %dma_start3A_243 = arith.constant 0 : i32
      %dma_start3A_244 = tpu.memref_slice %arg7[%add3A_242, %dma_start3A_243] : memref<250x80xi32, #tpu.memory_space<vmem>> -> memref<1x80xi32, #tpu.memory_space<vmem>>
      %dma_start3A_245 = tpu.memref_squeeze %dma_start3A_244 : memref<1x80xi32, #tpu.memory_space<vmem>> -> memref<80xi32, #tpu.memory_space<vmem>>
      %dma_start3A_246 = arith.constant 0 : i32
      %dma_start3A_247 = tpu.memref_slice %arg13[%dma_start3A_246] : memref<10240xf32, #tpu.memory_space<vmem_shared>> -> memref<10240xf32, #tpu.memory_space<vmem_shared>>
      tpu.enqueue_indirect_dma source(%arg11 : memref<80xf32, #tpu.memory_space<vmem>>) target(%dma_start3A_247 : memref<10240xf32, #tpu.memory_space<vmem_shared>>) offsets(%dma_start3A_245 : memref<80xi32, #tpu.memory_space<vmem>>) semaphore(%arg15 : memref<!tpu.dma_semaphore, #tpu.memory_space<semaphore_mem>>) {add = true}
      %mul3A_248 = arith.constant 25 : i32
      %mul3A_249 = arith.muli %mul3A_248, %scan3A_69 : i32
      %add3A_250 = arith.constant 20 : i32
      %add3A_251 = arith.addi %mul3A_249, %add3A_250 : i32
      %dma_start3A_252 = arith.constant 0 : i32
      %dma_start3A_253 = tpu.memref_slice %arg7[%add3A_251, %dma_start3A_252] : memref<250x80xi32, #tpu.memory_space<vmem>> -> memref<1x80xi32, #tpu.memory_space<vmem>>
      %dma_start3A_254 = tpu.memref_squeeze %dma_start3A_253 : memref<1x80xi32, #tpu.memory_space<vmem>> -> memref<80xi32, #tpu.memory_space<vmem>>
      %dma_start3A_255 = arith.constant 0 : i32
      %dma_start3A_256 = tpu.memref_slice %arg13[%dma_start3A_255] : memref<10240xf32, #tpu.memory_space<vmem_shared>> -> memref<10240xf32, #tpu.memory_space<vmem_shared>>
      tpu.enqueue_indirect_dma source(%arg11 : memref<80xf32, #tpu.memory_space<vmem>>) target(%dma_start3A_256 : memref<10240xf32, #tpu.memory_space<vmem_shared>>) offsets(%dma_start3A_254 : memref<80xi32, #tpu.memory_space<vmem>>) semaphore(%arg15 : memref<!tpu.dma_semaphore, #tpu.memory_space<semaphore_mem>>) {add = true}
      %mul3A_257 = arith.constant 25 : i32
      %mul3A_258 = arith.muli %mul3A_257, %scan3A_69 : i32
      %add3A_259 = arith.constant 21 : i32
      %add3A_260 = arith.addi %mul3A_258, %add3A_259 : i32
      %dma_start3A_261 = arith.constant 0 : i32
      %dma_start3A_262 = tpu.memref_slice %arg7[%add3A_260, %dma_start3A_261] : memref<250x80xi32, #tpu.memory_space<vmem>> -> memref<1x80xi32, #tpu.memory_space<vmem>>
      %dma_start3A_263 = tpu.memref_squeeze %dma_start3A_262 : memref<1x80xi32, #tpu.memory_space<vmem>> -> memref<80xi32, #tpu.memory_space<vmem>>
      %dma_start3A_264 = arith.constant 0 : i32
      %dma_start3A_265 = tpu.memref_slice %arg13[%dma_start3A_264] : memref<10240xf32, #tpu.memory_space<vmem_shared>> -> memref<10240xf32, #tpu.memory_space<vmem_shared>>
      tpu.enqueue_indirect_dma source(%arg11 : memref<80xf32, #tpu.memory_space<vmem>>) target(%dma_start3A_265 : memref<10240xf32, #tpu.memory_space<vmem_shared>>) offsets(%dma_start3A_263 : memref<80xi32, #tpu.memory_space<vmem>>) semaphore(%arg15 : memref<!tpu.dma_semaphore, #tpu.memory_space<semaphore_mem>>) {add = true}
      %mul3A_266 = arith.constant 25 : i32
      %mul3A_267 = arith.muli %mul3A_266, %scan3A_69 : i32
      %add3A_268 = arith.constant 22 : i32
      %add3A_269 = arith.addi %mul3A_267, %add3A_268 : i32
      %dma_start3A_270 = arith.constant 0 : i32
      %dma_start3A_271 = tpu.memref_slice %arg7[%add3A_269, %dma_start3A_270] : memref<250x80xi32, #tpu.memory_space<vmem>> -> memref<1x80xi32, #tpu.memory_space<vmem>>
      %dma_start3A_272 = tpu.memref_squeeze %dma_start3A_271 : memref<1x80xi32, #tpu.memory_space<vmem>> -> memref<80xi32, #tpu.memory_space<vmem>>
      %dma_start3A_273 = arith.constant 0 : i32
      %dma_start3A_274 = tpu.memref_slice %arg13[%dma_start3A_273] : memref<10240xf32, #tpu.memory_space<vmem_shared>> -> memref<10240xf32, #tpu.memory_space<vmem_shared>>
      tpu.enqueue_indirect_dma source(%arg11 : memref<80xf32, #tpu.memory_space<vmem>>) target(%dma_start3A_274 : memref<10240xf32, #tpu.memory_space<vmem_shared>>) offsets(%dma_start3A_272 : memref<80xi32, #tpu.memory_space<vmem>>) semaphore(%arg15 : memref<!tpu.dma_semaphore, #tpu.memory_space<semaphore_mem>>) {add = true}
      %mul3A_275 = arith.constant 25 : i32
      %mul3A_276 = arith.muli %mul3A_275, %scan3A_69 : i32
      %add3A_277 = arith.constant 23 : i32
      %add3A_278 = arith.addi %mul3A_276, %add3A_277 : i32
      %dma_start3A_279 = arith.constant 0 : i32
      %dma_start3A_280 = tpu.memref_slice %arg7[%add3A_278, %dma_start3A_279] : memref<250x80xi32, #tpu.memory_space<vmem>> -> memref<1x80xi32, #tpu.memory_space<vmem>>
      %dma_start3A_281 = tpu.memref_squeeze %dma_start3A_280 : memref<1x80xi32, #tpu.memory_space<vmem>> -> memref<80xi32, #tpu.memory_space<vmem>>
      %dma_start3A_282 = arith.constant 0 : i32
      %dma_start3A_283 = tpu.memref_slice %arg13[%dma_start3A_282] : memref<10240xf32, #tpu.memory_space<vmem_shared>> -> memref<10240xf32, #tpu.memory_space<vmem_shared>>
      tpu.enqueue_indirect_dma source(%arg11 : memref<80xf32, #tpu.memory_space<vmem>>) target(%dma_start3A_283 : memref<10240xf32, #tpu.memory_space<vmem_shared>>) offsets(%dma_start3A_281 : memref<80xi32, #tpu.memory_space<vmem>>) semaphore(%arg15 : memref<!tpu.dma_semaphore, #tpu.memory_space<semaphore_mem>>) {add = true}
      %mul3A_284 = arith.constant 25 : i32
      %mul3A_285 = arith.muli %mul3A_284, %scan3A_69 : i32
      %add3A_286 = arith.constant 24 : i32
      %add3A_287 = arith.addi %mul3A_285, %add3A_286 : i32
      %dma_start3A_288 = arith.constant 0 : i32
      %dma_start3A_289 = tpu.memref_slice %arg7[%add3A_287, %dma_start3A_288] : memref<250x80xi32, #tpu.memory_space<vmem>> -> memref<1x80xi32, #tpu.memory_space<vmem>>
      %dma_start3A_290 = tpu.memref_squeeze %dma_start3A_289 : memref<1x80xi32, #tpu.memory_space<vmem>> -> memref<80xi32, #tpu.memory_space<vmem>>
      %dma_start3A_291 = arith.constant 0 : i32
      %dma_start3A_292 = tpu.memref_slice %arg13[%dma_start3A_291] : memref<10240xf32, #tpu.memory_space<vmem_shared>> -> memref<10240xf32, #tpu.memory_space<vmem_shared>>
      tpu.enqueue_indirect_dma source(%arg11 : memref<80xf32, #tpu.memory_space<vmem>>) target(%dma_start3A_292 : memref<10240xf32, #tpu.memory_space<vmem_shared>>) offsets(%dma_start3A_290 : memref<80xi32, #tpu.memory_space<vmem>>) semaphore(%arg15 : memref<!tpu.dma_semaphore, #tpu.memory_space<semaphore_mem>>) {add = true}
      %dma_wait3A = arith.constant 0 : i32
      %dma_wait3A_293 = arith.constant 0 : i32
      %dma_wait3A_294 = tpu.memref_slice %arg7[%dma_wait3A, %dma_wait3A_293] : memref<250x80xi32, #tpu.memory_space<vmem>> -> memref<1x80xi32, #tpu.memory_space<vmem>>
      %dma_wait3A_295 = tpu.memref_squeeze %dma_wait3A_294 : memref<1x80xi32, #tpu.memory_space<vmem>> -> memref<80xi32, #tpu.memory_space<vmem>>
      %dma_wait3A_296 = arith.constant 0 : i32
      %dma_wait3A_297 = tpu.memref_slice %arg13[%dma_wait3A_296] : memref<10240xf32, #tpu.memory_space<vmem_shared>> -> memref<10240xf32, #tpu.memory_space<vmem_shared>>
      tpu.wait_indirect_dma semaphore(%arg15 : memref<!tpu.dma_semaphore, #tpu.memory_space<semaphore_mem>>) src(%arg11 : memref<80xf32, #tpu.memory_space<vmem>>) dst(%dma_wait3A_297 : memref<10240xf32, #tpu.memory_space<vmem_shared>>)
      %dma_wait3A_298 = arith.constant 0 : i32
      %dma_wait3A_299 = arith.constant 0 : i32
      %dma_wait3A_300 = tpu.memref_slice %arg7[%dma_wait3A_298, %dma_wait3A_299] : memref<250x80xi32, #tpu.memory_space<vmem>> -> memref<1x80xi32, #tpu.memory_space<vmem>>
      %dma_wait3A_301 = tpu.memref_squeeze %dma_wait3A_300 : memref<1x80xi32, #tpu.memory_space<vmem>> -> memref<80xi32, #tpu.memory_space<vmem>>
      %dma_wait3A_302 = arith.constant 0 : i32
      %dma_wait3A_303 = tpu.memref_slice %arg13[%dma_wait3A_302] : memref<10240xf32, #tpu.memory_space<vmem_shared>> -> memref<10240xf32, #tpu.memory_space<vmem_shared>>
      tpu.wait_indirect_dma semaphore(%arg15 : memref<!tpu.dma_semaphore, #tpu.memory_space<semaphore_mem>>) src(%arg11 : memref<80xf32, #tpu.memory_space<vmem>>) dst(%dma_wait3A_303 : memref<10240xf32, #tpu.memory_space<vmem_shared>>)
      %dma_wait3A_304 = arith.constant 0 : i32
      %dma_wait3A_305 = arith.constant 0 : i32
      %dma_wait3A_306 = tpu.memref_slice %arg7[%dma_wait3A_304, %dma_wait3A_305] : memref<250x80xi32, #tpu.memory_space<vmem>> -> memref<1x80xi32, #tpu.memory_space<vmem>>
      %dma_wait3A_307 = tpu.memref_squeeze %dma_wait3A_306 : memref<1x80xi32, #tpu.memory_space<vmem>> -> memref<80xi32, #tpu.memory_space<vmem>>
      %dma_wait3A_308 = arith.constant 0 : i32
      %dma_wait3A_309 = tpu.memref_slice %arg13[%dma_wait3A_308] : memref<10240xf32, #tpu.memory_space<vmem_shared>> -> memref<10240xf32, #tpu.memory_space<vmem_shared>>
      tpu.wait_indirect_dma semaphore(%arg15 : memref<!tpu.dma_semaphore, #tpu.memory_space<semaphore_mem>>) src(%arg11 : memref<80xf32, #tpu.memory_space<vmem>>) dst(%dma_wait3A_309 : memref<10240xf32, #tpu.memory_space<vmem_shared>>)
      %dma_wait3A_310 = arith.constant 0 : i32
      %dma_wait3A_311 = arith.constant 0 : i32
      %dma_wait3A_312 = tpu.memref_slice %arg7[%dma_wait3A_310, %dma_wait3A_311] : memref<250x80xi32, #tpu.memory_space<vmem>> -> memref<1x80xi32, #tpu.memory_space<vmem>>
      %dma_wait3A_313 = tpu.memref_squeeze %dma_wait3A_312 : memref<1x80xi32, #tpu.memory_space<vmem>> -> memref<80xi32, #tpu.memory_space<vmem>>
      %dma_wait3A_314 = arith.constant 0 : i32
      %dma_wait3A_315 = tpu.memref_slice %arg13[%dma_wait3A_314] : memref<10240xf32, #tpu.memory_space<vmem_shared>> -> memref<10240xf32, #tpu.memory_space<vmem_shared>>
      tpu.wait_indirect_dma semaphore(%arg15 : memref<!tpu.dma_semaphore, #tpu.memory_space<semaphore_mem>>) src(%arg11 : memref<80xf32, #tpu.memory_space<vmem>>) dst(%dma_wait3A_315 : memref<10240xf32, #tpu.memory_space<vmem_shared>>)
      %dma_wait3A_316 = arith.constant 0 : i32
      %dma_wait3A_317 = arith.constant 0 : i32
      %dma_wait3A_318 = tpu.memref_slice %arg7[%dma_wait3A_316, %dma_wait3A_317] : memref<250x80xi32, #tpu.memory_space<vmem>> -> memref<1x80xi32, #tpu.memory_space<vmem>>
      %dma_wait3A_319 = tpu.memref_squeeze %dma_wait3A_318 : memref<1x80xi32, #tpu.memory_space<vmem>> -> memref<80xi32, #tpu.memory_space<vmem>>
      %dma_wait3A_320 = arith.constant 0 : i32
      %dma_wait3A_321 = tpu.memref_slice %arg13[%dma_wait3A_320] : memref<10240xf32, #tpu.memory_space<vmem_shared>> -> memref<10240xf32, #tpu.memory_space<vmem_shared>>
      tpu.wait_indirect_dma semaphore(%arg15 : memref<!tpu.dma_semaphore, #tpu.memory_space<semaphore_mem>>) src(%arg11 : memref<80xf32, #tpu.memory_space<vmem>>) dst(%dma_wait3A_321 : memref<10240xf32, #tpu.memory_space<vmem_shared>>)
      %dma_wait3A_322 = arith.constant 0 : i32
      %dma_wait3A_323 = arith.constant 0 : i32
      %dma_wait3A_324 = tpu.memref_slice %arg7[%dma_wait3A_322, %dma_wait3A_323] : memref<250x80xi32, #tpu.memory_space<vmem>> -> memref<1x80xi32, #tpu.memory_space<vmem>>
      %dma_wait3A_325 = tpu.memref_squeeze %dma_wait3A_324 : memref<1x80xi32, #tpu.memory_space<vmem>> -> memref<80xi32, #tpu.memory_space<vmem>>
      %dma_wait3A_326 = arith.constant 0 : i32
      %dma_wait3A_327 = tpu.memref_slice %arg13[%dma_wait3A_326] : memref<10240xf32, #tpu.memory_space<vmem_shared>> -> memref<10240xf32, #tpu.memory_space<vmem_shared>>
      tpu.wait_indirect_dma semaphore(%arg15 : memref<!tpu.dma_semaphore, #tpu.memory_space<semaphore_mem>>) src(%arg11 : memref<80xf32, #tpu.memory_space<vmem>>) dst(%dma_wait3A_327 : memref<10240xf32, #tpu.memory_space<vmem_shared>>)
      %dma_wait3A_328 = arith.constant 0 : i32
      %dma_wait3A_329 = arith.constant 0 : i32
      %dma_wait3A_330 = tpu.memref_slice %arg7[%dma_wait3A_328, %dma_wait3A_329] : memref<250x80xi32, #tpu.memory_space<vmem>> -> memref<1x80xi32, #tpu.memory_space<vmem>>
      %dma_wait3A_331 = tpu.memref_squeeze %dma_wait3A_330 : memref<1x80xi32, #tpu.memory_space<vmem>> -> memref<80xi32, #tpu.memory_space<vmem>>
      %dma_wait3A_332 = arith.constant 0 : i32
      %dma_wait3A_333 = tpu.memref_slice %arg13[%dma_wait3A_332] : memref<10240xf32, #tpu.memory_space<vmem_shared>> -> memref<10240xf32, #tpu.memory_space<vmem_shared>>
      tpu.wait_indirect_dma semaphore(%arg15 : memref<!tpu.dma_semaphore, #tpu.memory_space<semaphore_mem>>) src(%arg11 : memref<80xf32, #tpu.memory_space<vmem>>) dst(%dma_wait3A_333 : memref<10240xf32, #tpu.memory_space<vmem_shared>>)
      %dma_wait3A_334 = arith.constant 0 : i32
      %dma_wait3A_335 = arith.constant 0 : i32
      %dma_wait3A_336 = tpu.memref_slice %arg7[%dma_wait3A_334, %dma_wait3A_335] : memref<250x80xi32, #tpu.memory_space<vmem>> -> memref<1x80xi32, #tpu.memory_space<vmem>>
      %dma_wait3A_337 = tpu.memref_squeeze %dma_wait3A_336 : memref<1x80xi32, #tpu.memory_space<vmem>> -> memref<80xi32, #tpu.memory_space<vmem>>
      %dma_wait3A_338 = arith.constant 0 : i32
      %dma_wait3A_339 = tpu.memref_slice %arg13[%dma_wait3A_338] : memref<10240xf32, #tpu.memory_space<vmem_shared>> -> memref<10240xf32, #tpu.memory_space<vmem_shared>>
      tpu.wait_indirect_dma semaphore(%arg15 : memref<!tpu.dma_semaphore, #tpu.memory_space<semaphore_mem>>) src(%arg11 : memref<80xf32, #tpu.memory_space<vmem>>) dst(%dma_wait3A_339 : memref<10240xf32, #tpu.memory_space<vmem_shared>>)
      %dma_wait3A_340 = arith.constant 0 : i32
      %dma_wait3A_341 = arith.constant 0 : i32
      %dma_wait3A_342 = tpu.memref_slice %arg7[%dma_wait3A_340, %dma_wait3A_341] : memref<250x80xi32, #tpu.memory_space<vmem>> -> memref<1x80xi32, #tpu.memory_space<vmem>>
      %dma_wait3A_343 = tpu.memref_squeeze %dma_wait3A_342 : memref<1x80xi32, #tpu.memory_space<vmem>> -> memref<80xi32, #tpu.memory_space<vmem>>
      %dma_wait3A_344 = arith.constant 0 : i32
      %dma_wait3A_345 = tpu.memref_slice %arg13[%dma_wait3A_344] : memref<10240xf32, #tpu.memory_space<vmem_shared>> -> memref<10240xf32, #tpu.memory_space<vmem_shared>>
      tpu.wait_indirect_dma semaphore(%arg15 : memref<!tpu.dma_semaphore, #tpu.memory_space<semaphore_mem>>) src(%arg11 : memref<80xf32, #tpu.memory_space<vmem>>) dst(%dma_wait3A_345 : memref<10240xf32, #tpu.memory_space<vmem_shared>>)
      %dma_wait3A_346 = arith.constant 0 : i32
      %dma_wait3A_347 = arith.constant 0 : i32
      %dma_wait3A_348 = tpu.memref_slice %arg7[%dma_wait3A_346, %dma_wait3A_347] : memref<250x80xi32, #tpu.memory_space<vmem>> -> memref<1x80xi32, #tpu.memory_space<vmem>>
      %dma_wait3A_349 = tpu.memref_squeeze %dma_wait3A_348 : memref<1x80xi32, #tpu.memory_space<vmem>> -> memref<80xi32, #tpu.memory_space<vmem>>
      %dma_wait3A_350 = arith.constant 0 : i32
      %dma_wait3A_351 = tpu.memref_slice %arg13[%dma_wait3A_350] : memref<10240xf32, #tpu.memory_space<vmem_shared>> -> memref<10240xf32, #tpu.memory_space<vmem_shared>>
      tpu.wait_indirect_dma semaphore(%arg15 : memref<!tpu.dma_semaphore, #tpu.memory_space<semaphore_mem>>) src(%arg11 : memref<80xf32, #tpu.memory_space<vmem>>) dst(%dma_wait3A_351 : memref<10240xf32, #tpu.memory_space<vmem_shared>>)
      %dma_wait3A_352 = arith.constant 0 : i32
      %dma_wait3A_353 = arith.constant 0 : i32
      %dma_wait3A_354 = tpu.memref_slice %arg7[%dma_wait3A_352, %dma_wait3A_353] : memref<250x80xi32, #tpu.memory_space<vmem>> -> memref<1x80xi32, #tpu.memory_space<vmem>>
      %dma_wait3A_355 = tpu.memref_squeeze %dma_wait3A_354 : memref<1x80xi32, #tpu.memory_space<vmem>> -> memref<80xi32, #tpu.memory_space<vmem>>
      %dma_wait3A_356 = arith.constant 0 : i32
      %dma_wait3A_357 = tpu.memref_slice %arg13[%dma_wait3A_356] : memref<10240xf32, #tpu.memory_space<vmem_shared>> -> memref<10240xf32, #tpu.memory_space<vmem_shared>>
      tpu.wait_indirect_dma semaphore(%arg15 : memref<!tpu.dma_semaphore, #tpu.memory_space<semaphore_mem>>) src(%arg11 : memref<80xf32, #tpu.memory_space<vmem>>) dst(%dma_wait3A_357 : memref<10240xf32, #tpu.memory_space<vmem_shared>>)
      %dma_wait3A_358 = arith.constant 0 : i32
      %dma_wait3A_359 = arith.constant 0 : i32
      %dma_wait3A_360 = tpu.memref_slice %arg7[%dma_wait3A_358, %dma_wait3A_359] : memref<250x80xi32, #tpu.memory_space<vmem>> -> memref<1x80xi32, #tpu.memory_space<vmem>>
      %dma_wait3A_361 = tpu.memref_squeeze %dma_wait3A_360 : memref<1x80xi32, #tpu.memory_space<vmem>> -> memref<80xi32, #tpu.memory_space<vmem>>
      %dma_wait3A_362 = arith.constant 0 : i32
      %dma_wait3A_363 = tpu.memref_slice %arg13[%dma_wait3A_362] : memref<10240xf32, #tpu.memory_space<vmem_shared>> -> memref<10240xf32, #tpu.memory_space<vmem_shared>>
      tpu.wait_indirect_dma semaphore(%arg15 : memref<!tpu.dma_semaphore, #tpu.memory_space<semaphore_mem>>) src(%arg11 : memref<80xf32, #tpu.memory_space<vmem>>) dst(%dma_wait3A_363 : memref<10240xf32, #tpu.memory_space<vmem_shared>>)
      %dma_wait3A_364 = arith.constant 0 : i32
      %dma_wait3A_365 = arith.constant 0 : i32
      %dma_wait3A_366 = tpu.memref_slice %arg7[%dma_wait3A_364, %dma_wait3A_365] : memref<250x80xi32, #tpu.memory_space<vmem>> -> memref<1x80xi32, #tpu.memory_space<vmem>>
      %dma_wait3A_367 = tpu.memref_squeeze %dma_wait3A_366 : memref<1x80xi32, #tpu.memory_space<vmem>> -> memref<80xi32, #tpu.memory_space<vmem>>
      %dma_wait3A_368 = arith.constant 0 : i32
      %dma_wait3A_369 = tpu.memref_slice %arg13[%dma_wait3A_368] : memref<10240xf32, #tpu.memory_space<vmem_shared>> -> memref<10240xf32, #tpu.memory_space<vmem_shared>>
      tpu.wait_indirect_dma semaphore(%arg15 : memref<!tpu.dma_semaphore, #tpu.memory_space<semaphore_mem>>) src(%arg11 : memref<80xf32, #tpu.memory_space<vmem>>) dst(%dma_wait3A_369 : memref<10240xf32, #tpu.memory_space<vmem_shared>>)
      %dma_wait3A_370 = arith.constant 0 : i32
      %dma_wait3A_371 = arith.constant 0 : i32
      %dma_wait3A_372 = tpu.memref_slice %arg7[%dma_wait3A_370, %dma_wait3A_371] : memref<250x80xi32, #tpu.memory_space<vmem>> -> memref<1x80xi32, #tpu.memory_space<vmem>>
      %dma_wait3A_373 = tpu.memref_squeeze %dma_wait3A_372 : memref<1x80xi32, #tpu.memory_space<vmem>> -> memref<80xi32, #tpu.memory_space<vmem>>
      %dma_wait3A_374 = arith.constant 0 : i32
      %dma_wait3A_375 = tpu.memref_slice %arg13[%dma_wait3A_374] : memref<10240xf32, #tpu.memory_space<vmem_shared>> -> memref<10240xf32, #tpu.memory_space<vmem_shared>>
      tpu.wait_indirect_dma semaphore(%arg15 : memref<!tpu.dma_semaphore, #tpu.memory_space<semaphore_mem>>) src(%arg11 : memref<80xf32, #tpu.memory_space<vmem>>) dst(%dma_wait3A_375 : memref<10240xf32, #tpu.memory_space<vmem_shared>>)
      %dma_wait3A_376 = arith.constant 0 : i32
      %dma_wait3A_377 = arith.constant 0 : i32
      %dma_wait3A_378 = tpu.memref_slice %arg7[%dma_wait3A_376, %dma_wait3A_377] : memref<250x80xi32, #tpu.memory_space<vmem>> -> memref<1x80xi32, #tpu.memory_space<vmem>>
      %dma_wait3A_379 = tpu.memref_squeeze %dma_wait3A_378 : memref<1x80xi32, #tpu.memory_space<vmem>> -> memref<80xi32, #tpu.memory_space<vmem>>
      %dma_wait3A_380 = arith.constant 0 : i32
      %dma_wait3A_381 = tpu.memref_slice %arg13[%dma_wait3A_380] : memref<10240xf32, #tpu.memory_space<vmem_shared>> -> memref<10240xf32, #tpu.memory_space<vmem_shared>>
      tpu.wait_indirect_dma semaphore(%arg15 : memref<!tpu.dma_semaphore, #tpu.memory_space<semaphore_mem>>) src(%arg11 : memref<80xf32, #tpu.memory_space<vmem>>) dst(%dma_wait3A_381 : memref<10240xf32, #tpu.memory_space<vmem_shared>>)
      %dma_wait3A_382 = arith.constant 0 : i32
      %dma_wait3A_383 = arith.constant 0 : i32
      %dma_wait3A_384 = tpu.memref_slice %arg7[%dma_wait3A_382, %dma_wait3A_383] : memref<250x80xi32, #tpu.memory_space<vmem>> -> memref<1x80xi32, #tpu.memory_space<vmem>>
      %dma_wait3A_385 = tpu.memref_squeeze %dma_wait3A_384 : memref<1x80xi32, #tpu.memory_space<vmem>> -> memref<80xi32, #tpu.memory_space<vmem>>
      %dma_wait3A_386 = arith.constant 0 : i32
      %dma_wait3A_387 = tpu.memref_slice %arg13[%dma_wait3A_386] : memref<10240xf32, #tpu.memory_space<vmem_shared>> -> memref<10240xf32, #tpu.memory_space<vmem_shared>>
      tpu.wait_indirect_dma semaphore(%arg15 : memref<!tpu.dma_semaphore, #tpu.memory_space<semaphore_mem>>) src(%arg11 : memref<80xf32, #tpu.memory_space<vmem>>) dst(%dma_wait3A_387 : memref<10240xf32, #tpu.memory_space<vmem_shared>>)
      %dma_wait3A_388 = arith.constant 0 : i32
      %dma_wait3A_389 = arith.constant 0 : i32
      %dma_wait3A_390 = tpu.memref_slice %arg7[%dma_wait3A_388, %dma_wait3A_389] : memref<250x80xi32, #tpu.memory_space<vmem>> -> memref<1x80xi32, #tpu.memory_space<vmem>>
      %dma_wait3A_391 = tpu.memref_squeeze %dma_wait3A_390 : memref<1x80xi32, #tpu.memory_space<vmem>> -> memref<80xi32, #tpu.memory_space<vmem>>
      %dma_wait3A_392 = arith.constant 0 : i32
      %dma_wait3A_393 = tpu.memref_slice %arg13[%dma_wait3A_392] : memref<10240xf32, #tpu.memory_space<vmem_shared>> -> memref<10240xf32, #tpu.memory_space<vmem_shared>>
      tpu.wait_indirect_dma semaphore(%arg15 : memref<!tpu.dma_semaphore, #tpu.memory_space<semaphore_mem>>) src(%arg11 : memref<80xf32, #tpu.memory_space<vmem>>) dst(%dma_wait3A_393 : memref<10240xf32, #tpu.memory_space<vmem_shared>>)
      %dma_wait3A_394 = arith.constant 0 : i32
      %dma_wait3A_395 = arith.constant 0 : i32
      %dma_wait3A_396 = tpu.memref_slice %arg7[%dma_wait3A_394, %dma_wait3A_395] : memref<250x80xi32, #tpu.memory_space<vmem>> -> memref<1x80xi32, #tpu.memory_space<vmem>>
      %dma_wait3A_397 = tpu.memref_squeeze %dma_wait3A_396 : memref<1x80xi32, #tpu.memory_space<vmem>> -> memref<80xi32, #tpu.memory_space<vmem>>
      %dma_wait3A_398 = arith.constant 0 : i32
      %dma_wait3A_399 = tpu.memref_slice %arg13[%dma_wait3A_398] : memref<10240xf32, #tpu.memory_space<vmem_shared>> -> memref<10240xf32, #tpu.memory_space<vmem_shared>>
      tpu.wait_indirect_dma semaphore(%arg15 : memref<!tpu.dma_semaphore, #tpu.memory_space<semaphore_mem>>) src(%arg11 : memref<80xf32, #tpu.memory_space<vmem>>) dst(%dma_wait3A_399 : memref<10240xf32, #tpu.memory_space<vmem_shared>>)
      %dma_wait3A_400 = arith.constant 0 : i32
      %dma_wait3A_401 = arith.constant 0 : i32
      %dma_wait3A_402 = tpu.memref_slice %arg7[%dma_wait3A_400, %dma_wait3A_401] : memref<250x80xi32, #tpu.memory_space<vmem>> -> memref<1x80xi32, #tpu.memory_space<vmem>>
      %dma_wait3A_403 = tpu.memref_squeeze %dma_wait3A_402 : memref<1x80xi32, #tpu.memory_space<vmem>> -> memref<80xi32, #tpu.memory_space<vmem>>
      %dma_wait3A_404 = arith.constant 0 : i32
      %dma_wait3A_405 = tpu.memref_slice %arg13[%dma_wait3A_404] : memref<10240xf32, #tpu.memory_space<vmem_shared>> -> memref<10240xf32, #tpu.memory_space<vmem_shared>>
      tpu.wait_indirect_dma semaphore(%arg15 : memref<!tpu.dma_semaphore, #tpu.memory_space<semaphore_mem>>) src(%arg11 : memref<80xf32, #tpu.memory_space<vmem>>) dst(%dma_wait3A_405 : memref<10240xf32, #tpu.memory_space<vmem_shared>>)
      %dma_wait3A_406 = arith.constant 0 : i32
      %dma_wait3A_407 = arith.constant 0 : i32
      %dma_wait3A_408 = tpu.memref_slice %arg7[%dma_wait3A_406, %dma_wait3A_407] : memref<250x80xi32, #tpu.memory_space<vmem>> -> memref<1x80xi32, #tpu.memory_space<vmem>>
      %dma_wait3A_409 = tpu.memref_squeeze %dma_wait3A_408 : memref<1x80xi32, #tpu.memory_space<vmem>> -> memref<80xi32, #tpu.memory_space<vmem>>
      %dma_wait3A_410 = arith.constant 0 : i32
      %dma_wait3A_411 = tpu.memref_slice %arg13[%dma_wait3A_410] : memref<10240xf32, #tpu.memory_space<vmem_shared>> -> memref<10240xf32, #tpu.memory_space<vmem_shared>>
      tpu.wait_indirect_dma semaphore(%arg15 : memref<!tpu.dma_semaphore, #tpu.memory_space<semaphore_mem>>) src(%arg11 : memref<80xf32, #tpu.memory_space<vmem>>) dst(%dma_wait3A_411 : memref<10240xf32, #tpu.memory_space<vmem_shared>>)
      %dma_wait3A_412 = arith.constant 0 : i32
      %dma_wait3A_413 = arith.constant 0 : i32
      %dma_wait3A_414 = tpu.memref_slice %arg7[%dma_wait3A_412, %dma_wait3A_413] : memref<250x80xi32, #tpu.memory_space<vmem>> -> memref<1x80xi32, #tpu.memory_space<vmem>>
      %dma_wait3A_415 = tpu.memref_squeeze %dma_wait3A_414 : memref<1x80xi32, #tpu.memory_space<vmem>> -> memref<80xi32, #tpu.memory_space<vmem>>
      %dma_wait3A_416 = arith.constant 0 : i32
      %dma_wait3A_417 = tpu.memref_slice %arg13[%dma_wait3A_416] : memref<10240xf32, #tpu.memory_space<vmem_shared>> -> memref<10240xf32, #tpu.memory_space<vmem_shared>>
      tpu.wait_indirect_dma semaphore(%arg15 : memref<!tpu.dma_semaphore, #tpu.memory_space<semaphore_mem>>) src(%arg11 : memref<80xf32, #tpu.memory_space<vmem>>) dst(%dma_wait3A_417 : memref<10240xf32, #tpu.memory_space<vmem_shared>>)
      %dma_wait3A_418 = arith.constant 0 : i32
      %dma_wait3A_419 = arith.constant 0 : i32
      %dma_wait3A_420 = tpu.memref_slice %arg7[%dma_wait3A_418, %dma_wait3A_419] : memref<250x80xi32, #tpu.memory_space<vmem>> -> memref<1x80xi32, #tpu.memory_space<vmem>>
      %dma_wait3A_421 = tpu.memref_squeeze %dma_wait3A_420 : memref<1x80xi32, #tpu.memory_space<vmem>> -> memref<80xi32, #tpu.memory_space<vmem>>
      %dma_wait3A_422 = arith.constant 0 : i32
      %dma_wait3A_423 = tpu.memref_slice %arg13[%dma_wait3A_422] : memref<10240xf32, #tpu.memory_space<vmem_shared>> -> memref<10240xf32, #tpu.memory_space<vmem_shared>>
      tpu.wait_indirect_dma semaphore(%arg15 : memref<!tpu.dma_semaphore, #tpu.memory_space<semaphore_mem>>) src(%arg11 : memref<80xf32, #tpu.memory_space<vmem>>) dst(%dma_wait3A_423 : memref<10240xf32, #tpu.memory_space<vmem_shared>>)
      %dma_wait3A_424 = arith.constant 0 : i32
      %dma_wait3A_425 = arith.constant 0 : i32
      %dma_wait3A_426 = tpu.memref_slice %arg7[%dma_wait3A_424, %dma_wait3A_425] : memref<250x80xi32, #tpu.memory_space<vmem>> -> memref<1x80xi32, #tpu.memory_space<vmem>>
      %dma_wait3A_427 = tpu.memref_squeeze %dma_wait3A_426 : memref<1x80xi32, #tpu.memory_space<vmem>> -> memref<80xi32, #tpu.memory_space<vmem>>
      %dma_wait3A_428 = arith.constant 0 : i32
      %dma_wait3A_429 = tpu.memref_slice %arg13[%dma_wait3A_428] : memref<10240xf32, #tpu.memory_space<vmem_shared>> -> memref<10240xf32, #tpu.memory_space<vmem_shared>>
      tpu.wait_indirect_dma semaphore(%arg15 : memref<!tpu.dma_semaphore, #tpu.memory_space<semaphore_mem>>) src(%arg11 : memref<80xf32, #tpu.memory_space<vmem>>) dst(%dma_wait3A_429 : memref<10240xf32, #tpu.memory_space<vmem_shared>>)
      %dma_wait3A_430 = arith.constant 0 : i32
      %dma_wait3A_431 = arith.constant 0 : i32
      %dma_wait3A_432 = tpu.memref_slice %arg7[%dma_wait3A_430, %dma_wait3A_431] : memref<250x80xi32, #tpu.memory_space<vmem>> -> memref<1x80xi32, #tpu.memory_space<vmem>>
      %dma_wait3A_433 = tpu.memref_squeeze %dma_wait3A_432 : memref<1x80xi32, #tpu.memory_space<vmem>> -> memref<80xi32, #tpu.memory_space<vmem>>
      %dma_wait3A_434 = arith.constant 0 : i32
      %dma_wait3A_435 = tpu.memref_slice %arg13[%dma_wait3A_434] : memref<10240xf32, #tpu.memory_space<vmem_shared>> -> memref<10240xf32, #tpu.memory_space<vmem_shared>>
      tpu.wait_indirect_dma semaphore(%arg15 : memref<!tpu.dma_semaphore, #tpu.memory_space<semaphore_mem>>) src(%arg11 : memref<80xf32, #tpu.memory_space<vmem>>) dst(%dma_wait3A_435 : memref<10240xf32, #tpu.memory_space<vmem_shared>>)
      %dma_wait3A_436 = arith.constant 0 : i32
      %dma_wait3A_437 = arith.constant 0 : i32
      %dma_wait3A_438 = tpu.memref_slice %arg7[%dma_wait3A_436, %dma_wait3A_437] : memref<250x80xi32, #tpu.memory_space<vmem>> -> memref<1x80xi32, #tpu.memory_space<vmem>>
      %dma_wait3A_439 = tpu.memref_squeeze %dma_wait3A_438 : memref<1x80xi32, #tpu.memory_space<vmem>> -> memref<80xi32, #tpu.memory_space<vmem>>
      %dma_wait3A_440 = arith.constant 0 : i32
      %dma_wait3A_441 = tpu.memref_slice %arg13[%dma_wait3A_440] : memref<10240xf32, #tpu.memory_space<vmem_shared>> -> memref<10240xf32, #tpu.memory_space<vmem_shared>>
      tpu.wait_indirect_dma semaphore(%arg15 : memref<!tpu.dma_semaphore, #tpu.memory_space<semaphore_mem>>) src(%arg11 : memref<80xf32, #tpu.memory_space<vmem>>) dst(%dma_wait3A_441 : memref<10240xf32, #tpu.memory_space<vmem_shared>>)
    }
    %scan3A_37 = arith.constant 10 : i32
    %mul3A_38 = arith.constant 125 : i32
    %mul3A_39 = arith.muli %arg0, %mul3A_38 : i32
    %scan3A_40 = arith.constant 0 : i32
    %scan3A_41 = arith.constant 0 : i32
    %scan3A_42 = arith.constant 5 : i32
    %scan3A_43 = arith.addi %scan3A_41, %scan3A_42 : i32
    %scan3A_44 = arith.constant 1 : i32
    scf.for %scan3A_69 = %scan3A_41 to %scan3A_43 step %scan3A_44  : i32 {
      %mul3A_70 = arith.constant 25 : i32
      %mul3A_71 = arith.muli %mul3A_70, %scan3A_69 : i32
      %add3A = arith.addi %mul3A_39, %mul3A_71 : i32
      %add3A_72 = arith.constant 0 : i32
      %add3A_73 = arith.addi %add3A, %add3A_72 : i32
      %dma_start3A = arith.constant 0 : i32
      %dma_start3A_74 = tpu.memref_slice %arg8[%add3A_73, %dma_start3A] : memref<250x80xi32, #tpu.memory_space<vmem>> -> memref<1x80xi32, #tpu.memory_space<vmem>>
      %dma_start3A_75 = tpu.memref_squeeze %dma_start3A_74 : memref<1x80xi32, #tpu.memory_space<vmem>> -> memref<80xi32, #tpu.memory_space<vmem>>
      %dma_start3A_76 = arith.constant 0 : i32
      %dma_start3A_77 = tpu.memref_slice %arg14[%dma_start3A_76] : memref<10240xf32, #tpu.memory_space<vmem_shared>> -> memref<10240xf32, #tpu.memory_space<vmem_shared>>
      tpu.enqueue_indirect_dma source(%arg11 : memref<80xf32, #tpu.memory_space<vmem>>) target(%dma_start3A_77 : memref<10240xf32, #tpu.memory_space<vmem_shared>>) offsets(%dma_start3A_75 : memref<80xi32, #tpu.memory_space<vmem>>) semaphore(%arg15 : memref<!tpu.dma_semaphore, #tpu.memory_space<semaphore_mem>>) {add = true}
      %mul3A_78 = arith.constant 25 : i32
      %mul3A_79 = arith.muli %mul3A_78, %scan3A_69 : i32
      %add3A_80 = arith.addi %mul3A_39, %mul3A_79 : i32
      %add3A_81 = arith.constant 1 : i32
      %add3A_82 = arith.addi %add3A_80, %add3A_81 : i32
      %dma_start3A_83 = arith.constant 0 : i32
      %dma_start3A_84 = tpu.memref_slice %arg8[%add3A_82, %dma_start3A_83] : memref<250x80xi32, #tpu.memory_space<vmem>> -> memref<1x80xi32, #tpu.memory_space<vmem>>
      %dma_start3A_85 = tpu.memref_squeeze %dma_start3A_84 : memref<1x80xi32, #tpu.memory_space<vmem>> -> memref<80xi32, #tpu.memory_space<vmem>>
      %dma_start3A_86 = arith.constant 0 : i32
      %dma_start3A_87 = tpu.memref_slice %arg14[%dma_start3A_86] : memref<10240xf32, #tpu.memory_space<vmem_shared>> -> memref<10240xf32, #tpu.memory_space<vmem_shared>>
      tpu.enqueue_indirect_dma source(%arg11 : memref<80xf32, #tpu.memory_space<vmem>>) target(%dma_start3A_87 : memref<10240xf32, #tpu.memory_space<vmem_shared>>) offsets(%dma_start3A_85 : memref<80xi32, #tpu.memory_space<vmem>>) semaphore(%arg15 : memref<!tpu.dma_semaphore, #tpu.memory_space<semaphore_mem>>) {add = true}
      %mul3A_88 = arith.constant 25 : i32
      %mul3A_89 = arith.muli %mul3A_88, %scan3A_69 : i32
      %add3A_90 = arith.addi %mul3A_39, %mul3A_89 : i32
      %add3A_91 = arith.constant 2 : i32
      %add3A_92 = arith.addi %add3A_90, %add3A_91 : i32
      %dma_start3A_93 = arith.constant 0 : i32
      %dma_start3A_94 = tpu.memref_slice %arg8[%add3A_92, %dma_start3A_93] : memref<250x80xi32, #tpu.memory_space<vmem>> -> memref<1x80xi32, #tpu.memory_space<vmem>>
      %dma_start3A_95 = tpu.memref_squeeze %dma_start3A_94 : memref<1x80xi32, #tpu.memory_space<vmem>> -> memref<80xi32, #tpu.memory_space<vmem>>
      %dma_start3A_96 = arith.constant 0 : i32
      %dma_start3A_97 = tpu.memref_slice %arg14[%dma_start3A_96] : memref<10240xf32, #tpu.memory_space<vmem_shared>> -> memref<10240xf32, #tpu.memory_space<vmem_shared>>
      tpu.enqueue_indirect_dma source(%arg11 : memref<80xf32, #tpu.memory_space<vmem>>) target(%dma_start3A_97 : memref<10240xf32, #tpu.memory_space<vmem_shared>>) offsets(%dma_start3A_95 : memref<80xi32, #tpu.memory_space<vmem>>) semaphore(%arg15 : memref<!tpu.dma_semaphore, #tpu.memory_space<semaphore_mem>>) {add = true}
      %mul3A_98 = arith.constant 25 : i32
      %mul3A_99 = arith.muli %mul3A_98, %scan3A_69 : i32
      %add3A_100 = arith.addi %mul3A_39, %mul3A_99 : i32
      %add3A_101 = arith.constant 3 : i32
      %add3A_102 = arith.addi %add3A_100, %add3A_101 : i32
      %dma_start3A_103 = arith.constant 0 : i32
      %dma_start3A_104 = tpu.memref_slice %arg8[%add3A_102, %dma_start3A_103] : memref<250x80xi32, #tpu.memory_space<vmem>> -> memref<1x80xi32, #tpu.memory_space<vmem>>
      %dma_start3A_105 = tpu.memref_squeeze %dma_start3A_104 : memref<1x80xi32, #tpu.memory_space<vmem>> -> memref<80xi32, #tpu.memory_space<vmem>>
      %dma_start3A_106 = arith.constant 0 : i32
      %dma_start3A_107 = tpu.memref_slice %arg14[%dma_start3A_106] : memref<10240xf32, #tpu.memory_space<vmem_shared>> -> memref<10240xf32, #tpu.memory_space<vmem_shared>>
      tpu.enqueue_indirect_dma source(%arg11 : memref<80xf32, #tpu.memory_space<vmem>>) target(%dma_start3A_107 : memref<10240xf32, #tpu.memory_space<vmem_shared>>) offsets(%dma_start3A_105 : memref<80xi32, #tpu.memory_space<vmem>>) semaphore(%arg15 : memref<!tpu.dma_semaphore, #tpu.memory_space<semaphore_mem>>) {add = true}
      %mul3A_108 = arith.constant 25 : i32
      %mul3A_109 = arith.muli %mul3A_108, %scan3A_69 : i32
      %add3A_110 = arith.addi %mul3A_39, %mul3A_109 : i32
      %add3A_111 = arith.constant 4 : i32
      %add3A_112 = arith.addi %add3A_110, %add3A_111 : i32
      %dma_start3A_113 = arith.constant 0 : i32
      %dma_start3A_114 = tpu.memref_slice %arg8[%add3A_112, %dma_start3A_113] : memref<250x80xi32, #tpu.memory_space<vmem>> -> memref<1x80xi32, #tpu.memory_space<vmem>>
      %dma_start3A_115 = tpu.memref_squeeze %dma_start3A_114 : memref<1x80xi32, #tpu.memory_space<vmem>> -> memref<80xi32, #tpu.memory_space<vmem>>
      %dma_start3A_116 = arith.constant 0 : i32
      %dma_start3A_117 = tpu.memref_slice %arg14[%dma_start3A_116] : memref<10240xf32, #tpu.memory_space<vmem_shared>> -> memref<10240xf32, #tpu.memory_space<vmem_shared>>
      tpu.enqueue_indirect_dma source(%arg11 : memref<80xf32, #tpu.memory_space<vmem>>) target(%dma_start3A_117 : memref<10240xf32, #tpu.memory_space<vmem_shared>>) offsets(%dma_start3A_115 : memref<80xi32, #tpu.memory_space<vmem>>) semaphore(%arg15 : memref<!tpu.dma_semaphore, #tpu.memory_space<semaphore_mem>>) {add = true}
      %mul3A_118 = arith.constant 25 : i32
      %mul3A_119 = arith.muli %mul3A_118, %scan3A_69 : i32
      %add3A_120 = arith.addi %mul3A_39, %mul3A_119 : i32
      %add3A_121 = arith.constant 5 : i32
      %add3A_122 = arith.addi %add3A_120, %add3A_121 : i32
      %dma_start3A_123 = arith.constant 0 : i32
      %dma_start3A_124 = tpu.memref_slice %arg8[%add3A_122, %dma_start3A_123] : memref<250x80xi32, #tpu.memory_space<vmem>> -> memref<1x80xi32, #tpu.memory_space<vmem>>
      %dma_start3A_125 = tpu.memref_squeeze %dma_start3A_124 : memref<1x80xi32, #tpu.memory_space<vmem>> -> memref<80xi32, #tpu.memory_space<vmem>>
      %dma_start3A_126 = arith.constant 0 : i32
      %dma_start3A_127 = tpu.memref_slice %arg14[%dma_start3A_126] : memref<10240xf32, #tpu.memory_space<vmem_shared>> -> memref<10240xf32, #tpu.memory_space<vmem_shared>>
      tpu.enqueue_indirect_dma source(%arg11 : memref<80xf32, #tpu.memory_space<vmem>>) target(%dma_start3A_127 : memref<10240xf32, #tpu.memory_space<vmem_shared>>) offsets(%dma_start3A_125 : memref<80xi32, #tpu.memory_space<vmem>>) semaphore(%arg15 : memref<!tpu.dma_semaphore, #tpu.memory_space<semaphore_mem>>) {add = true}
      %mul3A_128 = arith.constant 25 : i32
      %mul3A_129 = arith.muli %mul3A_128, %scan3A_69 : i32
      %add3A_130 = arith.addi %mul3A_39, %mul3A_129 : i32
      %add3A_131 = arith.constant 6 : i32
      %add3A_132 = arith.addi %add3A_130, %add3A_131 : i32
      %dma_start3A_133 = arith.constant 0 : i32
      %dma_start3A_134 = tpu.memref_slice %arg8[%add3A_132, %dma_start3A_133] : memref<250x80xi32, #tpu.memory_space<vmem>> -> memref<1x80xi32, #tpu.memory_space<vmem>>
      %dma_start3A_135 = tpu.memref_squeeze %dma_start3A_134 : memref<1x80xi32, #tpu.memory_space<vmem>> -> memref<80xi32, #tpu.memory_space<vmem>>
      %dma_start3A_136 = arith.constant 0 : i32
      %dma_start3A_137 = tpu.memref_slice %arg14[%dma_start3A_136] : memref<10240xf32, #tpu.memory_space<vmem_shared>> -> memref<10240xf32, #tpu.memory_space<vmem_shared>>
      tpu.enqueue_indirect_dma source(%arg11 : memref<80xf32, #tpu.memory_space<vmem>>) target(%dma_start3A_137 : memref<10240xf32, #tpu.memory_space<vmem_shared>>) offsets(%dma_start3A_135 : memref<80xi32, #tpu.memory_space<vmem>>) semaphore(%arg15 : memref<!tpu.dma_semaphore, #tpu.memory_space<semaphore_mem>>) {add = true}
      %mul3A_138 = arith.constant 25 : i32
      %mul3A_139 = arith.muli %mul3A_138, %scan3A_69 : i32
      %add3A_140 = arith.addi %mul3A_39, %mul3A_139 : i32
      %add3A_141 = arith.constant 7 : i32
      %add3A_142 = arith.addi %add3A_140, %add3A_141 : i32
      %dma_start3A_143 = arith.constant 0 : i32
      %dma_start3A_144 = tpu.memref_slice %arg8[%add3A_142, %dma_start3A_143] : memref<250x80xi32, #tpu.memory_space<vmem>> -> memref<1x80xi32, #tpu.memory_space<vmem>>
      %dma_start3A_145 = tpu.memref_squeeze %dma_start3A_144 : memref<1x80xi32, #tpu.memory_space<vmem>> -> memref<80xi32, #tpu.memory_space<vmem>>
      %dma_start3A_146 = arith.constant 0 : i32
      %dma_start3A_147 = tpu.memref_slice %arg14[%dma_start3A_146] : memref<10240xf32, #tpu.memory_space<vmem_shared>> -> memref<10240xf32, #tpu.memory_space<vmem_shared>>
      tpu.enqueue_indirect_dma source(%arg11 : memref<80xf32, #tpu.memory_space<vmem>>) target(%dma_start3A_147 : memref<10240xf32, #tpu.memory_space<vmem_shared>>) offsets(%dma_start3A_145 : memref<80xi32, #tpu.memory_space<vmem>>) semaphore(%arg15 : memref<!tpu.dma_semaphore, #tpu.memory_space<semaphore_mem>>) {add = true}
      %mul3A_148 = arith.constant 25 : i32
      %mul3A_149 = arith.muli %mul3A_148, %scan3A_69 : i32
      %add3A_150 = arith.addi %mul3A_39, %mul3A_149 : i32
      %add3A_151 = arith.constant 8 : i32
      %add3A_152 = arith.addi %add3A_150, %add3A_151 : i32
      %dma_start3A_153 = arith.constant 0 : i32
      %dma_start3A_154 = tpu.memref_slice %arg8[%add3A_152, %dma_start3A_153] : memref<250x80xi32, #tpu.memory_space<vmem>> -> memref<1x80xi32, #tpu.memory_space<vmem>>
      %dma_start3A_155 = tpu.memref_squeeze %dma_start3A_154 : memref<1x80xi32, #tpu.memory_space<vmem>> -> memref<80xi32, #tpu.memory_space<vmem>>
      %dma_start3A_156 = arith.constant 0 : i32
      %dma_start3A_157 = tpu.memref_slice %arg14[%dma_start3A_156] : memref<10240xf32, #tpu.memory_space<vmem_shared>> -> memref<10240xf32, #tpu.memory_space<vmem_shared>>
      tpu.enqueue_indirect_dma source(%arg11 : memref<80xf32, #tpu.memory_space<vmem>>) target(%dma_start3A_157 : memref<10240xf32, #tpu.memory_space<vmem_shared>>) offsets(%dma_start3A_155 : memref<80xi32, #tpu.memory_space<vmem>>) semaphore(%arg15 : memref<!tpu.dma_semaphore, #tpu.memory_space<semaphore_mem>>) {add = true}
      %mul3A_158 = arith.constant 25 : i32
      %mul3A_159 = arith.muli %mul3A_158, %scan3A_69 : i32
      %add3A_160 = arith.addi %mul3A_39, %mul3A_159 : i32
      %add3A_161 = arith.constant 9 : i32
      %add3A_162 = arith.addi %add3A_160, %add3A_161 : i32
      %dma_start3A_163 = arith.constant 0 : i32
      %dma_start3A_164 = tpu.memref_slice %arg8[%add3A_162, %dma_start3A_163] : memref<250x80xi32, #tpu.memory_space<vmem>> -> memref<1x80xi32, #tpu.memory_space<vmem>>
      %dma_start3A_165 = tpu.memref_squeeze %dma_start3A_164 : memref<1x80xi32, #tpu.memory_space<vmem>> -> memref<80xi32, #tpu.memory_space<vmem>>
      %dma_start3A_166 = arith.constant 0 : i32
      %dma_start3A_167 = tpu.memref_slice %arg14[%dma_start3A_166] : memref<10240xf32, #tpu.memory_space<vmem_shared>> -> memref<10240xf32, #tpu.memory_space<vmem_shared>>
      tpu.enqueue_indirect_dma source(%arg11 : memref<80xf32, #tpu.memory_space<vmem>>) target(%dma_start3A_167 : memref<10240xf32, #tpu.memory_space<vmem_shared>>) offsets(%dma_start3A_165 : memref<80xi32, #tpu.memory_space<vmem>>) semaphore(%arg15 : memref<!tpu.dma_semaphore, #tpu.memory_space<semaphore_mem>>) {add = true}
      %mul3A_168 = arith.constant 25 : i32
      %mul3A_169 = arith.muli %mul3A_168, %scan3A_69 : i32
      %add3A_170 = arith.addi %mul3A_39, %mul3A_169 : i32
      %add3A_171 = arith.constant 10 : i32
      %add3A_172 = arith.addi %add3A_170, %add3A_171 : i32
      %dma_start3A_173 = arith.constant 0 : i32
      %dma_start3A_174 = tpu.memref_slice %arg8[%add3A_172, %dma_start3A_173] : memref<250x80xi32, #tpu.memory_space<vmem>> -> memref<1x80xi32, #tpu.memory_space<vmem>>
      %dma_start3A_175 = tpu.memref_squeeze %dma_start3A_174 : memref<1x80xi32, #tpu.memory_space<vmem>> -> memref<80xi32, #tpu.memory_space<vmem>>
      %dma_start3A_176 = arith.constant 0 : i32
      %dma_start3A_177 = tpu.memref_slice %arg14[%dma_start3A_176] : memref<10240xf32, #tpu.memory_space<vmem_shared>> -> memref<10240xf32, #tpu.memory_space<vmem_shared>>
      tpu.enqueue_indirect_dma source(%arg11 : memref<80xf32, #tpu.memory_space<vmem>>) target(%dma_start3A_177 : memref<10240xf32, #tpu.memory_space<vmem_shared>>) offsets(%dma_start3A_175 : memref<80xi32, #tpu.memory_space<vmem>>) semaphore(%arg15 : memref<!tpu.dma_semaphore, #tpu.memory_space<semaphore_mem>>) {add = true}
      %mul3A_178 = arith.constant 25 : i32
      %mul3A_179 = arith.muli %mul3A_178, %scan3A_69 : i32
      %add3A_180 = arith.addi %mul3A_39, %mul3A_179 : i32
      %add3A_181 = arith.constant 11 : i32
      %add3A_182 = arith.addi %add3A_180, %add3A_181 : i32
      %dma_start3A_183 = arith.constant 0 : i32
      %dma_start3A_184 = tpu.memref_slice %arg8[%add3A_182, %dma_start3A_183] : memref<250x80xi32, #tpu.memory_space<vmem>> -> memref<1x80xi32, #tpu.memory_space<vmem>>
      %dma_start3A_185 = tpu.memref_squeeze %dma_start3A_184 : memref<1x80xi32, #tpu.memory_space<vmem>> -> memref<80xi32, #tpu.memory_space<vmem>>
      %dma_start3A_186 = arith.constant 0 : i32
      %dma_start3A_187 = tpu.memref_slice %arg14[%dma_start3A_186] : memref<10240xf32, #tpu.memory_space<vmem_shared>> -> memref<10240xf32, #tpu.memory_space<vmem_shared>>
      tpu.enqueue_indirect_dma source(%arg11 : memref<80xf32, #tpu.memory_space<vmem>>) target(%dma_start3A_187 : memref<10240xf32, #tpu.memory_space<vmem_shared>>) offsets(%dma_start3A_185 : memref<80xi32, #tpu.memory_space<vmem>>) semaphore(%arg15 : memref<!tpu.dma_semaphore, #tpu.memory_space<semaphore_mem>>) {add = true}
      %mul3A_188 = arith.constant 25 : i32
      %mul3A_189 = arith.muli %mul3A_188, %scan3A_69 : i32
      %add3A_190 = arith.addi %mul3A_39, %mul3A_189 : i32
      %add3A_191 = arith.constant 12 : i32
      %add3A_192 = arith.addi %add3A_190, %add3A_191 : i32
      %dma_start3A_193 = arith.constant 0 : i32
      %dma_start3A_194 = tpu.memref_slice %arg8[%add3A_192, %dma_start3A_193] : memref<250x80xi32, #tpu.memory_space<vmem>> -> memref<1x80xi32, #tpu.memory_space<vmem>>
      %dma_start3A_195 = tpu.memref_squeeze %dma_start3A_194 : memref<1x80xi32, #tpu.memory_space<vmem>> -> memref<80xi32, #tpu.memory_space<vmem>>
      %dma_start3A_196 = arith.constant 0 : i32
      %dma_start3A_197 = tpu.memref_slice %arg14[%dma_start3A_196] : memref<10240xf32, #tpu.memory_space<vmem_shared>> -> memref<10240xf32, #tpu.memory_space<vmem_shared>>
      tpu.enqueue_indirect_dma source(%arg11 : memref<80xf32, #tpu.memory_space<vmem>>) target(%dma_start3A_197 : memref<10240xf32, #tpu.memory_space<vmem_shared>>) offsets(%dma_start3A_195 : memref<80xi32, #tpu.memory_space<vmem>>) semaphore(%arg15 : memref<!tpu.dma_semaphore, #tpu.memory_space<semaphore_mem>>) {add = true}
      %mul3A_198 = arith.constant 25 : i32
      %mul3A_199 = arith.muli %mul3A_198, %scan3A_69 : i32
      %add3A_200 = arith.addi %mul3A_39, %mul3A_199 : i32
      %add3A_201 = arith.constant 13 : i32
      %add3A_202 = arith.addi %add3A_200, %add3A_201 : i32
      %dma_start3A_203 = arith.constant 0 : i32
      %dma_start3A_204 = tpu.memref_slice %arg8[%add3A_202, %dma_start3A_203] : memref<250x80xi32, #tpu.memory_space<vmem>> -> memref<1x80xi32, #tpu.memory_space<vmem>>
      %dma_start3A_205 = tpu.memref_squeeze %dma_start3A_204 : memref<1x80xi32, #tpu.memory_space<vmem>> -> memref<80xi32, #tpu.memory_space<vmem>>
      %dma_start3A_206 = arith.constant 0 : i32
      %dma_start3A_207 = tpu.memref_slice %arg14[%dma_start3A_206] : memref<10240xf32, #tpu.memory_space<vmem_shared>> -> memref<10240xf32, #tpu.memory_space<vmem_shared>>
      tpu.enqueue_indirect_dma source(%arg11 : memref<80xf32, #tpu.memory_space<vmem>>) target(%dma_start3A_207 : memref<10240xf32, #tpu.memory_space<vmem_shared>>) offsets(%dma_start3A_205 : memref<80xi32, #tpu.memory_space<vmem>>) semaphore(%arg15 : memref<!tpu.dma_semaphore, #tpu.memory_space<semaphore_mem>>) {add = true}
      %mul3A_208 = arith.constant 25 : i32
      %mul3A_209 = arith.muli %mul3A_208, %scan3A_69 : i32
      %add3A_210 = arith.addi %mul3A_39, %mul3A_209 : i32
      %add3A_211 = arith.constant 14 : i32
      %add3A_212 = arith.addi %add3A_210, %add3A_211 : i32
      %dma_start3A_213 = arith.constant 0 : i32
      %dma_start3A_214 = tpu.memref_slice %arg8[%add3A_212, %dma_start3A_213] : memref<250x80xi32, #tpu.memory_space<vmem>> -> memref<1x80xi32, #tpu.memory_space<vmem>>
      %dma_start3A_215 = tpu.memref_squeeze %dma_start3A_214 : memref<1x80xi32, #tpu.memory_space<vmem>> -> memref<80xi32, #tpu.memory_space<vmem>>
      %dma_start3A_216 = arith.constant 0 : i32
      %dma_start3A_217 = tpu.memref_slice %arg14[%dma_start3A_216] : memref<10240xf32, #tpu.memory_space<vmem_shared>> -> memref<10240xf32, #tpu.memory_space<vmem_shared>>
      tpu.enqueue_indirect_dma source(%arg11 : memref<80xf32, #tpu.memory_space<vmem>>) target(%dma_start3A_217 : memref<10240xf32, #tpu.memory_space<vmem_shared>>) offsets(%dma_start3A_215 : memref<80xi32, #tpu.memory_space<vmem>>) semaphore(%arg15 : memref<!tpu.dma_semaphore, #tpu.memory_space<semaphore_mem>>) {add = true}
      %mul3A_218 = arith.constant 25 : i32
      %mul3A_219 = arith.muli %mul3A_218, %scan3A_69 : i32
      %add3A_220 = arith.addi %mul3A_39, %mul3A_219 : i32
      %add3A_221 = arith.constant 15 : i32
      %add3A_222 = arith.addi %add3A_220, %add3A_221 : i32
      %dma_start3A_223 = arith.constant 0 : i32
      %dma_start3A_224 = tpu.memref_slice %arg8[%add3A_222, %dma_start3A_223] : memref<250x80xi32, #tpu.memory_space<vmem>> -> memref<1x80xi32, #tpu.memory_space<vmem>>
      %dma_start3A_225 = tpu.memref_squeeze %dma_start3A_224 : memref<1x80xi32, #tpu.memory_space<vmem>> -> memref<80xi32, #tpu.memory_space<vmem>>
      %dma_start3A_226 = arith.constant 0 : i32
      %dma_start3A_227 = tpu.memref_slice %arg14[%dma_start3A_226] : memref<10240xf32, #tpu.memory_space<vmem_shared>> -> memref<10240xf32, #tpu.memory_space<vmem_shared>>
      tpu.enqueue_indirect_dma source(%arg11 : memref<80xf32, #tpu.memory_space<vmem>>) target(%dma_start3A_227 : memref<10240xf32, #tpu.memory_space<vmem_shared>>) offsets(%dma_start3A_225 : memref<80xi32, #tpu.memory_space<vmem>>) semaphore(%arg15 : memref<!tpu.dma_semaphore, #tpu.memory_space<semaphore_mem>>) {add = true}
      %mul3A_228 = arith.constant 25 : i32
      %mul3A_229 = arith.muli %mul3A_228, %scan3A_69 : i32
      %add3A_230 = arith.addi %mul3A_39, %mul3A_229 : i32
      %add3A_231 = arith.constant 16 : i32
      %add3A_232 = arith.addi %add3A_230, %add3A_231 : i32
      %dma_start3A_233 = arith.constant 0 : i32
      %dma_start3A_234 = tpu.memref_slice %arg8[%add3A_232, %dma_start3A_233] : memref<250x80xi32, #tpu.memory_space<vmem>> -> memref<1x80xi32, #tpu.memory_space<vmem>>
      %dma_start3A_235 = tpu.memref_squeeze %dma_start3A_234 : memref<1x80xi32, #tpu.memory_space<vmem>> -> memref<80xi32, #tpu.memory_space<vmem>>
      %dma_start3A_236 = arith.constant 0 : i32
      %dma_start3A_237 = tpu.memref_slice %arg14[%dma_start3A_236] : memref<10240xf32, #tpu.memory_space<vmem_shared>> -> memref<10240xf32, #tpu.memory_space<vmem_shared>>
      tpu.enqueue_indirect_dma source(%arg11 : memref<80xf32, #tpu.memory_space<vmem>>) target(%dma_start3A_237 : memref<10240xf32, #tpu.memory_space<vmem_shared>>) offsets(%dma_start3A_235 : memref<80xi32, #tpu.memory_space<vmem>>) semaphore(%arg15 : memref<!tpu.dma_semaphore, #tpu.memory_space<semaphore_mem>>) {add = true}
      %mul3A_238 = arith.constant 25 : i32
      %mul3A_239 = arith.muli %mul3A_238, %scan3A_69 : i32
      %add3A_240 = arith.addi %mul3A_39, %mul3A_239 : i32
      %add3A_241 = arith.constant 17 : i32
      %add3A_242 = arith.addi %add3A_240, %add3A_241 : i32
      %dma_start3A_243 = arith.constant 0 : i32
      %dma_start3A_244 = tpu.memref_slice %arg8[%add3A_242, %dma_start3A_243] : memref<250x80xi32, #tpu.memory_space<vmem>> -> memref<1x80xi32, #tpu.memory_space<vmem>>
      %dma_start3A_245 = tpu.memref_squeeze %dma_start3A_244 : memref<1x80xi32, #tpu.memory_space<vmem>> -> memref<80xi32, #tpu.memory_space<vmem>>
      %dma_start3A_246 = arith.constant 0 : i32
      %dma_start3A_247 = tpu.memref_slice %arg14[%dma_start3A_246] : memref<10240xf32, #tpu.memory_space<vmem_shared>> -> memref<10240xf32, #tpu.memory_space<vmem_shared>>
      tpu.enqueue_indirect_dma source(%arg11 : memref<80xf32, #tpu.memory_space<vmem>>) target(%dma_start3A_247 : memref<10240xf32, #tpu.memory_space<vmem_shared>>) offsets(%dma_start3A_245 : memref<80xi32, #tpu.memory_space<vmem>>) semaphore(%arg15 : memref<!tpu.dma_semaphore, #tpu.memory_space<semaphore_mem>>) {add = true}
      %mul3A_248 = arith.constant 25 : i32
      %mul3A_249 = arith.muli %mul3A_248, %scan3A_69 : i32
      %add3A_250 = arith.addi %mul3A_39, %mul3A_249 : i32
      %add3A_251 = arith.constant 18 : i32
      %add3A_252 = arith.addi %add3A_250, %add3A_251 : i32
      %dma_start3A_253 = arith.constant 0 : i32
      %dma_start3A_254 = tpu.memref_slice %arg8[%add3A_252, %dma_start3A_253] : memref<250x80xi32, #tpu.memory_space<vmem>> -> memref<1x80xi32, #tpu.memory_space<vmem>>
      %dma_start3A_255 = tpu.memref_squeeze %dma_start3A_254 : memref<1x80xi32, #tpu.memory_space<vmem>> -> memref<80xi32, #tpu.memory_space<vmem>>
      %dma_start3A_256 = arith.constant 0 : i32
      %dma_start3A_257 = tpu.memref_slice %arg14[%dma_start3A_256] : memref<10240xf32, #tpu.memory_space<vmem_shared>> -> memref<10240xf32, #tpu.memory_space<vmem_shared>>
      tpu.enqueue_indirect_dma source(%arg11 : memref<80xf32, #tpu.memory_space<vmem>>) target(%dma_start3A_257 : memref<10240xf32, #tpu.memory_space<vmem_shared>>) offsets(%dma_start3A_255 : memref<80xi32, #tpu.memory_space<vmem>>) semaphore(%arg15 : memref<!tpu.dma_semaphore, #tpu.memory_space<semaphore_mem>>) {add = true}
      %mul3A_258 = arith.constant 25 : i32
      %mul3A_259 = arith.muli %mul3A_258, %scan3A_69 : i32
      %add3A_260 = arith.addi %mul3A_39, %mul3A_259 : i32
      %add3A_261 = arith.constant 19 : i32
      %add3A_262 = arith.addi %add3A_260, %add3A_261 : i32
      %dma_start3A_263 = arith.constant 0 : i32
      %dma_start3A_264 = tpu.memref_slice %arg8[%add3A_262, %dma_start3A_263] : memref<250x80xi32, #tpu.memory_space<vmem>> -> memref<1x80xi32, #tpu.memory_space<vmem>>
      %dma_start3A_265 = tpu.memref_squeeze %dma_start3A_264 : memref<1x80xi32, #tpu.memory_space<vmem>> -> memref<80xi32, #tpu.memory_space<vmem>>
      %dma_start3A_266 = arith.constant 0 : i32
      %dma_start3A_267 = tpu.memref_slice %arg14[%dma_start3A_266] : memref<10240xf32, #tpu.memory_space<vmem_shared>> -> memref<10240xf32, #tpu.memory_space<vmem_shared>>
      tpu.enqueue_indirect_dma source(%arg11 : memref<80xf32, #tpu.memory_space<vmem>>) target(%dma_start3A_267 : memref<10240xf32, #tpu.memory_space<vmem_shared>>) offsets(%dma_start3A_265 : memref<80xi32, #tpu.memory_space<vmem>>) semaphore(%arg15 : memref<!tpu.dma_semaphore, #tpu.memory_space<semaphore_mem>>) {add = true}
      %mul3A_268 = arith.constant 25 : i32
      %mul3A_269 = arith.muli %mul3A_268, %scan3A_69 : i32
      %add3A_270 = arith.addi %mul3A_39, %mul3A_269 : i32
      %add3A_271 = arith.constant 20 : i32
      %add3A_272 = arith.addi %add3A_270, %add3A_271 : i32
      %dma_start3A_273 = arith.constant 0 : i32
      %dma_start3A_274 = tpu.memref_slice %arg8[%add3A_272, %dma_start3A_273] : memref<250x80xi32, #tpu.memory_space<vmem>> -> memref<1x80xi32, #tpu.memory_space<vmem>>
      %dma_start3A_275 = tpu.memref_squeeze %dma_start3A_274 : memref<1x80xi32, #tpu.memory_space<vmem>> -> memref<80xi32, #tpu.memory_space<vmem>>
      %dma_start3A_276 = arith.constant 0 : i32
      %dma_start3A_277 = tpu.memref_slice %arg14[%dma_start3A_276] : memref<10240xf32, #tpu.memory_space<vmem_shared>> -> memref<10240xf32, #tpu.memory_space<vmem_shared>>
      tpu.enqueue_indirect_dma source(%arg11 : memref<80xf32, #tpu.memory_space<vmem>>) target(%dma_start3A_277 : memref<10240xf32, #tpu.memory_space<vmem_shared>>) offsets(%dma_start3A_275 : memref<80xi32, #tpu.memory_space<vmem>>) semaphore(%arg15 : memref<!tpu.dma_semaphore, #tpu.memory_space<semaphore_mem>>) {add = true}
      %mul3A_278 = arith.constant 25 : i32
      %mul3A_279 = arith.muli %mul3A_278, %scan3A_69 : i32
      %add3A_280 = arith.addi %mul3A_39, %mul3A_279 : i32
      %add3A_281 = arith.constant 21 : i32
      %add3A_282 = arith.addi %add3A_280, %add3A_281 : i32
      %dma_start3A_283 = arith.constant 0 : i32
      %dma_start3A_284 = tpu.memref_slice %arg8[%add3A_282, %dma_start3A_283] : memref<250x80xi32, #tpu.memory_space<vmem>> -> memref<1x80xi32, #tpu.memory_space<vmem>>
      %dma_start3A_285 = tpu.memref_squeeze %dma_start3A_284 : memref<1x80xi32, #tpu.memory_space<vmem>> -> memref<80xi32, #tpu.memory_space<vmem>>
      %dma_start3A_286 = arith.constant 0 : i32
      %dma_start3A_287 = tpu.memref_slice %arg14[%dma_start3A_286] : memref<10240xf32, #tpu.memory_space<vmem_shared>> -> memref<10240xf32, #tpu.memory_space<vmem_shared>>
      tpu.enqueue_indirect_dma source(%arg11 : memref<80xf32, #tpu.memory_space<vmem>>) target(%dma_start3A_287 : memref<10240xf32, #tpu.memory_space<vmem_shared>>) offsets(%dma_start3A_285 : memref<80xi32, #tpu.memory_space<vmem>>) semaphore(%arg15 : memref<!tpu.dma_semaphore, #tpu.memory_space<semaphore_mem>>) {add = true}
      %mul3A_288 = arith.constant 25 : i32
      %mul3A_289 = arith.muli %mul3A_288, %scan3A_69 : i32
      %add3A_290 = arith.addi %mul3A_39, %mul3A_289 : i32
      %add3A_291 = arith.constant 22 : i32
      %add3A_292 = arith.addi %add3A_290, %add3A_291 : i32
      %dma_start3A_293 = arith.constant 0 : i32
      %dma_start3A_294 = tpu.memref_slice %arg8[%add3A_292, %dma_start3A_293] : memref<250x80xi32, #tpu.memory_space<vmem>> -> memref<1x80xi32, #tpu.memory_space<vmem>>
      %dma_start3A_295 = tpu.memref_squeeze %dma_start3A_294 : memref<1x80xi32, #tpu.memory_space<vmem>> -> memref<80xi32, #tpu.memory_space<vmem>>
      %dma_start3A_296 = arith.constant 0 : i32
      %dma_start3A_297 = tpu.memref_slice %arg14[%dma_start3A_296] : memref<10240xf32, #tpu.memory_space<vmem_shared>> -> memref<10240xf32, #tpu.memory_space<vmem_shared>>
      tpu.enqueue_indirect_dma source(%arg11 : memref<80xf32, #tpu.memory_space<vmem>>) target(%dma_start3A_297 : memref<10240xf32, #tpu.memory_space<vmem_shared>>) offsets(%dma_start3A_295 : memref<80xi32, #tpu.memory_space<vmem>>) semaphore(%arg15 : memref<!tpu.dma_semaphore, #tpu.memory_space<semaphore_mem>>) {add = true}
      %mul3A_298 = arith.constant 25 : i32
      %mul3A_299 = arith.muli %mul3A_298, %scan3A_69 : i32
      %add3A_300 = arith.addi %mul3A_39, %mul3A_299 : i32
      %add3A_301 = arith.constant 23 : i32
      %add3A_302 = arith.addi %add3A_300, %add3A_301 : i32
      %dma_start3A_303 = arith.constant 0 : i32
      %dma_start3A_304 = tpu.memref_slice %arg8[%add3A_302, %dma_start3A_303] : memref<250x80xi32, #tpu.memory_space<vmem>> -> memref<1x80xi32, #tpu.memory_space<vmem>>
      %dma_start3A_305 = tpu.memref_squeeze %dma_start3A_304 : memref<1x80xi32, #tpu.memory_space<vmem>> -> memref<80xi32, #tpu.memory_space<vmem>>
      %dma_start3A_306 = arith.constant 0 : i32
      %dma_start3A_307 = tpu.memref_slice %arg14[%dma_start3A_306] : memref<10240xf32, #tpu.memory_space<vmem_shared>> -> memref<10240xf32, #tpu.memory_space<vmem_shared>>
      tpu.enqueue_indirect_dma source(%arg11 : memref<80xf32, #tpu.memory_space<vmem>>) target(%dma_start3A_307 : memref<10240xf32, #tpu.memory_space<vmem_shared>>) offsets(%dma_start3A_305 : memref<80xi32, #tpu.memory_space<vmem>>) semaphore(%arg15 : memref<!tpu.dma_semaphore, #tpu.memory_space<semaphore_mem>>) {add = true}
      %mul3A_308 = arith.constant 25 : i32
      %mul3A_309 = arith.muli %mul3A_308, %scan3A_69 : i32
      %add3A_310 = arith.addi %mul3A_39, %mul3A_309 : i32
      %add3A_311 = arith.constant 24 : i32
      %add3A_312 = arith.addi %add3A_310, %add3A_311 : i32
      %dma_start3A_313 = arith.constant 0 : i32
      %dma_start3A_314 = tpu.memref_slice %arg8[%add3A_312, %dma_start3A_313] : memref<250x80xi32, #tpu.memory_space<vmem>> -> memref<1x80xi32, #tpu.memory_space<vmem>>
      %dma_start3A_315 = tpu.memref_squeeze %dma_start3A_314 : memref<1x80xi32, #tpu.memory_space<vmem>> -> memref<80xi32, #tpu.memory_space<vmem>>
      %dma_start3A_316 = arith.constant 0 : i32
      %dma_start3A_317 = tpu.memref_slice %arg14[%dma_start3A_316] : memref<10240xf32, #tpu.memory_space<vmem_shared>> -> memref<10240xf32, #tpu.memory_space<vmem_shared>>
      tpu.enqueue_indirect_dma source(%arg11 : memref<80xf32, #tpu.memory_space<vmem>>) target(%dma_start3A_317 : memref<10240xf32, #tpu.memory_space<vmem_shared>>) offsets(%dma_start3A_315 : memref<80xi32, #tpu.memory_space<vmem>>) semaphore(%arg15 : memref<!tpu.dma_semaphore, #tpu.memory_space<semaphore_mem>>) {add = true}
      %dma_wait3A = arith.constant 0 : i32
      %dma_wait3A_318 = arith.constant 0 : i32
      %dma_wait3A_319 = tpu.memref_slice %arg7[%dma_wait3A, %dma_wait3A_318] : memref<250x80xi32, #tpu.memory_space<vmem>> -> memref<1x80xi32, #tpu.memory_space<vmem>>
      %dma_wait3A_320 = tpu.memref_squeeze %dma_wait3A_319 : memref<1x80xi32, #tpu.memory_space<vmem>> -> memref<80xi32, #tpu.memory_space<vmem>>
      %dma_wait3A_321 = arith.constant 0 : i32
      %dma_wait3A_322 = tpu.memref_slice %arg14[%dma_wait3A_321] : memref<10240xf32, #tpu.memory_space<vmem_shared>> -> memref<10240xf32, #tpu.memory_space<vmem_shared>>
      tpu.wait_indirect_dma semaphore(%arg15 : memref<!tpu.dma_semaphore, #tpu.memory_space<semaphore_mem>>) src(%arg11 : memref<80xf32, #tpu.memory_space<vmem>>) dst(%dma_wait3A_322 : memref<10240xf32, #tpu.memory_space<vmem_shared>>)
      %dma_wait3A_323 = arith.constant 0 : i32
      %dma_wait3A_324 = arith.constant 0 : i32
      %dma_wait3A_325 = tpu.memref_slice %arg7[%dma_wait3A_323, %dma_wait3A_324] : memref<250x80xi32, #tpu.memory_space<vmem>> -> memref<1x80xi32, #tpu.memory_space<vmem>>
      %dma_wait3A_326 = tpu.memref_squeeze %dma_wait3A_325 : memref<1x80xi32, #tpu.memory_space<vmem>> -> memref<80xi32, #tpu.memory_space<vmem>>
      %dma_wait3A_327 = arith.constant 0 : i32
      %dma_wait3A_328 = tpu.memref_slice %arg14[%dma_wait3A_327] : memref<10240xf32, #tpu.memory_space<vmem_shared>> -> memref<10240xf32, #tpu.memory_space<vmem_shared>>
      tpu.wait_indirect_dma semaphore(%arg15 : memref<!tpu.dma_semaphore, #tpu.memory_space<semaphore_mem>>) src(%arg11 : memref<80xf32, #tpu.memory_space<vmem>>) dst(%dma_wait3A_328 : memref<10240xf32, #tpu.memory_space<vmem_shared>>)
      %dma_wait3A_329 = arith.constant 0 : i32
      %dma_wait3A_330 = arith.constant 0 : i32
      %dma_wait3A_331 = tpu.memref_slice %arg7[%dma_wait3A_329, %dma_wait3A_330] : memref<250x80xi32, #tpu.memory_space<vmem>> -> memref<1x80xi32, #tpu.memory_space<vmem>>
      %dma_wait3A_332 = tpu.memref_squeeze %dma_wait3A_331 : memref<1x80xi32, #tpu.memory_space<vmem>> -> memref<80xi32, #tpu.memory_space<vmem>>
      %dma_wait3A_333 = arith.constant 0 : i32
      %dma_wait3A_334 = tpu.memref_slice %arg14[%dma_wait3A_333] : memref<10240xf32, #tpu.memory_space<vmem_shared>> -> memref<10240xf32, #tpu.memory_space<vmem_shared>>
      tpu.wait_indirect_dma semaphore(%arg15 : memref<!tpu.dma_semaphore, #tpu.memory_space<semaphore_mem>>) src(%arg11 : memref<80xf32, #tpu.memory_space<vmem>>) dst(%dma_wait3A_334 : memref<10240xf32, #tpu.memory_space<vmem_shared>>)
      %dma_wait3A_335 = arith.constant 0 : i32
      %dma_wait3A_336 = arith.constant 0 : i32
      %dma_wait3A_337 = tpu.memref_slice %arg7[%dma_wait3A_335, %dma_wait3A_336] : memref<250x80xi32, #tpu.memory_space<vmem>> -> memref<1x80xi32, #tpu.memory_space<vmem>>
      %dma_wait3A_338 = tpu.memref_squeeze %dma_wait3A_337 : memref<1x80xi32, #tpu.memory_space<vmem>> -> memref<80xi32, #tpu.memory_space<vmem>>
      %dma_wait3A_339 = arith.constant 0 : i32
      %dma_wait3A_340 = tpu.memref_slice %arg14[%dma_wait3A_339] : memref<10240xf32, #tpu.memory_space<vmem_shared>> -> memref<10240xf32, #tpu.memory_space<vmem_shared>>
      tpu.wait_indirect_dma semaphore(%arg15 : memref<!tpu.dma_semaphore, #tpu.memory_space<semaphore_mem>>) src(%arg11 : memref<80xf32, #tpu.memory_space<vmem>>) dst(%dma_wait3A_340 : memref<10240xf32, #tpu.memory_space<vmem_shared>>)
      %dma_wait3A_341 = arith.constant 0 : i32
      %dma_wait3A_342 = arith.constant 0 : i32
      %dma_wait3A_343 = tpu.memref_slice %arg7[%dma_wait3A_341, %dma_wait3A_342] : memref<250x80xi32, #tpu.memory_space<vmem>> -> memref<1x80xi32, #tpu.memory_space<vmem>>
      %dma_wait3A_344 = tpu.memref_squeeze %dma_wait3A_343 : memref<1x80xi32, #tpu.memory_space<vmem>> -> memref<80xi32, #tpu.memory_space<vmem>>
      %dma_wait3A_345 = arith.constant 0 : i32
      %dma_wait3A_346 = tpu.memref_slice %arg14[%dma_wait3A_345] : memref<10240xf32, #tpu.memory_space<vmem_shared>> -> memref<10240xf32, #tpu.memory_space<vmem_shared>>
      tpu.wait_indirect_dma semaphore(%arg15 : memref<!tpu.dma_semaphore, #tpu.memory_space<semaphore_mem>>) src(%arg11 : memref<80xf32, #tpu.memory_space<vmem>>) dst(%dma_wait3A_346 : memref<10240xf32, #tpu.memory_space<vmem_shared>>)
      %dma_wait3A_347 = arith.constant 0 : i32
      %dma_wait3A_348 = arith.constant 0 : i32
      %dma_wait3A_349 = tpu.memref_slice %arg7[%dma_wait3A_347, %dma_wait3A_348] : memref<250x80xi32, #tpu.memory_space<vmem>> -> memref<1x80xi32, #tpu.memory_space<vmem>>
      %dma_wait3A_350 = tpu.memref_squeeze %dma_wait3A_349 : memref<1x80xi32, #tpu.memory_space<vmem>> -> memref<80xi32, #tpu.memory_space<vmem>>
      %dma_wait3A_351 = arith.constant 0 : i32
      %dma_wait3A_352 = tpu.memref_slice %arg14[%dma_wait3A_351] : memref<10240xf32, #tpu.memory_space<vmem_shared>> -> memref<10240xf32, #tpu.memory_space<vmem_shared>>
      tpu.wait_indirect_dma semaphore(%arg15 : memref<!tpu.dma_semaphore, #tpu.memory_space<semaphore_mem>>) src(%arg11 : memref<80xf32, #tpu.memory_space<vmem>>) dst(%dma_wait3A_352 : memref<10240xf32, #tpu.memory_space<vmem_shared>>)
      %dma_wait3A_353 = arith.constant 0 : i32
      %dma_wait3A_354 = arith.constant 0 : i32
      %dma_wait3A_355 = tpu.memref_slice %arg7[%dma_wait3A_353, %dma_wait3A_354] : memref<250x80xi32, #tpu.memory_space<vmem>> -> memref<1x80xi32, #tpu.memory_space<vmem>>
      %dma_wait3A_356 = tpu.memref_squeeze %dma_wait3A_355 : memref<1x80xi32, #tpu.memory_space<vmem>> -> memref<80xi32, #tpu.memory_space<vmem>>
      %dma_wait3A_357 = arith.constant 0 : i32
      %dma_wait3A_358 = tpu.memref_slice %arg14[%dma_wait3A_357] : memref<10240xf32, #tpu.memory_space<vmem_shared>> -> memref<10240xf32, #tpu.memory_space<vmem_shared>>
      tpu.wait_indirect_dma semaphore(%arg15 : memref<!tpu.dma_semaphore, #tpu.memory_space<semaphore_mem>>) src(%arg11 : memref<80xf32, #tpu.memory_space<vmem>>) dst(%dma_wait3A_358 : memref<10240xf32, #tpu.memory_space<vmem_shared>>)
      %dma_wait3A_359 = arith.constant 0 : i32
      %dma_wait3A_360 = arith.constant 0 : i32
      %dma_wait3A_361 = tpu.memref_slice %arg7[%dma_wait3A_359, %dma_wait3A_360] : memref<250x80xi32, #tpu.memory_space<vmem>> -> memref<1x80xi32, #tpu.memory_space<vmem>>
      %dma_wait3A_362 = tpu.memref_squeeze %dma_wait3A_361 : memref<1x80xi32, #tpu.memory_space<vmem>> -> memref<80xi32, #tpu.memory_space<vmem>>
      %dma_wait3A_363 = arith.constant 0 : i32
      %dma_wait3A_364 = tpu.memref_slice %arg14[%dma_wait3A_363] : memref<10240xf32, #tpu.memory_space<vmem_shared>> -> memref<10240xf32, #tpu.memory_space<vmem_shared>>
      tpu.wait_indirect_dma semaphore(%arg15 : memref<!tpu.dma_semaphore, #tpu.memory_space<semaphore_mem>>) src(%arg11 : memref<80xf32, #tpu.memory_space<vmem>>) dst(%dma_wait3A_364 : memref<10240xf32, #tpu.memory_space<vmem_shared>>)
      %dma_wait3A_365 = arith.constant 0 : i32
      %dma_wait3A_366 = arith.constant 0 : i32
      %dma_wait3A_367 = tpu.memref_slice %arg7[%dma_wait3A_365, %dma_wait3A_366] : memref<250x80xi32, #tpu.memory_space<vmem>> -> memref<1x80xi32, #tpu.memory_space<vmem>>
      %dma_wait3A_368 = tpu.memref_squeeze %dma_wait3A_367 : memref<1x80xi32, #tpu.memory_space<vmem>> -> memref<80xi32, #tpu.memory_space<vmem>>
      %dma_wait3A_369 = arith.constant 0 : i32
      %dma_wait3A_370 = tpu.memref_slice %arg14[%dma_wait3A_369] : memref<10240xf32, #tpu.memory_space<vmem_shared>> -> memref<10240xf32, #tpu.memory_space<vmem_shared>>
      tpu.wait_indirect_dma semaphore(%arg15 : memref<!tpu.dma_semaphore, #tpu.memory_space<semaphore_mem>>) src(%arg11 : memref<80xf32, #tpu.memory_space<vmem>>) dst(%dma_wait3A_370 : memref<10240xf32, #tpu.memory_space<vmem_shared>>)
      %dma_wait3A_371 = arith.constant 0 : i32
      %dma_wait3A_372 = arith.constant 0 : i32
      %dma_wait3A_373 = tpu.memref_slice %arg7[%dma_wait3A_371, %dma_wait3A_372] : memref<250x80xi32, #tpu.memory_space<vmem>> -> memref<1x80xi32, #tpu.memory_space<vmem>>
      %dma_wait3A_374 = tpu.memref_squeeze %dma_wait3A_373 : memref<1x80xi32, #tpu.memory_space<vmem>> -> memref<80xi32, #tpu.memory_space<vmem>>
      %dma_wait3A_375 = arith.constant 0 : i32
      %dma_wait3A_376 = tpu.memref_slice %arg14[%dma_wait3A_375] : memref<10240xf32, #tpu.memory_space<vmem_shared>> -> memref<10240xf32, #tpu.memory_space<vmem_shared>>
      tpu.wait_indirect_dma semaphore(%arg15 : memref<!tpu.dma_semaphore, #tpu.memory_space<semaphore_mem>>) src(%arg11 : memref<80xf32, #tpu.memory_space<vmem>>) dst(%dma_wait3A_376 : memref<10240xf32, #tpu.memory_space<vmem_shared>>)
      %dma_wait3A_377 = arith.constant 0 : i32
      %dma_wait3A_378 = arith.constant 0 : i32
      %dma_wait3A_379 = tpu.memref_slice %arg7[%dma_wait3A_377, %dma_wait3A_378] : memref<250x80xi32, #tpu.memory_space<vmem>> -> memref<1x80xi32, #tpu.memory_space<vmem>>
      %dma_wait3A_380 = tpu.memref_squeeze %dma_wait3A_379 : memref<1x80xi32, #tpu.memory_space<vmem>> -> memref<80xi32, #tpu.memory_space<vmem>>
      %dma_wait3A_381 = arith.constant 0 : i32
      %dma_wait3A_382 = tpu.memref_slice %arg14[%dma_wait3A_381] : memref<10240xf32, #tpu.memory_space<vmem_shared>> -> memref<10240xf32, #tpu.memory_space<vmem_shared>>
      tpu.wait_indirect_dma semaphore(%arg15 : memref<!tpu.dma_semaphore, #tpu.memory_space<semaphore_mem>>) src(%arg11 : memref<80xf32, #tpu.memory_space<vmem>>) dst(%dma_wait3A_382 : memref<10240xf32, #tpu.memory_space<vmem_shared>>)
      %dma_wait3A_383 = arith.constant 0 : i32
      %dma_wait3A_384 = arith.constant 0 : i32
      %dma_wait3A_385 = tpu.memref_slice %arg7[%dma_wait3A_383, %dma_wait3A_384] : memref<250x80xi32, #tpu.memory_space<vmem>> -> memref<1x80xi32, #tpu.memory_space<vmem>>
      %dma_wait3A_386 = tpu.memref_squeeze %dma_wait3A_385 : memref<1x80xi32, #tpu.memory_space<vmem>> -> memref<80xi32, #tpu.memory_space<vmem>>
      %dma_wait3A_387 = arith.constant 0 : i32
      %dma_wait3A_388 = tpu.memref_slice %arg14[%dma_wait3A_387] : memref<10240xf32, #tpu.memory_space<vmem_shared>> -> memref<10240xf32, #tpu.memory_space<vmem_shared>>
      tpu.wait_indirect_dma semaphore(%arg15 : memref<!tpu.dma_semaphore, #tpu.memory_space<semaphore_mem>>) src(%arg11 : memref<80xf32, #tpu.memory_space<vmem>>) dst(%dma_wait3A_388 : memref<10240xf32, #tpu.memory_space<vmem_shared>>)
      %dma_wait3A_389 = arith.constant 0 : i32
      %dma_wait3A_390 = arith.constant 0 : i32
      %dma_wait3A_391 = tpu.memref_slice %arg7[%dma_wait3A_389, %dma_wait3A_390] : memref<250x80xi32, #tpu.memory_space<vmem>> -> memref<1x80xi32, #tpu.memory_space<vmem>>
      %dma_wait3A_392 = tpu.memref_squeeze %dma_wait3A_391 : memref<1x80xi32, #tpu.memory_space<vmem>> -> memref<80xi32, #tpu.memory_space<vmem>>
      %dma_wait3A_393 = arith.constant 0 : i32
      %dma_wait3A_394 = tpu.memref_slice %arg14[%dma_wait3A_393] : memref<10240xf32, #tpu.memory_space<vmem_shared>> -> memref<10240xf32, #tpu.memory_space<vmem_shared>>
      tpu.wait_indirect_dma semaphore(%arg15 : memref<!tpu.dma_semaphore, #tpu.memory_space<semaphore_mem>>) src(%arg11 : memref<80xf32, #tpu.memory_space<vmem>>) dst(%dma_wait3A_394 : memref<10240xf32, #tpu.memory_space<vmem_shared>>)
      %dma_wait3A_395 = arith.constant 0 : i32
      %dma_wait3A_396 = arith.constant 0 : i32
      %dma_wait3A_397 = tpu.memref_slice %arg7[%dma_wait3A_395, %dma_wait3A_396] : memref<250x80xi32, #tpu.memory_space<vmem>> -> memref<1x80xi32, #tpu.memory_space<vmem>>
      %dma_wait3A_398 = tpu.memref_squeeze %dma_wait3A_397 : memref<1x80xi32, #tpu.memory_space<vmem>> -> memref<80xi32, #tpu.memory_space<vmem>>
      %dma_wait3A_399 = arith.constant 0 : i32
      %dma_wait3A_400 = tpu.memref_slice %arg14[%dma_wait3A_399] : memref<10240xf32, #tpu.memory_space<vmem_shared>> -> memref<10240xf32, #tpu.memory_space<vmem_shared>>
      tpu.wait_indirect_dma semaphore(%arg15 : memref<!tpu.dma_semaphore, #tpu.memory_space<semaphore_mem>>) src(%arg11 : memref<80xf32, #tpu.memory_space<vmem>>) dst(%dma_wait3A_400 : memref<10240xf32, #tpu.memory_space<vmem_shared>>)
      %dma_wait3A_401 = arith.constant 0 : i32
      %dma_wait3A_402 = arith.constant 0 : i32
      %dma_wait3A_403 = tpu.memref_slice %arg7[%dma_wait3A_401, %dma_wait3A_402] : memref<250x80xi32, #tpu.memory_space<vmem>> -> memref<1x80xi32, #tpu.memory_space<vmem>>
      %dma_wait3A_404 = tpu.memref_squeeze %dma_wait3A_403 : memref<1x80xi32, #tpu.memory_space<vmem>> -> memref<80xi32, #tpu.memory_space<vmem>>
      %dma_wait3A_405 = arith.constant 0 : i32
      %dma_wait3A_406 = tpu.memref_slice %arg14[%dma_wait3A_405] : memref<10240xf32, #tpu.memory_space<vmem_shared>> -> memref<10240xf32, #tpu.memory_space<vmem_shared>>
      tpu.wait_indirect_dma semaphore(%arg15 : memref<!tpu.dma_semaphore, #tpu.memory_space<semaphore_mem>>) src(%arg11 : memref<80xf32, #tpu.memory_space<vmem>>) dst(%dma_wait3A_406 : memref<10240xf32, #tpu.memory_space<vmem_shared>>)
      %dma_wait3A_407 = arith.constant 0 : i32
      %dma_wait3A_408 = arith.constant 0 : i32
      %dma_wait3A_409 = tpu.memref_slice %arg7[%dma_wait3A_407, %dma_wait3A_408] : memref<250x80xi32, #tpu.memory_space<vmem>> -> memref<1x80xi32, #tpu.memory_space<vmem>>
      %dma_wait3A_410 = tpu.memref_squeeze %dma_wait3A_409 : memref<1x80xi32, #tpu.memory_space<vmem>> -> memref<80xi32, #tpu.memory_space<vmem>>
      %dma_wait3A_411 = arith.constant 0 : i32
      %dma_wait3A_412 = tpu.memref_slice %arg14[%dma_wait3A_411] : memref<10240xf32, #tpu.memory_space<vmem_shared>> -> memref<10240xf32, #tpu.memory_space<vmem_shared>>
      tpu.wait_indirect_dma semaphore(%arg15 : memref<!tpu.dma_semaphore, #tpu.memory_space<semaphore_mem>>) src(%arg11 : memref<80xf32, #tpu.memory_space<vmem>>) dst(%dma_wait3A_412 : memref<10240xf32, #tpu.memory_space<vmem_shared>>)
      %dma_wait3A_413 = arith.constant 0 : i32
      %dma_wait3A_414 = arith.constant 0 : i32
      %dma_wait3A_415 = tpu.memref_slice %arg7[%dma_wait3A_413, %dma_wait3A_414] : memref<250x80xi32, #tpu.memory_space<vmem>> -> memref<1x80xi32, #tpu.memory_space<vmem>>
      %dma_wait3A_416 = tpu.memref_squeeze %dma_wait3A_415 : memref<1x80xi32, #tpu.memory_space<vmem>> -> memref<80xi32, #tpu.memory_space<vmem>>
      %dma_wait3A_417 = arith.constant 0 : i32
      %dma_wait3A_418 = tpu.memref_slice %arg14[%dma_wait3A_417] : memref<10240xf32, #tpu.memory_space<vmem_shared>> -> memref<10240xf32, #tpu.memory_space<vmem_shared>>
      tpu.wait_indirect_dma semaphore(%arg15 : memref<!tpu.dma_semaphore, #tpu.memory_space<semaphore_mem>>) src(%arg11 : memref<80xf32, #tpu.memory_space<vmem>>) dst(%dma_wait3A_418 : memref<10240xf32, #tpu.memory_space<vmem_shared>>)
      %dma_wait3A_419 = arith.constant 0 : i32
      %dma_wait3A_420 = arith.constant 0 : i32
      %dma_wait3A_421 = tpu.memref_slice %arg7[%dma_wait3A_419, %dma_wait3A_420] : memref<250x80xi32, #tpu.memory_space<vmem>> -> memref<1x80xi32, #tpu.memory_space<vmem>>
      %dma_wait3A_422 = tpu.memref_squeeze %dma_wait3A_421 : memref<1x80xi32, #tpu.memory_space<vmem>> -> memref<80xi32, #tpu.memory_space<vmem>>
      %dma_wait3A_423 = arith.constant 0 : i32
      %dma_wait3A_424 = tpu.memref_slice %arg14[%dma_wait3A_423] : memref<10240xf32, #tpu.memory_space<vmem_shared>> -> memref<10240xf32, #tpu.memory_space<vmem_shared>>
      tpu.wait_indirect_dma semaphore(%arg15 : memref<!tpu.dma_semaphore, #tpu.memory_space<semaphore_mem>>) src(%arg11 : memref<80xf32, #tpu.memory_space<vmem>>) dst(%dma_wait3A_424 : memref<10240xf32, #tpu.memory_space<vmem_shared>>)
      %dma_wait3A_425 = arith.constant 0 : i32
      %dma_wait3A_426 = arith.constant 0 : i32
      %dma_wait3A_427 = tpu.memref_slice %arg7[%dma_wait3A_425, %dma_wait3A_426] : memref<250x80xi32, #tpu.memory_space<vmem>> -> memref<1x80xi32, #tpu.memory_space<vmem>>
      %dma_wait3A_428 = tpu.memref_squeeze %dma_wait3A_427 : memref<1x80xi32, #tpu.memory_space<vmem>> -> memref<80xi32, #tpu.memory_space<vmem>>
      %dma_wait3A_429 = arith.constant 0 : i32
      %dma_wait3A_430 = tpu.memref_slice %arg14[%dma_wait3A_429] : memref<10240xf32, #tpu.memory_space<vmem_shared>> -> memref<10240xf32, #tpu.memory_space<vmem_shared>>
      tpu.wait_indirect_dma semaphore(%arg15 : memref<!tpu.dma_semaphore, #tpu.memory_space<semaphore_mem>>) src(%arg11 : memref<80xf32, #tpu.memory_space<vmem>>) dst(%dma_wait3A_430 : memref<10240xf32, #tpu.memory_space<vmem_shared>>)
      %dma_wait3A_431 = arith.constant 0 : i32
      %dma_wait3A_432 = arith.constant 0 : i32
      %dma_wait3A_433 = tpu.memref_slice %arg7[%dma_wait3A_431, %dma_wait3A_432] : memref<250x80xi32, #tpu.memory_space<vmem>> -> memref<1x80xi32, #tpu.memory_space<vmem>>
      %dma_wait3A_434 = tpu.memref_squeeze %dma_wait3A_433 : memref<1x80xi32, #tpu.memory_space<vmem>> -> memref<80xi32, #tpu.memory_space<vmem>>
      %dma_wait3A_435 = arith.constant 0 : i32
      %dma_wait3A_436 = tpu.memref_slice %arg14[%dma_wait3A_435] : memref<10240xf32, #tpu.memory_space<vmem_shared>> -> memref<10240xf32, #tpu.memory_space<vmem_shared>>
      tpu.wait_indirect_dma semaphore(%arg15 : memref<!tpu.dma_semaphore, #tpu.memory_space<semaphore_mem>>) src(%arg11 : memref<80xf32, #tpu.memory_space<vmem>>) dst(%dma_wait3A_436 : memref<10240xf32, #tpu.memory_space<vmem_shared>>)
      %dma_wait3A_437 = arith.constant 0 : i32
      %dma_wait3A_438 = arith.constant 0 : i32
      %dma_wait3A_439 = tpu.memref_slice %arg7[%dma_wait3A_437, %dma_wait3A_438] : memref<250x80xi32, #tpu.memory_space<vmem>> -> memref<1x80xi32, #tpu.memory_space<vmem>>
      %dma_wait3A_440 = tpu.memref_squeeze %dma_wait3A_439 : memref<1x80xi32, #tpu.memory_space<vmem>> -> memref<80xi32, #tpu.memory_space<vmem>>
      %dma_wait3A_441 = arith.constant 0 : i32
      %dma_wait3A_442 = tpu.memref_slice %arg14[%dma_wait3A_441] : memref<10240xf32, #tpu.memory_space<vmem_shared>> -> memref<10240xf32, #tpu.memory_space<vmem_shared>>
      tpu.wait_indirect_dma semaphore(%arg15 : memref<!tpu.dma_semaphore, #tpu.memory_space<semaphore_mem>>) src(%arg11 : memref<80xf32, #tpu.memory_space<vmem>>) dst(%dma_wait3A_442 : memref<10240xf32, #tpu.memory_space<vmem_shared>>)
      %dma_wait3A_443 = arith.constant 0 : i32
      %dma_wait3A_444 = arith.constant 0 : i32
      %dma_wait3A_445 = tpu.memref_slice %arg7[%dma_wait3A_443, %dma_wait3A_444] : memref<250x80xi32, #tpu.memory_space<vmem>> -> memref<1x80xi32, #tpu.memory_space<vmem>>
      %dma_wait3A_446 = tpu.memref_squeeze %dma_wait3A_445 : memref<1x80xi32, #tpu.memory_space<vmem>> -> memref<80xi32, #tpu.memory_space<vmem>>
      %dma_wait3A_447 = arith.constant 0 : i32
      %dma_wait3A_448 = tpu.memref_slice %arg14[%dma_wait3A_447] : memref<10240xf32, #tpu.memory_space<vmem_shared>> -> memref<10240xf32, #tpu.memory_space<vmem_shared>>
      tpu.wait_indirect_dma semaphore(%arg15 : memref<!tpu.dma_semaphore, #tpu.memory_space<semaphore_mem>>) src(%arg11 : memref<80xf32, #tpu.memory_space<vmem>>) dst(%dma_wait3A_448 : memref<10240xf32, #tpu.memory_space<vmem_shared>>)
      %dma_wait3A_449 = arith.constant 0 : i32
      %dma_wait3A_450 = arith.constant 0 : i32
      %dma_wait3A_451 = tpu.memref_slice %arg7[%dma_wait3A_449, %dma_wait3A_450] : memref<250x80xi32, #tpu.memory_space<vmem>> -> memref<1x80xi32, #tpu.memory_space<vmem>>
      %dma_wait3A_452 = tpu.memref_squeeze %dma_wait3A_451 : memref<1x80xi32, #tpu.memory_space<vmem>> -> memref<80xi32, #tpu.memory_space<vmem>>
      %dma_wait3A_453 = arith.constant 0 : i32
      %dma_wait3A_454 = tpu.memref_slice %arg14[%dma_wait3A_453] : memref<10240xf32, #tpu.memory_space<vmem_shared>> -> memref<10240xf32, #tpu.memory_space<vmem_shared>>
      tpu.wait_indirect_dma semaphore(%arg15 : memref<!tpu.dma_semaphore, #tpu.memory_space<semaphore_mem>>) src(%arg11 : memref<80xf32, #tpu.memory_space<vmem>>) dst(%dma_wait3A_454 : memref<10240xf32, #tpu.memory_space<vmem_shared>>)
      %dma_wait3A_455 = arith.constant 0 : i32
      %dma_wait3A_456 = arith.constant 0 : i32
      %dma_wait3A_457 = tpu.memref_slice %arg7[%dma_wait3A_455, %dma_wait3A_456] : memref<250x80xi32, #tpu.memory_space<vmem>> -> memref<1x80xi32, #tpu.memory_space<vmem>>
      %dma_wait3A_458 = tpu.memref_squeeze %dma_wait3A_457 : memref<1x80xi32, #tpu.memory_space<vmem>> -> memref<80xi32, #tpu.memory_space<vmem>>
      %dma_wait3A_459 = arith.constant 0 : i32
      %dma_wait3A_460 = tpu.memref_slice %arg14[%dma_wait3A_459] : memref<10240xf32, #tpu.memory_space<vmem_shared>> -> memref<10240xf32, #tpu.memory_space<vmem_shared>>
      tpu.wait_indirect_dma semaphore(%arg15 : memref<!tpu.dma_semaphore, #tpu.memory_space<semaphore_mem>>) src(%arg11 : memref<80xf32, #tpu.memory_space<vmem>>) dst(%dma_wait3A_460 : memref<10240xf32, #tpu.memory_space<vmem_shared>>)
      %dma_wait3A_461 = arith.constant 0 : i32
      %dma_wait3A_462 = arith.constant 0 : i32
      %dma_wait3A_463 = tpu.memref_slice %arg7[%dma_wait3A_461, %dma_wait3A_462] : memref<250x80xi32, #tpu.memory_space<vmem>> -> memref<1x80xi32, #tpu.memory_space<vmem>>
      %dma_wait3A_464 = tpu.memref_squeeze %dma_wait3A_463 : memref<1x80xi32, #tpu.memory_space<vmem>> -> memref<80xi32, #tpu.memory_space<vmem>>
      %dma_wait3A_465 = arith.constant 0 : i32
      %dma_wait3A_466 = tpu.memref_slice %arg14[%dma_wait3A_465] : memref<10240xf32, #tpu.memory_space<vmem_shared>> -> memref<10240xf32, #tpu.memory_space<vmem_shared>>
      tpu.wait_indirect_dma semaphore(%arg15 : memref<!tpu.dma_semaphore, #tpu.memory_space<semaphore_mem>>) src(%arg11 : memref<80xf32, #tpu.memory_space<vmem>>) dst(%dma_wait3A_466 : memref<10240xf32, #tpu.memory_space<vmem_shared>>)
    }
    %scan3A_45 = arith.constant 5 : i32
    %barrier3A_46 = arith.constant 0 : index
    tpu.barrier barrier_id(%barrier3A_46)
    "tpu.region"() ({
      %run_scoped3A = tpu.sem_alloc : memref<!tpu.dma_semaphore, #tpu.memory_space<semaphore_mem>>
      %dma_start3A = tpu.memref_slice %arg6[%arg0, %mul3A_23] : memref<2x10240xf32, #tpu.memory_space<hbm>> -> memref<1x640xf32, #tpu.memory_space<hbm>>
      %dma_start3A_69 = tpu.memref_squeeze %dma_start3A : memref<1x640xf32, #tpu.memory_space<hbm>> -> memref<640xf32, #tpu.memory_space<hbm>>
      %dma_start3A_70 = tpu.memref_slice %arg14[%mul3A_23] : memref<10240xf32, #tpu.memory_space<vmem_shared>> -> memref<640xf32, #tpu.memory_space<vmem_shared>>
      tpu.enqueue_dma source(%dma_start3A_70 : memref<640xf32, #tpu.memory_space<vmem_shared>>) target(%dma_start3A_69 : memref<640xf32, #tpu.memory_space<hbm>>) target_semaphore(%run_scoped3A : memref<!tpu.dma_semaphore, #tpu.memory_space<semaphore_mem>>)
      %dma_wait3A = tpu.memref_slice %arg6[%arg0, %mul3A_23] : memref<2x10240xf32, #tpu.memory_space<hbm>> -> memref<1x640xf32, #tpu.memory_space<hbm>>
      %dma_wait3A_71 = tpu.memref_squeeze %dma_wait3A : memref<1x640xf32, #tpu.memory_space<hbm>> -> memref<640xf32, #tpu.memory_space<hbm>>
      %dma_wait3A_72 = tpu.memref_slice %arg14[%mul3A_23] : memref<10240xf32, #tpu.memory_space<vmem_shared>> -> memref<640xf32, #tpu.memory_space<vmem_shared>>
      tpu.wait_dma2 semaphore(%run_scoped3A : memref<!tpu.dma_semaphore, #tpu.memory_space<semaphore_mem>>) src(%dma_wait3A_72 : memref<640xf32, #tpu.memory_space<vmem_shared>>) dst(%dma_wait3A_71 : memref<640xf32, #tpu.memory_space<hbm>>)
      tpu.yield
    }) : () -> ()
    "tpu.region"() ({
      %run_scoped3A = tpu.sem_alloc : memref<!tpu.dma_semaphore, #tpu.memory_space<semaphore_mem>>
      %dma_start3A = tpu.memref_slice %arg13[%mul3A_23] : memref<10240xf32, #tpu.memory_space<vmem_shared>> -> memref<640xf32, #tpu.memory_space<vmem_shared>>
      %dma_start3A_69 = tpu.memref_slice %arg13[%mul3A_23] : memref<10240xf32, #tpu.memory_space<vmem_shared>> -> memref<640xf32, #tpu.memory_space<vmem_shared>>
      tpu.enqueue_dma source(%dma_start3A_69 : memref<640xf32, #tpu.memory_space<vmem_shared>>) target(%arg10 : memref<640xf32, #tpu.memory_space<vmem>>) target_semaphore(%run_scoped3A : memref<!tpu.dma_semaphore, #tpu.memory_space<semaphore_mem>>)
      %dma_wait3A = tpu.memref_slice %arg13[%mul3A_23] : memref<10240xf32, #tpu.memory_space<vmem_shared>> -> memref<640xf32, #tpu.memory_space<vmem_shared>>
      %dma_wait3A_70 = tpu.memref_slice %arg13[%mul3A_23] : memref<10240xf32, #tpu.memory_space<vmem_shared>> -> memref<640xf32, #tpu.memory_space<vmem_shared>>
      tpu.wait_dma2 semaphore(%run_scoped3A : memref<!tpu.dma_semaphore, #tpu.memory_space<semaphore_mem>>) src(%dma_wait3A_70 : memref<640xf32, #tpu.memory_space<vmem_shared>>) dst(%arg10 : memref<640xf32, #tpu.memory_space<vmem>>)
      tpu.yield
    }) : () -> ()
    %scan3A_47 = arith.constant 0 : i32
    %scan3A_48 = arith.constant 0 : i32
    %scan3A_49 = arith.constant 40 : i32
    %scan3A_50 = arith.addi %scan3A_48, %scan3A_49 : i32
    %scan3A_51 = arith.constant 1 : i32
    scf.for %scan3A_69 = %scan3A_48 to %scan3A_50 step %scan3A_51  : i32 {
      %mul3A_70 = arith.constant 16 : i32
      %mul3A_71 = arith.muli %scan3A_69, %mul3A_70 : i32
      %get3A = arith.index_cast %mul3A_71 : i32 to index
      %get3A_72 = tpu.vector_load %arg10[%get3A] {strides = array<i32>} : memref<640xf32, #tpu.memory_space<vmem>>, vector<16xf32>,
      %max3A = arith.constant 1.000000e+00 : f32
      %max3A_73 = vector.broadcast %max3A : f32 to vector<16xf32>
      %max3A_74 = arith.maximumf %get3A_72, %max3A_73 : vector<16xf32>
      %bitcast3A = vector.bitcast %max3A_74 : vector<16xf32> to vector<16xi32>
      %broadcast_in_dim3A_75 = arith.constant 1597463007 : i32
      %broadcast_in_dim3A_76 = vector.broadcast %broadcast_in_dim3A_75 : i32 to vector<16xi32>
      %broadcast_in_dim3A_77 = arith.constant 1 : i32
      %broadcast_in_dim3A_78 = vector.broadcast %broadcast_in_dim3A_77 : i32 to vector<16xi32>
      %shift_right_logical3A = arith.shrui %bitcast3A, %broadcast_in_dim3A_78 : vector<16xi32>
      %sub3A = arith.subi %broadcast_in_dim3A_76, %shift_right_logical3A : vector<16xi32>
      %bitcast3A_79 = vector.bitcast %sub3A : vector<16xi32> to vector<16xf32>
      %mul3A_80 = arith.constant 5.000000e-01 : f32
      %mul3A_81 = vector.broadcast %mul3A_80 : f32 to vector<16xf32>
      %mul3A_82 = arith.mulf %mul3A_81, %max3A_74 : vector<16xf32>
      %mul3A_83 = arith.mulf %mul3A_82, %bitcast3A_79 : vector<16xf32>
      %mul3A_84 = arith.mulf %mul3A_83, %bitcast3A_79 : vector<16xf32>
      %sub3A_85 = arith.constant 1.500000e+00 : f32
      %sub3A_86 = vector.broadcast %sub3A_85 : f32 to vector<16xf32>
      %sub3A_87 = arith.subf %sub3A_86, %mul3A_84 : vector<16xf32>
      %mul3A_88 = arith.mulf %bitcast3A_79, %sub3A_87 : vector<16xf32>
      %mul3A_89 = arith.constant 5.000000e-01 : f32
      %mul3A_90 = vector.broadcast %mul3A_89 : f32 to vector<16xf32>
      %mul3A_91 = arith.mulf %mul3A_90, %max3A_74 : vector<16xf32>
      %mul3A_92 = arith.mulf %mul3A_91, %mul3A_88 : vector<16xf32>
      %mul3A_93 = arith.mulf %mul3A_92, %mul3A_88 : vector<16xf32>
      %sub3A_94 = arith.constant 1.500000e+00 : f32
      %sub3A_95 = vector.broadcast %sub3A_94 : f32 to vector<16xf32>
      %sub3A_96 = arith.subf %sub3A_95, %mul3A_93 : vector<16xf32>
      %mul3A_97 = arith.mulf %mul3A_88, %sub3A_96 : vector<16xf32>
      %mul3A_98 = arith.constant 5.000000e-01 : f32
      %mul3A_99 = vector.broadcast %mul3A_98 : f32 to vector<16xf32>
      %mul3A_100 = arith.mulf %mul3A_99, %max3A_74 : vector<16xf32>
      %mul3A_101 = arith.mulf %mul3A_100, %mul3A_97 : vector<16xf32>
      %mul3A_102 = arith.mulf %mul3A_101, %mul3A_97 : vector<16xf32>
      %sub3A_103 = arith.constant 1.500000e+00 : f32
      %sub3A_104 = vector.broadcast %sub3A_103 : f32 to vector<16xf32>
      %sub3A_105 = arith.subf %sub3A_104, %mul3A_102 : vector<16xf32>
      %mul3A_106 = arith.mulf %mul3A_97, %sub3A_105 : vector<16xf32>
      %mul3A_107 = arith.constant 16 : i32
      %mul3A_108 = arith.muli %scan3A_69, %mul3A_107 : i32
      %swap3A_109 = arith.index_cast %mul3A_108 : i32 to index
      %swap3A_110 = tpu.vector_load %arg10[%swap3A_109] {strides = array<i32>} : memref<640xf32, #tpu.memory_space<vmem>>, vector<16xf32>,
      tpu.vector_store %arg10[%swap3A_109], %mul3A_106 {strides = array<i32>} : memref<640xf32, #tpu.memory_space<vmem>>, vector<16xf32>,
    }
    %scan3A_52 = arith.constant 40 : i32
    %lt3A_53 = arith.constant 15 : i32
    %lt3A_54 = arith.cmpi slt, %arg1, %lt3A_53 : i32
    %convert_element_type3A_55 = arith.extui %lt3A_54 : i1 to i32
    %cond3A_56 = arith.constant 0 : i32
    %cond3A_57 = arith.cmpi ne, %convert_element_type3A_55, %cond3A_56 : i32
    scf.if %cond3A_57 {
      %dma_wait3A = tpu.memref_slice %arg2[%mul3A_23, %mul3A_25] : memref<10000x128xf32, #tpu.memory_space<hbm>> -> memref<640x64xf32, #tpu.memory_space<hbm>>
      %dma_wait3A_69 = tpu.memref_slice %arg2[%mul3A_23, %mul3A_25] : memref<10000x128xf32, #tpu.memory_space<hbm>> -> memref<640x64xf32, #tpu.memory_space<hbm>>
      tpu.wait_dma2 semaphore(%arg16 : memref<!tpu.dma_semaphore, #tpu.memory_space<semaphore_mem>>) src(%dma_wait3A_69 : memref<640x64xf32, #tpu.memory_space<hbm>>) dst(%arg9 : memref<640x64xf32, #tpu.memory_space<vmem>>)
    } else {
    }
    %eq3A_58 = arith.constant 15 : i32
    %eq3A_59 = arith.cmpi eq, %arg1, %eq3A_58 : i32
    %convert_element_type3A_60 = arith.extui %eq3A_59 : i1 to i32
    %cond3A_61 = arith.constant 0 : i32
    %cond3A_62 = arith.cmpi ne, %convert_element_type3A_60, %cond3A_61 : i32
    scf.if %cond3A_62 {
      %dma_wait3A = arith.constant 0 : i32
      %dma_wait3A_69 = arith.constant 0 : i32
      %dma_wait3A_70 = tpu.memref_slice %arg9[%dma_wait3A, %dma_wait3A_69] : memref<640x64xf32, #tpu.memory_space<vmem>> -> memref<400x64xf32, #tpu.memory_space<vmem>>
      %dma_wait3A_71 = arith.constant 9600 : i32
      %dma_wait3A_72 = tpu.memref_slice %arg2[%dma_wait3A_71, %mul3A_25] : memref<10000x128xf32, #tpu.memory_space<hbm>> -> memref<400x64xf32, #tpu.memory_space<hbm>>
      %dma_wait3A_73 = arith.constant 0 : i32
      %dma_wait3A_74 = arith.constant 0 : i32
      %dma_wait3A_75 = tpu.memref_slice %arg9[%dma_wait3A_73, %dma_wait3A_74] : memref<640x64xf32, #tpu.memory_space<vmem>> -> memref<400x64xf32, #tpu.memory_space<vmem>>
      %dma_wait3A_76 = arith.constant 9600 : i32
      %dma_wait3A_77 = tpu.memref_slice %arg2[%dma_wait3A_76, %mul3A_25] : memref<10000x128xf32, #tpu.memory_space<hbm>> -> memref<400x64xf32, #tpu.memory_space<hbm>>
      tpu.wait_dma2 semaphore(%arg16 : memref<!tpu.dma_semaphore, #tpu.memory_space<semaphore_mem>>) src(%dma_wait3A_77 : memref<400x64xf32, #tpu.memory_space<hbm>>) dst(%dma_wait3A_75 : memref<400x64xf32, #tpu.memory_space<vmem>>)
    } else {
    }
    %scan3A_63 = arith.constant 0 : i32
    %scan3A_64 = arith.constant 0 : i32
    %scan3A_65 = arith.constant 640 : i32
    %scan3A_66 = arith.addi %scan3A_64, %scan3A_65 : i32
    %scan3A_67 = arith.constant 1 : i32
    scf.for %scan3A_69 = %scan3A_64 to %scan3A_66 step %scan3A_67  : i32 {
      %broadcast_in_dim3A_70 = vector.broadcast %scan3A_69 : i32 to vector<16xi32>
      %gather3A = tpu.vector_load_idx %arg10[%broadcast_in_dim3A_70] : memref<640xf32, #tpu.memory_space<vmem>>[vector<16xi32>], vector<16xf32>,
      %get3A = arith.index_cast %scan3A_69 : i32 to index
      %get3A_71 = arith.constant 0 : index
      %get3A_72 = tpu.vector_load %arg9[%get3A, %get3A_71] {strides = array<i32>} : memref<640x64xf32, #tpu.memory_space<vmem>>, vector<16xf32>,
      %mul3A_73 = arith.mulf %get3A_72, %gather3A : vector<16xf32>
      %swap3A_74 = arith.index_cast %scan3A_69 : i32 to index
      %swap3A_75 = arith.constant 0 : index
      %swap3A_76 = tpu.vector_load %arg9[%swap3A_74, %swap3A_75] {strides = array<i32>} : memref<640x64xf32, #tpu.memory_space<vmem>>, vector<16xf32>,
      tpu.vector_store %arg9[%swap3A_74, %swap3A_75], %mul3A_73 {strides = array<i32>} : memref<640x64xf32, #tpu.memory_space<vmem>>, vector<16xf32>,
      %get3A_77 = arith.index_cast %scan3A_69 : i32 to index
      %get3A_78 = arith.constant 16 : index
      %get3A_79 = tpu.vector_load %arg9[%get3A_77, %get3A_78] {strides = array<i32>} : memref<640x64xf32, #tpu.memory_space<vmem>>, vector<16xf32>,
      %mul3A_80 = arith.mulf %get3A_79, %gather3A : vector<16xf32>
      %swap3A_81 = arith.index_cast %scan3A_69 : i32 to index
      %swap3A_82 = arith.constant 16 : index
      %swap3A_83 = tpu.vector_load %arg9[%swap3A_81, %swap3A_82] {strides = array<i32>} : memref<640x64xf32, #tpu.memory_space<vmem>>, vector<16xf32>,
      tpu.vector_store %arg9[%swap3A_81, %swap3A_82], %mul3A_80 {strides = array<i32>} : memref<640x64xf32, #tpu.memory_space<vmem>>, vector<16xf32>,
      %get3A_84 = arith.index_cast %scan3A_69 : i32 to index
      %get3A_85 = arith.constant 32 : index
      %get3A_86 = tpu.vector_load %arg9[%get3A_84, %get3A_85] {strides = array<i32>} : memref<640x64xf32, #tpu.memory_space<vmem>>, vector<16xf32>,
      %mul3A_87 = arith.mulf %get3A_86, %gather3A : vector<16xf32>
      %swap3A_88 = arith.index_cast %scan3A_69 : i32 to index
      %swap3A_89 = arith.constant 32 : index
      %swap3A_90 = tpu.vector_load %arg9[%swap3A_88, %swap3A_89] {strides = array<i32>} : memref<640x64xf32, #tpu.memory_space<vmem>>, vector<16xf32>,
      tpu.vector_store %arg9[%swap3A_88, %swap3A_89], %mul3A_87 {strides = array<i32>} : memref<640x64xf32, #tpu.memory_space<vmem>>, vector<16xf32>,
      %get3A_91 = arith.index_cast %scan3A_69 : i32 to index
      %get3A_92 = arith.constant 48 : index
      %get3A_93 = tpu.vector_load %arg9[%get3A_91, %get3A_92] {strides = array<i32>} : memref<640x64xf32, #tpu.memory_space<vmem>>, vector<16xf32>,
      %mul3A_94 = arith.mulf %get3A_93, %gather3A : vector<16xf32>
      %swap3A_95 = arith.index_cast %scan3A_69 : i32 to index
      %swap3A_96 = arith.constant 48 : index
      %swap3A_97 = tpu.vector_load %arg9[%swap3A_95, %swap3A_96] {strides = array<i32>} : memref<640x64xf32, #tpu.memory_space<vmem>>, vector<16xf32>,
      tpu.vector_store %arg9[%swap3A_95, %swap3A_96], %mul3A_94 {strides = array<i32>} : memref<640x64xf32, #tpu.memory_space<vmem>>, vector<16xf32>,
    }
    %scan3A_68 = arith.constant 640 : i32
    "tpu.region"() ({
      %run_scoped3A = tpu.sem_alloc : memref<!tpu.dma_semaphore, #tpu.memory_space<semaphore_mem>>
      %dma_start3A = arith.constant 0 : i32
      %dma_start3A_69 = tpu.memref_slice %arg5[%arg0, %mul3A_23, %dma_start3A] : memref<2x10240x64xf32, #tpu.memory_space<hbm>> -> memref<1x640x64xf32, #tpu.memory_space<hbm>>
      %dma_start3A_70 = tpu.memref_squeeze %dma_start3A_69 : memref<1x640x64xf32, #tpu.memory_space<hbm>> -> memref<640x64xf32, #tpu.memory_space<hbm>>
      %dma_start3A_71 = arith.constant 0 : i32
      %dma_start3A_72 = tpu.memref_slice %arg5[%arg0, %mul3A_23, %dma_start3A_71] : memref<2x10240x64xf32, #tpu.memory_space<hbm>> -> memref<1x640x64xf32, #tpu.memory_space<hbm>>
      %dma_start3A_73 = tpu.memref_squeeze %dma_start3A_72 : memref<1x640x64xf32, #tpu.memory_space<hbm>> -> memref<640x64xf32, #tpu.memory_space<hbm>>
      tpu.enqueue_dma source(%arg9 : memref<640x64xf32, #tpu.memory_space<vmem>>) target(%dma_start3A_73 : memref<640x64xf32, #tpu.memory_space<hbm>>) target_semaphore(%run_scoped3A : memref<!tpu.dma_semaphore, #tpu.memory_space<semaphore_mem>>)
      %dma_wait3A = arith.constant 0 : i32
      %dma_wait3A_74 = tpu.memref_slice %arg5[%arg0, %mul3A_23, %dma_wait3A] : memref<2x10240x64xf32, #tpu.memory_space<hbm>> -> memref<1x640x64xf32, #tpu.memory_space<hbm>>
      %dma_wait3A_75 = tpu.memref_squeeze %dma_wait3A_74 : memref<1x640x64xf32, #tpu.memory_space<hbm>> -> memref<640x64xf32, #tpu.memory_space<hbm>>
      %dma_wait3A_76 = arith.constant 0 : i32
      %dma_wait3A_77 = tpu.memref_slice %arg5[%arg0, %mul3A_23, %dma_wait3A_76] : memref<2x10240x64xf32, #tpu.memory_space<hbm>> -> memref<1x640x64xf32, #tpu.memory_space<hbm>>
      %dma_wait3A_78 = tpu.memref_squeeze %dma_wait3A_77 : memref<1x640x64xf32, #tpu.memory_space<hbm>> -> memref<640x64xf32, #tpu.memory_space<hbm>>
      tpu.wait_dma2 semaphore(%run_scoped3A : memref<!tpu.dma_semaphore, #tpu.memory_space<semaphore_mem>>) src(%arg9 : memref<640x64xf32, #tpu.memory_space<vmem>>) dst(%dma_wait3A_78 : memref<640x64xf32, #tpu.memory_space<hbm>>)
      tpu.yield
    }) : () -> ()
    return
  }
}

#map = affine_map<(d0, d1) -> (0, 0, 0)>
module attributes {stable_mosaic.version = 14 : i64} {
  func.func @_agg_kernel(%arg0: i32, %arg1: i32, %arg2: memref<2x10240x64xf32, #tpu.memory_space<hbm>>, %arg3: memref<16x250x80xi32, #tpu.memory_space<hbm>>, %arg4: memref<16x250x80xi32, #tpu.memory_space<hbm>>, %arg5: memref<2x10240x64xf32, #tpu.memory_space<hbm>>, %arg6: memref<250x80xi32, #tpu.memory_space<vmem>>, %arg7: memref<250x80xi32, #tpu.memory_space<vmem>>, %arg8: memref<80x64xf32, #tpu.memory_space<vmem>>, %arg9: memref<80x64xf32, #tpu.memory_space<vmem>>, %arg10: memref<64x64xf32, #tpu.memory_space<vmem>>, %arg11: memref<10240x64xf32, #tpu.memory_space<vmem_shared>>, %arg12: memref<!tpu.dma_semaphore, #tpu.memory_space<semaphore_mem>>, %arg13: memref<!tpu.dma_semaphore, #tpu.memory_space<semaphore_mem>>) attributes {dimension_semantics = [#tpu.dimension_semantics<core_parallel>, #tpu.dimension_semantics<subcore_parallel>], iteration_bounds = array<i64: 2, 16>, scalar_prefetch = 0 : i64, scratch_operands = 8 : i64, tpu.core_type = #tpu.core_type<sc_vector_subcore>, window_params = [{transform_indices = #map}, {transform_indices = #map}, {transform_indices = #map}, {transform_indices = #map}]} {
    %scan3A = arith.constant 0 : i32
    %scan3A_0 = arith.constant 0 : i32
    %scan3A_1 = arith.constant 64 : i32
    %scan3A_2 = arith.addi %scan3A_0, %scan3A_1 : i32
    %scan3A_3 = arith.constant 1 : i32
    scf.for %scan3A_62 = %scan3A_0 to %scan3A_2 step %scan3A_3  : i32 {
      %broadcast_in_dim3A = arith.constant 0.000000e+00 : f32
      %broadcast_in_dim3A_63 = vector.broadcast %broadcast_in_dim3A : f32 to vector<16xf32>
      %swap3A = arith.index_cast %scan3A_62 : i32 to index
      %swap3A_64 = arith.constant 0 : index
      %swap3A_65 = tpu.vector_load %arg10[%swap3A, %swap3A_64] {strides = array<i32>} : memref<64x64xf32, #tpu.memory_space<vmem>>, vector<1x16xf32>,
      %swap3A_66 = vector.shape_cast %swap3A_65 : vector<1x16xf32> to vector<16xf32>
      %swap3A_67 = vector.shape_cast %broadcast_in_dim3A_63 : vector<16xf32> to vector<1x16xf32>
      tpu.vector_store %arg10[%swap3A, %swap3A_64], %swap3A_67 {strides = array<i32>} : memref<64x64xf32, #tpu.memory_space<vmem>>, vector<1x16xf32>,
      %broadcast_in_dim3A_68 = arith.constant 0.000000e+00 : f32
      %broadcast_in_dim3A_69 = vector.broadcast %broadcast_in_dim3A_68 : f32 to vector<16xf32>
      %swap3A_70 = arith.index_cast %scan3A_62 : i32 to index
      %swap3A_71 = arith.constant 16 : index
      %swap3A_72 = tpu.vector_load %arg10[%swap3A_70, %swap3A_71] {strides = array<i32>} : memref<64x64xf32, #tpu.memory_space<vmem>>, vector<1x16xf32>,
      %swap3A_73 = vector.shape_cast %swap3A_72 : vector<1x16xf32> to vector<16xf32>
      %swap3A_74 = vector.shape_cast %broadcast_in_dim3A_69 : vector<16xf32> to vector<1x16xf32>
      tpu.vector_store %arg10[%swap3A_70, %swap3A_71], %swap3A_74 {strides = array<i32>} : memref<64x64xf32, #tpu.memory_space<vmem>>, vector<1x16xf32>,
      %broadcast_in_dim3A_75 = arith.constant 0.000000e+00 : f32
      %broadcast_in_dim3A_76 = vector.broadcast %broadcast_in_dim3A_75 : f32 to vector<16xf32>
      %swap3A_77 = arith.index_cast %scan3A_62 : i32 to index
      %swap3A_78 = arith.constant 32 : index
      %swap3A_79 = tpu.vector_load %arg10[%swap3A_77, %swap3A_78] {strides = array<i32>} : memref<64x64xf32, #tpu.memory_space<vmem>>, vector<1x16xf32>,
      %swap3A_80 = vector.shape_cast %swap3A_79 : vector<1x16xf32> to vector<16xf32>
      %swap3A_81 = vector.shape_cast %broadcast_in_dim3A_76 : vector<16xf32> to vector<1x16xf32>
      tpu.vector_store %arg10[%swap3A_77, %swap3A_78], %swap3A_81 {strides = array<i32>} : memref<64x64xf32, #tpu.memory_space<vmem>>, vector<1x16xf32>,
      %broadcast_in_dim3A_82 = arith.constant 0.000000e+00 : f32
      %broadcast_in_dim3A_83 = vector.broadcast %broadcast_in_dim3A_82 : f32 to vector<16xf32>
      %swap3A_84 = arith.index_cast %scan3A_62 : i32 to index
      %swap3A_85 = arith.constant 48 : index
      %swap3A_86 = tpu.vector_load %arg10[%swap3A_84, %swap3A_85] {strides = array<i32>} : memref<64x64xf32, #tpu.memory_space<vmem>>, vector<1x16xf32>,
      %swap3A_87 = vector.shape_cast %swap3A_86 : vector<1x16xf32> to vector<16xf32>
      %swap3A_88 = vector.shape_cast %broadcast_in_dim3A_83 : vector<16xf32> to vector<1x16xf32>
      tpu.vector_store %arg10[%swap3A_84, %swap3A_85], %swap3A_88 {strides = array<i32>} : memref<64x64xf32, #tpu.memory_space<vmem>>, vector<1x16xf32>,
    }
    %scan3A_4 = arith.constant 64 : i32
    %mul3A = arith.constant 640 : i32
    %mul3A_5 = arith.muli %arg1, %mul3A : i32
    %mul3A_6 = arith.constant 640 : i32
    %mul3A_7 = arith.muli %arg1, %mul3A_6 : i32
    %add3A = arith.constant 0 : i32
    %add3A_8 = arith.addi %mul3A_7, %add3A : i32
    "tpu.region"() ({
      %run_scoped3A = tpu.sem_alloc : memref<!tpu.dma_semaphore, #tpu.memory_space<semaphore_mem>>
      %dma_start3A_62 = arith.constant 0 : i32
      %dma_start3A_63 = tpu.memref_slice %arg11[%add3A_8, %dma_start3A_62] : memref<10240x64xf32, #tpu.memory_space<vmem_shared>> -> memref<64x64xf32, #tpu.memory_space<vmem_shared>>
      %dma_start3A_64 = arith.constant 0 : i32
      %dma_start3A_65 = tpu.memref_slice %arg11[%add3A_8, %dma_start3A_64] : memref<10240x64xf32, #tpu.memory_space<vmem_shared>> -> memref<64x64xf32, #tpu.memory_space<vmem_shared>>
      tpu.enqueue_dma source(%arg10 : memref<64x64xf32, #tpu.memory_space<vmem>>) target(%dma_start3A_65 : memref<64x64xf32, #tpu.memory_space<vmem_shared>>) target_semaphore(%run_scoped3A : memref<!tpu.dma_semaphore, #tpu.memory_space<semaphore_mem>>)
      %dma_wait3A = arith.constant 0 : i32
      %dma_wait3A_66 = tpu.memref_slice %arg11[%add3A_8, %dma_wait3A] : memref<10240x64xf32, #tpu.memory_space<vmem_shared>> -> memref<64x64xf32, #tpu.memory_space<vmem_shared>>
      %dma_wait3A_67 = arith.constant 0 : i32
      %dma_wait3A_68 = tpu.memref_slice %arg11[%add3A_8, %dma_wait3A_67] : memref<10240x64xf32, #tpu.memory_space<vmem_shared>> -> memref<64x64xf32, #tpu.memory_space<vmem_shared>>
      tpu.wait_dma2 semaphore(%run_scoped3A : memref<!tpu.dma_semaphore, #tpu.memory_space<semaphore_mem>>) src(%arg10 : memref<64x64xf32, #tpu.memory_space<vmem>>) dst(%dma_wait3A_68 : memref<64x64xf32, #tpu.memory_space<vmem_shared>>)
      tpu.yield
    }) : () -> ()
    %mul3A_9 = arith.constant 640 : i32
    %mul3A_10 = arith.muli %arg1, %mul3A_9 : i32
    %add3A_11 = arith.constant 64 : i32
    %add3A_12 = arith.addi %mul3A_10, %add3A_11 : i32
    "tpu.region"() ({
      %run_scoped3A = tpu.sem_alloc : memref<!tpu.dma_semaphore, #tpu.memory_space<semaphore_mem>>
      %dma_start3A_62 = arith.constant 0 : i32
      %dma_start3A_63 = tpu.memref_slice %arg11[%add3A_12, %dma_start3A_62] : memref<10240x64xf32, #tpu.memory_space<vmem_shared>> -> memref<64x64xf32, #tpu.memory_space<vmem_shared>>
      %dma_start3A_64 = arith.constant 0 : i32
      %dma_start3A_65 = tpu.memref_slice %arg11[%add3A_12, %dma_start3A_64] : memref<10240x64xf32, #tpu.memory_space<vmem_shared>> -> memref<64x64xf32, #tpu.memory_space<vmem_shared>>
      tpu.enqueue_dma source(%arg10 : memref<64x64xf32, #tpu.memory_space<vmem>>) target(%dma_start3A_65 : memref<64x64xf32, #tpu.memory_space<vmem_shared>>) target_semaphore(%run_scoped3A : memref<!tpu.dma_semaphore, #tpu.memory_space<semaphore_mem>>)
      %dma_wait3A = arith.constant 0 : i32
      %dma_wait3A_66 = tpu.memref_slice %arg11[%add3A_12, %dma_wait3A] : memref<10240x64xf32, #tpu.memory_space<vmem_shared>> -> memref<64x64xf32, #tpu.memory_space<vmem_shared>>
      %dma_wait3A_67 = arith.constant 0 : i32
      %dma_wait3A_68 = tpu.memref_slice %arg11[%add3A_12, %dma_wait3A_67] : memref<10240x64xf32, #tpu.memory_space<vmem_shared>> -> memref<64x64xf32, #tpu.memory_space<vmem_shared>>
      tpu.wait_dma2 semaphore(%run_scoped3A : memref<!tpu.dma_semaphore, #tpu.memory_space<semaphore_mem>>) src(%arg10 : memref<64x64xf32, #tpu.memory_space<vmem>>) dst(%dma_wait3A_68 : memref<64x64xf32, #tpu.memory_space<vmem_shared>>)
      tpu.yield
    }) : () -> ()
    %mul3A_13 = arith.constant 640 : i32
    %mul3A_14 = arith.muli %arg1, %mul3A_13 : i32
    %add3A_15 = arith.constant 128 : i32
    %add3A_16 = arith.addi %mul3A_14, %add3A_15 : i32
    "tpu.region"() ({
      %run_scoped3A = tpu.sem_alloc : memref<!tpu.dma_semaphore, #tpu.memory_space<semaphore_mem>>
      %dma_start3A_62 = arith.constant 0 : i32
      %dma_start3A_63 = tpu.memref_slice %arg11[%add3A_16, %dma_start3A_62] : memref<10240x64xf32, #tpu.memory_space<vmem_shared>> -> memref<64x64xf32, #tpu.memory_space<vmem_shared>>
      %dma_start3A_64 = arith.constant 0 : i32
      %dma_start3A_65 = tpu.memref_slice %arg11[%add3A_16, %dma_start3A_64] : memref<10240x64xf32, #tpu.memory_space<vmem_shared>> -> memref<64x64xf32, #tpu.memory_space<vmem_shared>>
      tpu.enqueue_dma source(%arg10 : memref<64x64xf32, #tpu.memory_space<vmem>>) target(%dma_start3A_65 : memref<64x64xf32, #tpu.memory_space<vmem_shared>>) target_semaphore(%run_scoped3A : memref<!tpu.dma_semaphore, #tpu.memory_space<semaphore_mem>>)
      %dma_wait3A = arith.constant 0 : i32
      %dma_wait3A_66 = tpu.memref_slice %arg11[%add3A_16, %dma_wait3A] : memref<10240x64xf32, #tpu.memory_space<vmem_shared>> -> memref<64x64xf32, #tpu.memory_space<vmem_shared>>
      %dma_wait3A_67 = arith.constant 0 : i32
      %dma_wait3A_68 = tpu.memref_slice %arg11[%add3A_16, %dma_wait3A_67] : memref<10240x64xf32, #tpu.memory_space<vmem_shared>> -> memref<64x64xf32, #tpu.memory_space<vmem_shared>>
      tpu.wait_dma2 semaphore(%run_scoped3A : memref<!tpu.dma_semaphore, #tpu.memory_space<semaphore_mem>>) src(%arg10 : memref<64x64xf32, #tpu.memory_space<vmem>>) dst(%dma_wait3A_68 : memref<64x64xf32, #tpu.memory_space<vmem_shared>>)
      tpu.yield
    }) : () -> ()
    %mul3A_17 = arith.constant 640 : i32
    %mul3A_18 = arith.muli %arg1, %mul3A_17 : i32
    %add3A_19 = arith.constant 192 : i32
    %add3A_20 = arith.addi %mul3A_18, %add3A_19 : i32
    "tpu.region"() ({
      %run_scoped3A = tpu.sem_alloc : memref<!tpu.dma_semaphore, #tpu.memory_space<semaphore_mem>>
      %dma_start3A_62 = arith.constant 0 : i32
      %dma_start3A_63 = tpu.memref_slice %arg11[%add3A_20, %dma_start3A_62] : memref<10240x64xf32, #tpu.memory_space<vmem_shared>> -> memref<64x64xf32, #tpu.memory_space<vmem_shared>>
      %dma_start3A_64 = arith.constant 0 : i32
      %dma_start3A_65 = tpu.memref_slice %arg11[%add3A_20, %dma_start3A_64] : memref<10240x64xf32, #tpu.memory_space<vmem_shared>> -> memref<64x64xf32, #tpu.memory_space<vmem_shared>>
      tpu.enqueue_dma source(%arg10 : memref<64x64xf32, #tpu.memory_space<vmem>>) target(%dma_start3A_65 : memref<64x64xf32, #tpu.memory_space<vmem_shared>>) target_semaphore(%run_scoped3A : memref<!tpu.dma_semaphore, #tpu.memory_space<semaphore_mem>>)
      %dma_wait3A = arith.constant 0 : i32
      %dma_wait3A_66 = tpu.memref_slice %arg11[%add3A_20, %dma_wait3A] : memref<10240x64xf32, #tpu.memory_space<vmem_shared>> -> memref<64x64xf32, #tpu.memory_space<vmem_shared>>
      %dma_wait3A_67 = arith.constant 0 : i32
      %dma_wait3A_68 = tpu.memref_slice %arg11[%add3A_20, %dma_wait3A_67] : memref<10240x64xf32, #tpu.memory_space<vmem_shared>> -> memref<64x64xf32, #tpu.memory_space<vmem_shared>>
      tpu.wait_dma2 semaphore(%run_scoped3A : memref<!tpu.dma_semaphore, #tpu.memory_space<semaphore_mem>>) src(%arg10 : memref<64x64xf32, #tpu.memory_space<vmem>>) dst(%dma_wait3A_68 : memref<64x64xf32, #tpu.memory_space<vmem_shared>>)
      tpu.yield
    }) : () -> ()
    %mul3A_21 = arith.constant 640 : i32
    %mul3A_22 = arith.muli %arg1, %mul3A_21 : i32
    %add3A_23 = arith.constant 256 : i32
    %add3A_24 = arith.addi %mul3A_22, %add3A_23 : i32
    "tpu.region"() ({
      %run_scoped3A = tpu.sem_alloc : memref<!tpu.dma_semaphore, #tpu.memory_space<semaphore_mem>>
      %dma_start3A_62 = arith.constant 0 : i32
      %dma_start3A_63 = tpu.memref_slice %arg11[%add3A_24, %dma_start3A_62] : memref<10240x64xf32, #tpu.memory_space<vmem_shared>> -> memref<64x64xf32, #tpu.memory_space<vmem_shared>>
      %dma_start3A_64 = arith.constant 0 : i32
      %dma_start3A_65 = tpu.memref_slice %arg11[%add3A_24, %dma_start3A_64] : memref<10240x64xf32, #tpu.memory_space<vmem_shared>> -> memref<64x64xf32, #tpu.memory_space<vmem_shared>>
      tpu.enqueue_dma source(%arg10 : memref<64x64xf32, #tpu.memory_space<vmem>>) target(%dma_start3A_65 : memref<64x64xf32, #tpu.memory_space<vmem_shared>>) target_semaphore(%run_scoped3A : memref<!tpu.dma_semaphore, #tpu.memory_space<semaphore_mem>>)
      %dma_wait3A = arith.constant 0 : i32
      %dma_wait3A_66 = tpu.memref_slice %arg11[%add3A_24, %dma_wait3A] : memref<10240x64xf32, #tpu.memory_space<vmem_shared>> -> memref<64x64xf32, #tpu.memory_space<vmem_shared>>
      %dma_wait3A_67 = arith.constant 0 : i32
      %dma_wait3A_68 = tpu.memref_slice %arg11[%add3A_24, %dma_wait3A_67] : memref<10240x64xf32, #tpu.memory_space<vmem_shared>> -> memref<64x64xf32, #tpu.memory_space<vmem_shared>>
      tpu.wait_dma2 semaphore(%run_scoped3A : memref<!tpu.dma_semaphore, #tpu.memory_space<semaphore_mem>>) src(%arg10 : memref<64x64xf32, #tpu.memory_space<vmem>>) dst(%dma_wait3A_68 : memref<64x64xf32, #tpu.memory_space<vmem_shared>>)
      tpu.yield
    }) : () -> ()
    %mul3A_25 = arith.constant 640 : i32
    %mul3A_26 = arith.muli %arg1, %mul3A_25 : i32
    %add3A_27 = arith.constant 320 : i32
    %add3A_28 = arith.addi %mul3A_26, %add3A_27 : i32
    "tpu.region"() ({
      %run_scoped3A = tpu.sem_alloc : memref<!tpu.dma_semaphore, #tpu.memory_space<semaphore_mem>>
      %dma_start3A_62 = arith.constant 0 : i32
      %dma_start3A_63 = tpu.memref_slice %arg11[%add3A_28, %dma_start3A_62] : memref<10240x64xf32, #tpu.memory_space<vmem_shared>> -> memref<64x64xf32, #tpu.memory_space<vmem_shared>>
      %dma_start3A_64 = arith.constant 0 : i32
      %dma_start3A_65 = tpu.memref_slice %arg11[%add3A_28, %dma_start3A_64] : memref<10240x64xf32, #tpu.memory_space<vmem_shared>> -> memref<64x64xf32, #tpu.memory_space<vmem_shared>>
      tpu.enqueue_dma source(%arg10 : memref<64x64xf32, #tpu.memory_space<vmem>>) target(%dma_start3A_65 : memref<64x64xf32, #tpu.memory_space<vmem_shared>>) target_semaphore(%run_scoped3A : memref<!tpu.dma_semaphore, #tpu.memory_space<semaphore_mem>>)
      %dma_wait3A = arith.constant 0 : i32
      %dma_wait3A_66 = tpu.memref_slice %arg11[%add3A_28, %dma_wait3A] : memref<10240x64xf32, #tpu.memory_space<vmem_shared>> -> memref<64x64xf32, #tpu.memory_space<vmem_shared>>
      %dma_wait3A_67 = arith.constant 0 : i32
      %dma_wait3A_68 = tpu.memref_slice %arg11[%add3A_28, %dma_wait3A_67] : memref<10240x64xf32, #tpu.memory_space<vmem_shared>> -> memref<64x64xf32, #tpu.memory_space<vmem_shared>>
      tpu.wait_dma2 semaphore(%run_scoped3A : memref<!tpu.dma_semaphore, #tpu.memory_space<semaphore_mem>>) src(%arg10 : memref<64x64xf32, #tpu.memory_space<vmem>>) dst(%dma_wait3A_68 : memref<64x64xf32, #tpu.memory_space<vmem_shared>>)
      tpu.yield
    }) : () -> ()
    %mul3A_29 = arith.constant 640 : i32
    %mul3A_30 = arith.muli %arg1, %mul3A_29 : i32
    %add3A_31 = arith.constant 384 : i32
    %add3A_32 = arith.addi %mul3A_30, %add3A_31 : i32
    "tpu.region"() ({
      %run_scoped3A = tpu.sem_alloc : memref<!tpu.dma_semaphore, #tpu.memory_space<semaphore_mem>>
      %dma_start3A_62 = arith.constant 0 : i32
      %dma_start3A_63 = tpu.memref_slice %arg11[%add3A_32, %dma_start3A_62] : memref<10240x64xf32, #tpu.memory_space<vmem_shared>> -> memref<64x64xf32, #tpu.memory_space<vmem_shared>>
      %dma_start3A_64 = arith.constant 0 : i32
      %dma_start3A_65 = tpu.memref_slice %arg11[%add3A_32, %dma_start3A_64] : memref<10240x64xf32, #tpu.memory_space<vmem_shared>> -> memref<64x64xf32, #tpu.memory_space<vmem_shared>>
      tpu.enqueue_dma source(%arg10 : memref<64x64xf32, #tpu.memory_space<vmem>>) target(%dma_start3A_65 : memref<64x64xf32, #tpu.memory_space<vmem_shared>>) target_semaphore(%run_scoped3A : memref<!tpu.dma_semaphore, #tpu.memory_space<semaphore_mem>>)
      %dma_wait3A = arith.constant 0 : i32
      %dma_wait3A_66 = tpu.memref_slice %arg11[%add3A_32, %dma_wait3A] : memref<10240x64xf32, #tpu.memory_space<vmem_shared>> -> memref<64x64xf32, #tpu.memory_space<vmem_shared>>
      %dma_wait3A_67 = arith.constant 0 : i32
      %dma_wait3A_68 = tpu.memref_slice %arg11[%add3A_32, %dma_wait3A_67] : memref<10240x64xf32, #tpu.memory_space<vmem_shared>> -> memref<64x64xf32, #tpu.memory_space<vmem_shared>>
      tpu.wait_dma2 semaphore(%run_scoped3A : memref<!tpu.dma_semaphore, #tpu.memory_space<semaphore_mem>>) src(%arg10 : memref<64x64xf32, #tpu.memory_space<vmem>>) dst(%dma_wait3A_68 : memref<64x64xf32, #tpu.memory_space<vmem_shared>>)
      tpu.yield
    }) : () -> ()
    %mul3A_33 = arith.constant 640 : i32
    %mul3A_34 = arith.muli %arg1, %mul3A_33 : i32
    %add3A_35 = arith.constant 448 : i32
    %add3A_36 = arith.addi %mul3A_34, %add3A_35 : i32
    "tpu.region"() ({
      %run_scoped3A = tpu.sem_alloc : memref<!tpu.dma_semaphore, #tpu.memory_space<semaphore_mem>>
      %dma_start3A_62 = arith.constant 0 : i32
      %dma_start3A_63 = tpu.memref_slice %arg11[%add3A_36, %dma_start3A_62] : memref<10240x64xf32, #tpu.memory_space<vmem_shared>> -> memref<64x64xf32, #tpu.memory_space<vmem_shared>>
      %dma_start3A_64 = arith.constant 0 : i32
      %dma_start3A_65 = tpu.memref_slice %arg11[%add3A_36, %dma_start3A_64] : memref<10240x64xf32, #tpu.memory_space<vmem_shared>> -> memref<64x64xf32, #tpu.memory_space<vmem_shared>>
      tpu.enqueue_dma source(%arg10 : memref<64x64xf32, #tpu.memory_space<vmem>>) target(%dma_start3A_65 : memref<64x64xf32, #tpu.memory_space<vmem_shared>>) target_semaphore(%run_scoped3A : memref<!tpu.dma_semaphore, #tpu.memory_space<semaphore_mem>>)
      %dma_wait3A = arith.constant 0 : i32
      %dma_wait3A_66 = tpu.memref_slice %arg11[%add3A_36, %dma_wait3A] : memref<10240x64xf32, #tpu.memory_space<vmem_shared>> -> memref<64x64xf32, #tpu.memory_space<vmem_shared>>
      %dma_wait3A_67 = arith.constant 0 : i32
      %dma_wait3A_68 = tpu.memref_slice %arg11[%add3A_36, %dma_wait3A_67] : memref<10240x64xf32, #tpu.memory_space<vmem_shared>> -> memref<64x64xf32, #tpu.memory_space<vmem_shared>>
      tpu.wait_dma2 semaphore(%run_scoped3A : memref<!tpu.dma_semaphore, #tpu.memory_space<semaphore_mem>>) src(%arg10 : memref<64x64xf32, #tpu.memory_space<vmem>>) dst(%dma_wait3A_68 : memref<64x64xf32, #tpu.memory_space<vmem_shared>>)
      tpu.yield
    }) : () -> ()
    %mul3A_37 = arith.constant 640 : i32
    %mul3A_38 = arith.muli %arg1, %mul3A_37 : i32
    %add3A_39 = arith.constant 512 : i32
    %add3A_40 = arith.addi %mul3A_38, %add3A_39 : i32
    "tpu.region"() ({
      %run_scoped3A = tpu.sem_alloc : memref<!tpu.dma_semaphore, #tpu.memory_space<semaphore_mem>>
      %dma_start3A_62 = arith.constant 0 : i32
      %dma_start3A_63 = tpu.memref_slice %arg11[%add3A_40, %dma_start3A_62] : memref<10240x64xf32, #tpu.memory_space<vmem_shared>> -> memref<64x64xf32, #tpu.memory_space<vmem_shared>>
      %dma_start3A_64 = arith.constant 0 : i32
      %dma_start3A_65 = tpu.memref_slice %arg11[%add3A_40, %dma_start3A_64] : memref<10240x64xf32, #tpu.memory_space<vmem_shared>> -> memref<64x64xf32, #tpu.memory_space<vmem_shared>>
      tpu.enqueue_dma source(%arg10 : memref<64x64xf32, #tpu.memory_space<vmem>>) target(%dma_start3A_65 : memref<64x64xf32, #tpu.memory_space<vmem_shared>>) target_semaphore(%run_scoped3A : memref<!tpu.dma_semaphore, #tpu.memory_space<semaphore_mem>>)
      %dma_wait3A = arith.constant 0 : i32
      %dma_wait3A_66 = tpu.memref_slice %arg11[%add3A_40, %dma_wait3A] : memref<10240x64xf32, #tpu.memory_space<vmem_shared>> -> memref<64x64xf32, #tpu.memory_space<vmem_shared>>
      %dma_wait3A_67 = arith.constant 0 : i32
      %dma_wait3A_68 = tpu.memref_slice %arg11[%add3A_40, %dma_wait3A_67] : memref<10240x64xf32, #tpu.memory_space<vmem_shared>> -> memref<64x64xf32, #tpu.memory_space<vmem_shared>>
      tpu.wait_dma2 semaphore(%run_scoped3A : memref<!tpu.dma_semaphore, #tpu.memory_space<semaphore_mem>>) src(%arg10 : memref<64x64xf32, #tpu.memory_space<vmem>>) dst(%dma_wait3A_68 : memref<64x64xf32, #tpu.memory_space<vmem_shared>>)
      tpu.yield
    }) : () -> ()
    %mul3A_41 = arith.constant 640 : i32
    %mul3A_42 = arith.muli %arg1, %mul3A_41 : i32
    %add3A_43 = arith.constant 576 : i32
    %add3A_44 = arith.addi %mul3A_42, %add3A_43 : i32
    "tpu.region"() ({
      %run_scoped3A = tpu.sem_alloc : memref<!tpu.dma_semaphore, #tpu.memory_space<semaphore_mem>>
      %dma_start3A_62 = arith.constant 0 : i32
      %dma_start3A_63 = tpu.memref_slice %arg11[%add3A_44, %dma_start3A_62] : memref<10240x64xf32, #tpu.memory_space<vmem_shared>> -> memref<64x64xf32, #tpu.memory_space<vmem_shared>>
      %dma_start3A_64 = arith.constant 0 : i32
      %dma_start3A_65 = tpu.memref_slice %arg11[%add3A_44, %dma_start3A_64] : memref<10240x64xf32, #tpu.memory_space<vmem_shared>> -> memref<64x64xf32, #tpu.memory_space<vmem_shared>>
      tpu.enqueue_dma source(%arg10 : memref<64x64xf32, #tpu.memory_space<vmem>>) target(%dma_start3A_65 : memref<64x64xf32, #tpu.memory_space<vmem_shared>>) target_semaphore(%run_scoped3A : memref<!tpu.dma_semaphore, #tpu.memory_space<semaphore_mem>>)
      %dma_wait3A = arith.constant 0 : i32
      %dma_wait3A_66 = tpu.memref_slice %arg11[%add3A_44, %dma_wait3A] : memref<10240x64xf32, #tpu.memory_space<vmem_shared>> -> memref<64x64xf32, #tpu.memory_space<vmem_shared>>
      %dma_wait3A_67 = arith.constant 0 : i32
      %dma_wait3A_68 = tpu.memref_slice %arg11[%add3A_44, %dma_wait3A_67] : memref<10240x64xf32, #tpu.memory_space<vmem_shared>> -> memref<64x64xf32, #tpu.memory_space<vmem_shared>>
      tpu.wait_dma2 semaphore(%run_scoped3A : memref<!tpu.dma_semaphore, #tpu.memory_space<semaphore_mem>>) src(%arg10 : memref<64x64xf32, #tpu.memory_space<vmem>>) dst(%dma_wait3A_68 : memref<64x64xf32, #tpu.memory_space<vmem_shared>>)
      tpu.yield
    }) : () -> ()
    "tpu.region"() ({
      %run_scoped3A = tpu.sem_alloc : memref<!tpu.dma_semaphore, #tpu.memory_space<semaphore_mem>>
      %dma_start3A_62 = arith.constant 0 : i32
      %dma_start3A_63 = arith.constant 0 : i32
      %dma_start3A_64 = tpu.memref_slice %arg3[%arg1, %dma_start3A_62, %dma_start3A_63] : memref<16x250x80xi32, #tpu.memory_space<hbm>> -> memref<1x250x80xi32, #tpu.memory_space<hbm>>
      %dma_start3A_65 = tpu.memref_squeeze %dma_start3A_64 : memref<1x250x80xi32, #tpu.memory_space<hbm>> -> memref<250x80xi32, #tpu.memory_space<hbm>>
      %dma_start3A_66 = arith.constant 0 : i32
      %dma_start3A_67 = arith.constant 0 : i32
      %dma_start3A_68 = tpu.memref_slice %arg3[%arg1, %dma_start3A_66, %dma_start3A_67] : memref<16x250x80xi32, #tpu.memory_space<hbm>> -> memref<1x250x80xi32, #tpu.memory_space<hbm>>
      %dma_start3A_69 = tpu.memref_squeeze %dma_start3A_68 : memref<1x250x80xi32, #tpu.memory_space<hbm>> -> memref<250x80xi32, #tpu.memory_space<hbm>>
      tpu.enqueue_dma source(%dma_start3A_69 : memref<250x80xi32, #tpu.memory_space<hbm>>) target(%arg6 : memref<250x80xi32, #tpu.memory_space<vmem>>) target_semaphore(%run_scoped3A : memref<!tpu.dma_semaphore, #tpu.memory_space<semaphore_mem>>)
      %dma_wait3A = arith.constant 0 : i32
      %dma_wait3A_70 = arith.constant 0 : i32
      %dma_wait3A_71 = tpu.memref_slice %arg3[%arg1, %dma_wait3A, %dma_wait3A_70] : memref<16x250x80xi32, #tpu.memory_space<hbm>> -> memref<1x250x80xi32, #tpu.memory_space<hbm>>
      %dma_wait3A_72 = tpu.memref_squeeze %dma_wait3A_71 : memref<1x250x80xi32, #tpu.memory_space<hbm>> -> memref<250x80xi32, #tpu.memory_space<hbm>>
      %dma_wait3A_73 = arith.constant 0 : i32
      %dma_wait3A_74 = arith.constant 0 : i32
      %dma_wait3A_75 = tpu.memref_slice %arg3[%arg1, %dma_wait3A_73, %dma_wait3A_74] : memref<16x250x80xi32, #tpu.memory_space<hbm>> -> memref<1x250x80xi32, #tpu.memory_space<hbm>>
      %dma_wait3A_76 = tpu.memref_squeeze %dma_wait3A_75 : memref<1x250x80xi32, #tpu.memory_space<hbm>> -> memref<250x80xi32, #tpu.memory_space<hbm>>
      tpu.wait_dma2 semaphore(%run_scoped3A : memref<!tpu.dma_semaphore, #tpu.memory_space<semaphore_mem>>) src(%dma_wait3A_76 : memref<250x80xi32, #tpu.memory_space<hbm>>) dst(%arg6 : memref<250x80xi32, #tpu.memory_space<vmem>>)
      tpu.yield
    }) : () -> ()
    "tpu.region"() ({
      %run_scoped3A = tpu.sem_alloc : memref<!tpu.dma_semaphore, #tpu.memory_space<semaphore_mem>>
      %dma_start3A_62 = arith.constant 0 : i32
      %dma_start3A_63 = arith.constant 0 : i32
      %dma_start3A_64 = tpu.memref_slice %arg4[%arg1, %dma_start3A_62, %dma_start3A_63] : memref<16x250x80xi32, #tpu.memory_space<hbm>> -> memref<1x250x80xi32, #tpu.memory_space<hbm>>
      %dma_start3A_65 = tpu.memref_squeeze %dma_start3A_64 : memref<1x250x80xi32, #tpu.memory_space<hbm>> -> memref<250x80xi32, #tpu.memory_space<hbm>>
      %dma_start3A_66 = arith.constant 0 : i32
      %dma_start3A_67 = arith.constant 0 : i32
      %dma_start3A_68 = tpu.memref_slice %arg4[%arg1, %dma_start3A_66, %dma_start3A_67] : memref<16x250x80xi32, #tpu.memory_space<hbm>> -> memref<1x250x80xi32, #tpu.memory_space<hbm>>
      %dma_start3A_69 = tpu.memref_squeeze %dma_start3A_68 : memref<1x250x80xi32, #tpu.memory_space<hbm>> -> memref<250x80xi32, #tpu.memory_space<hbm>>
      tpu.enqueue_dma source(%dma_start3A_69 : memref<250x80xi32, #tpu.memory_space<hbm>>) target(%arg7 : memref<250x80xi32, #tpu.memory_space<vmem>>) target_semaphore(%run_scoped3A : memref<!tpu.dma_semaphore, #tpu.memory_space<semaphore_mem>>)
      %dma_wait3A = arith.constant 0 : i32
      %dma_wait3A_70 = arith.constant 0 : i32
      %dma_wait3A_71 = tpu.memref_slice %arg4[%arg1, %dma_wait3A, %dma_wait3A_70] : memref<16x250x80xi32, #tpu.memory_space<hbm>> -> memref<1x250x80xi32, #tpu.memory_space<hbm>>
      %dma_wait3A_72 = tpu.memref_squeeze %dma_wait3A_71 : memref<1x250x80xi32, #tpu.memory_space<hbm>> -> memref<250x80xi32, #tpu.memory_space<hbm>>
      %dma_wait3A_73 = arith.constant 0 : i32
      %dma_wait3A_74 = arith.constant 0 : i32
      %dma_wait3A_75 = tpu.memref_slice %arg4[%arg1, %dma_wait3A_73, %dma_wait3A_74] : memref<16x250x80xi32, #tpu.memory_space<hbm>> -> memref<1x250x80xi32, #tpu.memory_space<hbm>>
      %dma_wait3A_76 = tpu.memref_squeeze %dma_wait3A_75 : memref<1x250x80xi32, #tpu.memory_space<hbm>> -> memref<250x80xi32, #tpu.memory_space<hbm>>
      tpu.wait_dma2 semaphore(%run_scoped3A : memref<!tpu.dma_semaphore, #tpu.memory_space<semaphore_mem>>) src(%dma_wait3A_76 : memref<250x80xi32, #tpu.memory_space<hbm>>) dst(%arg7 : memref<250x80xi32, #tpu.memory_space<vmem>>)
      tpu.yield
    }) : () -> ()
    %barrier3A = arith.constant 0 : index
    tpu.barrier barrier_id(%barrier3A)
    %dma_start3A = arith.constant 0 : i32
    %dma_start3A_45 = arith.constant 0 : i32
    %dma_start3A_46 = tpu.memref_slice %arg6[%dma_start3A, %dma_start3A_45] : memref<250x80xi32, #tpu.memory_space<vmem>> -> memref<1x80xi32, #tpu.memory_space<vmem>>
    %dma_start3A_47 = tpu.memref_squeeze %dma_start3A_46 : memref<1x80xi32, #tpu.memory_space<vmem>> -> memref<80xi32, #tpu.memory_space<vmem>>
    %dma_start3A_48 = arith.constant 0 : i32
    %dma_start3A_49 = arith.constant 0 : i32
    %dma_start3A_50 = tpu.memref_slice %arg2[%arg0, %dma_start3A_48, %dma_start3A_49] : memref<2x10240x64xf32, #tpu.memory_space<hbm>> -> memref<1x10240x64xf32, #tpu.memory_space<hbm>>
    %dma_start3A_51 = tpu.memref_squeeze %dma_start3A_50 : memref<1x10240x64xf32, #tpu.memory_space<hbm>> -> memref<10240x64xf32, #tpu.memory_space<hbm>>
    %dma_start3A_52 = arith.constant 0 : i32
    %dma_start3A_53 = arith.constant 0 : i32
    %dma_start3A_54 = tpu.memref_slice %dma_start3A_51[%dma_start3A_52, %dma_start3A_53] : memref<10240x64xf32, #tpu.memory_space<hbm>> -> memref<10240x64xf32, #tpu.memory_space<hbm>>
    tpu.enqueue_indirect_dma source(%dma_start3A_54 : memref<10240x64xf32, #tpu.memory_space<hbm>>) target(%arg8 : memref<80x64xf32, #tpu.memory_space<vmem>>) offsets(%dma_start3A_47 : memref<80xi32, #tpu.memory_space<vmem>>) semaphore(%arg12 : memref<!tpu.dma_semaphore, #tpu.memory_space<semaphore_mem>>)
    %scan3A_55 = arith.constant 0 : i32
    %scan3A_56 = arith.constant 0 : i32
    %scan3A_57 = arith.constant 125 : i32
    %scan3A_58 = arith.addi %scan3A_56, %scan3A_57 : i32
    %scan3A_59 = arith.constant 1 : i32
    scf.for %scan3A_62 = %scan3A_56 to %scan3A_58 step %scan3A_59  : i32 {
      %mul3A_63 = arith.constant 2 : i32
      %mul3A_64 = arith.muli %mul3A_63, %scan3A_62 : i32
      %add3A_65 = arith.constant 1 : i32
      %add3A_66 = arith.addi %mul3A_64, %add3A_65 : i32
      %dma_start3A_67 = arith.constant 0 : i32
      %dma_start3A_68 = tpu.memref_slice %arg6[%add3A_66, %dma_start3A_67] : memref<250x80xi32, #tpu.memory_space<vmem>> -> memref<1x80xi32, #tpu.memory_space<vmem>>
      %dma_start3A_69 = tpu.memref_squeeze %dma_start3A_68 : memref<1x80xi32, #tpu.memory_space<vmem>> -> memref<80xi32, #tpu.memory_space<vmem>>
      %dma_start3A_70 = arith.constant 0 : i32
      %dma_start3A_71 = arith.constant 0 : i32
      %dma_start3A_72 = tpu.memref_slice %arg2[%arg0, %dma_start3A_70, %dma_start3A_71] : memref<2x10240x64xf32, #tpu.memory_space<hbm>> -> memref<1x10240x64xf32, #tpu.memory_space<hbm>>
      %dma_start3A_73 = tpu.memref_squeeze %dma_start3A_72 : memref<1x10240x64xf32, #tpu.memory_space<hbm>> -> memref<10240x64xf32, #tpu.memory_space<hbm>>
      %dma_start3A_74 = arith.constant 0 : i32
      %dma_start3A_75 = arith.constant 0 : i32
      %dma_start3A_76 = tpu.memref_slice %dma_start3A_73[%dma_start3A_74, %dma_start3A_75] : memref<10240x64xf32, #tpu.memory_space<hbm>> -> memref<10240x64xf32, #tpu.memory_space<hbm>>
      tpu.enqueue_indirect_dma source(%dma_start3A_76 : memref<10240x64xf32, #tpu.memory_space<hbm>>) target(%arg9 : memref<80x64xf32, #tpu.memory_space<vmem>>) offsets(%dma_start3A_69 : memref<80xi32, #tpu.memory_space<vmem>>) semaphore(%arg13 : memref<!tpu.dma_semaphore, #tpu.memory_space<semaphore_mem>>)
      %dma_wait3A = arith.constant 0 : i32
      %dma_wait3A_77 = arith.constant 0 : i32
      %dma_wait3A_78 = tpu.memref_slice %arg6[%dma_wait3A, %dma_wait3A_77] : memref<250x80xi32, #tpu.memory_space<vmem>> -> memref<1x80xi32, #tpu.memory_space<vmem>>
      %dma_wait3A_79 = tpu.memref_squeeze %dma_wait3A_78 : memref<1x80xi32, #tpu.memory_space<vmem>> -> memref<80xi32, #tpu.memory_space<vmem>>
      %dma_wait3A_80 = arith.constant 0 : i32
      %dma_wait3A_81 = arith.constant 0 : i32
      %dma_wait3A_82 = tpu.memref_slice %arg2[%arg0, %dma_wait3A_80, %dma_wait3A_81] : memref<2x10240x64xf32, #tpu.memory_space<hbm>> -> memref<1x10240x64xf32, #tpu.memory_space<hbm>>
      %dma_wait3A_83 = tpu.memref_squeeze %dma_wait3A_82 : memref<1x10240x64xf32, #tpu.memory_space<hbm>> -> memref<10240x64xf32, #tpu.memory_space<hbm>>
      %dma_wait3A_84 = arith.constant 0 : i32
      %dma_wait3A_85 = arith.constant 0 : i32
      %dma_wait3A_86 = tpu.memref_slice %dma_wait3A_83[%dma_wait3A_84, %dma_wait3A_85] : memref<10240x64xf32, #tpu.memory_space<hbm>> -> memref<10240x64xf32, #tpu.memory_space<hbm>>
      tpu.wait_indirect_dma semaphore(%arg12 : memref<!tpu.dma_semaphore, #tpu.memory_space<semaphore_mem>>) src(%dma_wait3A_86 : memref<10240x64xf32, #tpu.memory_space<hbm>>) dst(%arg8 : memref<80x64xf32, #tpu.memory_space<vmem>>)
      %mul3A_87 = arith.constant 2 : i32
      %mul3A_88 = arith.muli %mul3A_87, %scan3A_62 : i32
      "tpu.region"() ({
        %run_scoped3A = tpu.sem_alloc : memref<!tpu.dma_semaphore, #tpu.memory_space<semaphore_mem>>
        %dma_start3A_110 = arith.constant 0 : i32
        %dma_start3A_111 = tpu.memref_slice %arg7[%mul3A_88, %dma_start3A_110] : memref<250x80xi32, #tpu.memory_space<vmem>> -> memref<1x80xi32, #tpu.memory_space<vmem>>
        %dma_start3A_112 = tpu.memref_squeeze %dma_start3A_111 : memref<1x80xi32, #tpu.memory_space<vmem>> -> memref<80xi32, #tpu.memory_space<vmem>>
        %dma_start3A_113 = arith.constant 0 : i32
        %dma_start3A_114 = arith.constant 0 : i32
        %dma_start3A_115 = tpu.memref_slice %arg11[%dma_start3A_113, %dma_start3A_114] : memref<10240x64xf32, #tpu.memory_space<vmem_shared>> -> memref<10240x64xf32, #tpu.memory_space<vmem_shared>>
        tpu.enqueue_indirect_dma source(%arg8 : memref<80x64xf32, #tpu.memory_space<vmem>>) target(%dma_start3A_115 : memref<10240x64xf32, #tpu.memory_space<vmem_shared>>) offsets(%dma_start3A_112 : memref<80xi32, #tpu.memory_space<vmem>>) semaphore(%run_scoped3A : memref<!tpu.dma_semaphore, #tpu.memory_space<semaphore_mem>>) {add = true}
        %dma_wait3A_116 = arith.constant 0 : i32
        %dma_wait3A_117 = tpu.memref_slice %arg7[%mul3A_88, %dma_wait3A_116] : memref<250x80xi32, #tpu.memory_space<vmem>> -> memref<1x80xi32, #tpu.memory_space<vmem>>
        %dma_wait3A_118 = tpu.memref_squeeze %dma_wait3A_117 : memref<1x80xi32, #tpu.memory_space<vmem>> -> memref<80xi32, #tpu.memory_space<vmem>>
        %dma_wait3A_119 = arith.constant 0 : i32
        %dma_wait3A_120 = arith.constant 0 : i32
        %dma_wait3A_121 = tpu.memref_slice %arg11[%dma_wait3A_119, %dma_wait3A_120] : memref<10240x64xf32, #tpu.memory_space<vmem_shared>> -> memref<10240x64xf32, #tpu.memory_space<vmem_shared>>
        tpu.wait_indirect_dma semaphore(%run_scoped3A : memref<!tpu.dma_semaphore, #tpu.memory_space<semaphore_mem>>) src(%arg8 : memref<80x64xf32, #tpu.memory_space<vmem>>) dst(%dma_wait3A_121 : memref<10240x64xf32, #tpu.memory_space<vmem_shared>>)
        tpu.yield
      }) : () -> ()
      %lt3A = arith.constant 124 : i32
      %lt3A_89 = arith.cmpi slt, %scan3A_62, %lt3A : i32
      %mul3A_90 = arith.constant 2 : i32
      %mul3A_91 = arith.muli %mul3A_90, %scan3A_62 : i32
      %add3A_92 = arith.constant 2 : i32
      %add3A_93 = arith.addi %mul3A_91, %add3A_92 : i32
      %convert_element_type3A = arith.extui %lt3A_89 : i1 to i32
      %cond3A = arith.constant 0 : i32
      %cond3A_94 = arith.cmpi ne, %convert_element_type3A, %cond3A : i32
      scf.if %cond3A_94 {
        %dma_start3A_110 = arith.constant 0 : i32
        %dma_start3A_111 = tpu.memref_slice %arg6[%add3A_93, %dma_start3A_110] : memref<250x80xi32, #tpu.memory_space<vmem>> -> memref<1x80xi32, #tpu.memory_space<vmem>>
        %dma_start3A_112 = tpu.memref_squeeze %dma_start3A_111 : memref<1x80xi32, #tpu.memory_space<vmem>> -> memref<80xi32, #tpu.memory_space<vmem>>
        %dma_start3A_113 = arith.constant 0 : i32
        %dma_start3A_114 = arith.constant 0 : i32
        %dma_start3A_115 = tpu.memref_slice %arg2[%arg0, %dma_start3A_113, %dma_start3A_114] : memref<2x10240x64xf32, #tpu.memory_space<hbm>> -> memref<1x10240x64xf32, #tpu.memory_space<hbm>>
        %dma_start3A_116 = tpu.memref_squeeze %dma_start3A_115 : memref<1x10240x64xf32, #tpu.memory_space<hbm>> -> memref<10240x64xf32, #tpu.memory_space<hbm>>
        %dma_start3A_117 = arith.constant 0 : i32
        %dma_start3A_118 = arith.constant 0 : i32
        %dma_start3A_119 = tpu.memref_slice %dma_start3A_116[%dma_start3A_117, %dma_start3A_118] : memref<10240x64xf32, #tpu.memory_space<hbm>> -> memref<10240x64xf32, #tpu.memory_space<hbm>>
        tpu.enqueue_indirect_dma source(%dma_start3A_119 : memref<10240x64xf32, #tpu.memory_space<hbm>>) target(%arg8 : memref<80x64xf32, #tpu.memory_space<vmem>>) offsets(%dma_start3A_112 : memref<80xi32, #tpu.memory_space<vmem>>) semaphore(%arg12 : memref<!tpu.dma_semaphore, #tpu.memory_space<semaphore_mem>>)
      } else {
      }
      %dma_wait3A_95 = arith.constant 0 : i32
      %dma_wait3A_96 = arith.constant 0 : i32
      %dma_wait3A_97 = tpu.memref_slice %arg6[%dma_wait3A_95, %dma_wait3A_96] : memref<250x80xi32, #tpu.memory_space<vmem>> -> memref<1x80xi32, #tpu.memory_space<vmem>>
      %dma_wait3A_98 = tpu.memref_squeeze %dma_wait3A_97 : memref<1x80xi32, #tpu.memory_space<vmem>> -> memref<80xi32, #tpu.memory_space<vmem>>
      %dma_wait3A_99 = arith.constant 0 : i32
      %dma_wait3A_100 = arith.constant 0 : i32
      %dma_wait3A_101 = tpu.memref_slice %arg2[%arg0, %dma_wait3A_99, %dma_wait3A_100] : memref<2x10240x64xf32, #tpu.memory_space<hbm>> -> memref<1x10240x64xf32, #tpu.memory_space<hbm>>
      %dma_wait3A_102 = tpu.memref_squeeze %dma_wait3A_101 : memref<1x10240x64xf32, #tpu.memory_space<hbm>> -> memref<10240x64xf32, #tpu.memory_space<hbm>>
      %dma_wait3A_103 = arith.constant 0 : i32
      %dma_wait3A_104 = arith.constant 0 : i32
      %dma_wait3A_105 = tpu.memref_slice %dma_wait3A_102[%dma_wait3A_103, %dma_wait3A_104] : memref<10240x64xf32, #tpu.memory_space<hbm>> -> memref<10240x64xf32, #tpu.memory_space<hbm>>
      tpu.wait_indirect_dma semaphore(%arg13 : memref<!tpu.dma_semaphore, #tpu.memory_space<semaphore_mem>>) src(%dma_wait3A_105 : memref<10240x64xf32, #tpu.memory_space<hbm>>) dst(%arg9 : memref<80x64xf32, #tpu.memory_space<vmem>>)
      %mul3A_106 = arith.constant 2 : i32
      %mul3A_107 = arith.muli %mul3A_106, %scan3A_62 : i32
      %add3A_108 = arith.constant 1 : i32
      %add3A_109 = arith.addi %mul3A_107, %add3A_108 : i32
      "tpu.region"() ({
        %run_scoped3A = tpu.sem_alloc : memref<!tpu.dma_semaphore, #tpu.memory_space<semaphore_mem>>
        %dma_start3A_110 = arith.constant 0 : i32
        %dma_start3A_111 = tpu.memref_slice %arg7[%add3A_109, %dma_start3A_110] : memref<250x80xi32, #tpu.memory_space<vmem>> -> memref<1x80xi32, #tpu.memory_space<vmem>>
        %dma_start3A_112 = tpu.memref_squeeze %dma_start3A_111 : memref<1x80xi32, #tpu.memory_space<vmem>> -> memref<80xi32, #tpu.memory_space<vmem>>
        %dma_start3A_113 = arith.constant 0 : i32
        %dma_start3A_114 = arith.constant 0 : i32
        %dma_start3A_115 = tpu.memref_slice %arg11[%dma_start3A_113, %dma_start3A_114] : memref<10240x64xf32, #tpu.memory_space<vmem_shared>> -> memref<10240x64xf32, #tpu.memory_space<vmem_shared>>
        tpu.enqueue_indirect_dma source(%arg9 : memref<80x64xf32, #tpu.memory_space<vmem>>) target(%dma_start3A_115 : memref<10240x64xf32, #tpu.memory_space<vmem_shared>>) offsets(%dma_start3A_112 : memref<80xi32, #tpu.memory_space<vmem>>) semaphore(%run_scoped3A : memref<!tpu.dma_semaphore, #tpu.memory_space<semaphore_mem>>) {add = true}
        %dma_wait3A_116 = arith.constant 0 : i32
        %dma_wait3A_117 = tpu.memref_slice %arg7[%add3A_109, %dma_wait3A_116] : memref<250x80xi32, #tpu.memory_space<vmem>> -> memref<1x80xi32, #tpu.memory_space<vmem>>
        %dma_wait3A_118 = tpu.memref_squeeze %dma_wait3A_117 : memref<1x80xi32, #tpu.memory_space<vmem>> -> memref<80xi32, #tpu.memory_space<vmem>>
        %dma_wait3A_119 = arith.constant 0 : i32
        %dma_wait3A_120 = arith.constant 0 : i32
        %dma_wait3A_121 = tpu.memref_slice %arg11[%dma_wait3A_119, %dma_wait3A_120] : memref<10240x64xf32, #tpu.memory_space<vmem_shared>> -> memref<10240x64xf32, #tpu.memory_space<vmem_shared>>
        tpu.wait_indirect_dma semaphore(%run_scoped3A : memref<!tpu.dma_semaphore, #tpu.memory_space<semaphore_mem>>) src(%arg9 : memref<80x64xf32, #tpu.memory_space<vmem>>) dst(%dma_wait3A_121 : memref<10240x64xf32, #tpu.memory_space<vmem_shared>>)
        tpu.yield
      }) : () -> ()
    }
    %scan3A_60 = arith.constant 125 : i32
    %barrier3A_61 = arith.constant 0 : index
    tpu.barrier barrier_id(%barrier3A_61)
    "tpu.region"() ({
      %run_scoped3A = tpu.sem_alloc : memref<!tpu.dma_semaphore, #tpu.memory_space<semaphore_mem>>
      %dma_start3A_62 = arith.constant 0 : i32
      %dma_start3A_63 = tpu.memref_slice %arg5[%arg0, %mul3A_5, %dma_start3A_62] : memref<2x10240x64xf32, #tpu.memory_space<hbm>> -> memref<1x640x64xf32, #tpu.memory_space<hbm>>
      %dma_start3A_64 = tpu.memref_squeeze %dma_start3A_63 : memref<1x640x64xf32, #tpu.memory_space<hbm>> -> memref<640x64xf32, #tpu.memory_space<hbm>>
      %dma_start3A_65 = arith.constant 0 : i32
      %dma_start3A_66 = tpu.memref_slice %arg11[%mul3A_5, %dma_start3A_65] : memref<10240x64xf32, #tpu.memory_space<vmem_shared>> -> memref<640x64xf32, #tpu.memory_space<vmem_shared>>
      tpu.enqueue_dma source(%dma_start3A_66 : memref<640x64xf32, #tpu.memory_space<vmem_shared>>) target(%dma_start3A_64 : memref<640x64xf32, #tpu.memory_space<hbm>>) target_semaphore(%run_scoped3A : memref<!tpu.dma_semaphore, #tpu.memory_space<semaphore_mem>>)
      %dma_wait3A = arith.constant 0 : i32
      %dma_wait3A_67 = tpu.memref_slice %arg5[%arg0, %mul3A_5, %dma_wait3A] : memref<2x10240x64xf32, #tpu.memory_space<hbm>> -> memref<1x640x64xf32, #tpu.memory_space<hbm>>
      %dma_wait3A_68 = tpu.memref_squeeze %dma_wait3A_67 : memref<1x640x64xf32, #tpu.memory_space<hbm>> -> memref<640x64xf32, #tpu.memory_space<hbm>>
      %dma_wait3A_69 = arith.constant 0 : i32
      %dma_wait3A_70 = tpu.memref_slice %arg11[%mul3A_5, %dma_wait3A_69] : memref<10240x64xf32, #tpu.memory_space<vmem_shared>> -> memref<640x64xf32, #tpu.memory_space<vmem_shared>>
      tpu.wait_dma2 semaphore(%run_scoped3A : memref<!tpu.dma_semaphore, #tpu.memory_space<semaphore_mem>>) src(%dma_wait3A_70 : memref<640x64xf32, #tpu.memory_space<vmem_shared>>) dst(%dma_wait3A_68 : memref<640x64xf32, #tpu.memory_space<hbm>>)
      tpu.yield
    }) : () -> ()
    return
  }
}

module attributes {stable_mosaic.version = 14 : i64} {
  func.func @_final_body(%arg0: memref<2x10240x64xf32, #tpu.memory_space<vmem>>, %arg1: memref<128x128xf32, #tpu.memory_space<vmem>>, %arg2: memref<128xf32, #tpu.memory_space<vmem>>, %arg3: memref<2x10240xf32, #tpu.memory_space<vmem>>, %arg4: memref<10000x128xf32, #tpu.memory_space<vmem>>) attributes {dimension_semantics = [], scalar_prefetch = 0 : i64, scratch_operands = 0 : i64, tpu.core_type = #tpu.core_type<tc>} {
    %get3A = arith.constant 0 : index
    %get3A_0 = arith.constant 0 : index
    %get3A_1 = vector.load %arg3[%get3A, %get3A_0] : memref<2x10240xf32, #tpu.memory_space<vmem>>, vector<1x10000xf32>
    %get3A_2 = vector.shape_cast %get3A_1 : vector<1x10000xf32> to vector<10000xf32>
    %get3A_3 = arith.constant 1 : index
    %get3A_4 = arith.constant 0 : index
    %get3A_5 = vector.load %arg3[%get3A_3, %get3A_4] : memref<2x10240xf32, #tpu.memory_space<vmem>>, vector<1x10000xf32>
    %get3A_6 = vector.shape_cast %get3A_5 : vector<1x10000xf32> to vector<10000xf32>
    %add3A = arith.addf %get3A_2, %get3A_6 : vector<10000xf32>
    %max3A = arith.constant 1.000000e+00 : f32
    %max3A_7 = vector.broadcast %max3A : f32 to vector<10000xf32>
    %max3A_8 = arith.maximumf %add3A, %max3A_7 : vector<10000xf32>
    %rsqrt3A = math.rsqrt %max3A_8 : vector<10000xf32>
    %get3A_9 = arith.constant 0 : index
    %get3A_10 = arith.constant 0 : index
    %get3A_11 = arith.constant 0 : index
    %get3A_12 = vector.load %arg0[%get3A_9, %get3A_10, %get3A_11] : memref<2x10240x64xf32, #tpu.memory_space<vmem>>, vector<1x10000x64xf32>
    %get3A_13 = vector.shape_cast %get3A_12 : vector<1x10000x64xf32> to vector<10000x64xf32>
    %get3A_14 = arith.constant 0 : index
    %get3A_15 = arith.constant 0 : index
    %get3A_16 = vector.load %arg1[%get3A_14, %get3A_15] : memref<128x128xf32, #tpu.memory_space<vmem>>, vector<64x128xf32>
    %dot_general3A = arith.constant dense<0.000000e+00> : vector<10000x128xf32>
    %dot_general3A_17 = tpu.matmul %get3A_13, %get3A_16, %dot_general3A {dimension_numbers = #tpu.dot_dimension_numbers<[1], [0], [0], [1], [0, 0, 1, 1], [], []>, transpose_lhs_hint = false} : vector<10000x64xf32>, vector<64x128xf32>, vector<10000x128xf32> -> vector<10000x128xf32>
    %get3A_18 = arith.constant 1 : index
    %get3A_19 = arith.constant 0 : index
    %get3A_20 = arith.constant 0 : index
    %get3A_21 = vector.load %arg0[%get3A_18, %get3A_19, %get3A_20] : memref<2x10240x64xf32, #tpu.memory_space<vmem>>, vector<1x10000x64xf32>
    %get3A_22 = vector.shape_cast %get3A_21 : vector<1x10000x64xf32> to vector<10000x64xf32>
    %get3A_23 = arith.constant 64 : index
    %get3A_24 = arith.constant 0 : index
    %get3A_25 = vector.load %arg1[%get3A_23, %get3A_24] : memref<128x128xf32, #tpu.memory_space<vmem>>, vector<64x128xf32>
    %dot_general3A_26 = arith.constant dense<0.000000e+00> : vector<10000x128xf32>
    %dot_general3A_27 = tpu.matmul %get3A_22, %get3A_25, %dot_general3A_26 {dimension_numbers = #tpu.dot_dimension_numbers<[1], [0], [0], [1], [0, 0, 1, 1], [], []>, transpose_lhs_hint = false} : vector<10000x64xf32>, vector<64x128xf32>, vector<10000x128xf32> -> vector<10000x128xf32>
    %add3A_28 = arith.addf %dot_general3A_17, %dot_general3A_27 : vector<10000x128xf32>
    %broadcast_in_dim3A = vector.shape_cast %rsqrt3A : vector<10000xf32> to vector<10000x1xf32>
    %mul3A = vector.broadcast %broadcast_in_dim3A : vector<10000x1xf32> to vector<10000x128xf32>
    %mul3A_29 = arith.mulf %add3A_28, %mul3A : vector<10000x128xf32>
    %get3A_30 = arith.constant 0 : index
    %get3A_31 = vector.load %arg2[%get3A_30] : memref<128xf32, #tpu.memory_space<vmem>>, vector<128xf32>
    %broadcast_in_dim3A_32 = vector.shape_cast %get3A_31 : vector<128xf32> to vector<1x128xf32>
    %add3A_33 = vector.broadcast %broadcast_in_dim3A_32 : vector<1x128xf32> to vector<10000x128xf32>
    %add3A_34 = arith.addf %mul3A_29, %add3A_33 : vector<10000x128xf32>
    %swap3A = arith.constant 0 : index
    %swap3A_35 = arith.constant 0 : index
    %swap3A_36 = vector.load %arg4[%swap3A, %swap3A_35] : memref<10000x128xf32, #tpu.memory_space<vmem>>, vector<10000x128xf32>
    tpu.vector_store %arg4[%swap3A, %swap3A_35], %add3A_34 {strides = array<i32>} : memref<10000x128xf32, #tpu.memory_space<vmem>>, vector<10000x128xf32>,
    return
  }
}

</mosaic_0001>

<sc_bundles>
// kernel: kernel.5.cloned.1.call-start
scs
__scs_entry_jumppad:
0x0: {  	(pc) =	sbr.rel $0x88, $3  }
0x1: {  	(tag) =	ssettag $0x0;
	lr =	simm.s32 $0x1  }
0x2: {  	[smem:$0x3F9D] =	sst lr;
	_ =	strace $0xD0000000  }
0x3: {  	_ = 	snop  }
0x4: {  	_ = 	snop  }
0x5: {  	_ = 	snop  }
0x6: {  	_ = 	snop  }
0x7: {  	_ = 	snop  }
__scs_overlays_trampoline_lowered:
0x8: {  	[smem:$0x3FAC] =	sst s0  }
0x9: {  	[smem:$0x3FAD] =	sst s1  }
0xa: {  	[smem:$0x3FAE] =	sst s2  }
0xb: {  	[smem:$0x3FAF] =	sst s3  }
0xc: {  	[smem:$0x3FB0] =	sst s4  }
0xd: {  	[smem:$0x3FB1] =	sst s5  }
0xe: {  	[smem:$0x3FB2] =	sst s6  }
0xf: {  	[smem:$0x3FB3] =	sst s7  }
0x10: {  	[smem:$0x3FB4] =	sst s8  }
0x11: {  	[smem:$0x3FB5] =	sst s9;
	s0 =	simm.s32 @!p0 $0x0  }
0x12: {  	s1 =	sld [smem:$0x3F9B];
	s0 =	simm.s32 @p0 $0x1  }
0x13: {  	[smem:$0x3FB6] =	sst s0;
	s0 =	simm.s32 @!p1 $0x0  }
0x14: {  	s2 =	sld [smem:$0x3F9A];
	s0 =	simm.s32 @p1 $0x1  }
0x15: {  	[smem:$0x3FB7] =	sst s0;
	s0 =	simm.s32 @!p2 $0x0  }
0x16: {  	s3 =	sld [smem:$0x3FDB];
	s0 =	simm.s32 @p2 $0x1  }
0x17: {  	s4 =	simm.s32 $0x1BF5;
	[smem:$0x3FB9] =	sst s0  }
0x18: {  	s0 =	sld [smem:$0x3F9C];
	_ =	swait.ge [sflag:s4], $0x0  }
0x19: {  	s7 =	sld [smem:$0x3F9D]  }
0x1a: {  	s8 =	sadd.s32 $0xFFFFE003, lr  }
0x1b: {  	s9 =	sadd.s32 $0xFFFFFEF7, lr;
	s5 =	simm.s32 $0xFFFFFFFF;
	p2 =	slt.u32 s8, $0xFFFFF086  }
0x1c: {  	p1 =	slt.u32 s9, $0xF7A;
	s5 =	simm.s32 @!p2 $0x0  }
0x1d: {  	s5 =	simm.s32 @p1 $0x1;
	p0 =	seq.s32 s7, s2  }
0x1e: {  	s7 =	smul.u32 @!p0 $0xF7A, s2;
	p2 =	seq.s32 @!p0 s5, $0x0  }
0x1f: {  	s9 =	smul.u32 $0xF7A, s1;
	s8 =	simm.s32 @!p0 $0x1BF5;
	p2 =	por !p2, p0  }
0x20: {  	[sflag:s8] =	ssyncset.s32 @!p0 $0xFFFFF086;
	s6 =	sadd.s32 @!p0 s3, s7;
	s7 =	simm.s32 @!p0 $0x108  }
0x21: {  	s3 =	sadd.s32 s3, s9;
	s6 =	sadd.s32 @!p0 $0x88, s6;
	s7 =	simm.s32 @p2 $0x1082  }
0x22: {  	[simem:s7], [sflag:s8] =	dma.local @!p0 [hbm:s6], $0xF7A  }
0x23: {  	s9 =	sor.u32 $0xD0000000, s2;
	s6 =	simm.s32 $0x108;
	_ =	swait.ge @!p0 [sflag:s8], $0x0  }
0x24: {  	s3 =	sadd.s32 $0x88, s3;
	s6 =	simm.s32 @!p1 $0x1082;
	[sflag:s4] =	ssyncset.s32 $0xFFFFF086  }
0x25: {  	[simem:s6], [sflag:s4] =	dma.local [hbm:s3], $0xF7A  }
0x26: {  	[smem:$0x3F9D] =	sst s1;
	(tag) =	ssettag s2;
	_ =	strace s9  }
0x27: {  	s1 =	sld [smem:$0x3FAD]  }
0x28: {  	s2 =	sld [smem:$0x3FAE]  }
0x29: {  	s4 =	sld [smem:$0x3FB0]  }
0x2a: {  	p0 =	seq.s32 s5, $0x0;
	s5 =	sld [smem:$0x3FB1]  }
0x2b: {  	s6 =	sld [smem:$0x3FB2]  }
0x2c: {  	s7 =	sld [smem:$0x3FB3]  }
0x2d: {  	s3 =	simm.s32 $0x108;
	s8 =	sld [smem:$0x3FB4]  }
0x2e: {  	s3 =	simm.s32 @!p0 $0x1082;
	s9 =	sld [smem:$0x3FB5]  }
0x2f: {  	lr =	sadd.s32 s0, s3;
	s0 =	sld [smem:$0x3FAC]  }
0x30: {  	s3 =	sld [smem:$0x3FAF]  }
0x31: {  	[smem:$0x3FB8] =	sst s10  }
0x32: {  	s10 =	sld [smem:$0x3FB6];
	_ =	sdelay $0x3  }
0x33: {  	p0 =	seq.s32 s10, $0x1;
	s10 =	sld [smem:$0x3FB8];
	_ =	sdelay $0x3  }
0x34: {  	[smem:$0x3FB8] =	sst s10  }
0x35: {  	s10 =	sld [smem:$0x3FB7];
	_ =	sdelay $0x3  }
0x36: {  	p1 =	seq.s32 s10, $0x1;
	s10 =	sld [smem:$0x3FB8];
	_ =	sdelay $0x3  }
0x37: {  	[smem:$0x3FB8] =	sst s10  }
0x38: {  	s10 =	sld [smem:$0x3FB9]  }
0x39: {  	_ = 	snop;
	(pc) =	sbr.ind lr, $3  }
0x3a: {  	_ = 	snop  }
0x3b: {  	_ = 	snop  }
0x3c: {  	p2 =	seq.s32 s10, $0x1;
	s10 =	sld [smem:$0x3FB8]  }
0x3d: {  	_ =	shalt  }
0x3e: {  	_ =	shalt  }
0x3f: {  	_ =	shalt  }
0x40: {  	_ =	shalt  }
0x41: {  	_ =	shalt  }
0x42: {  	_ =	shalt  }
0x43: {  	_ =	shalt  }
0x44: {  	_ =	shalt  }
0x45: {  	_ =	shalt  }
0x46: {  	_ =	shalt  }
0x47: {  	_ =	shalt  }
0x48: {  	_ =	shalt  }
0x49: {  	_ =	shalt  }
0x4a: {  	_ =	shalt  }
0x4b: {  	_ =	shalt  }
0x4c: {  	_ =	shalt  }
0x4d: {  	_ =	shalt  }
0x4e: {  	_ =	shalt  }
0x4f: {  	_ =	shalt  }
0x50: {  	_ =	shalt  }
0x51: {  	_ =	shalt  }
0x52: {  	_ =	shalt  }
0x53: {  	_ =	shalt  }
0x54: {  	_ =	shalt  }
0x55: {  	_ =	shalt  }
0x56: {  	_ =	shalt  }
0x57: {  	_ =	shalt  }
0x58: {  	_ =	shalt  }
0x59: {  	_ =	shalt  }
0x5a: {  	_ =	shalt  }
0x5b: {  	_ =	shalt  }
0x5c: {  	_ =	shalt  }
0x5d: {  	_ =	shalt  }
0x5e: {  	_ =	shalt  }
0x5f: {  	_ =	shalt  }
0x60: {  	_ =	shalt  }
0x61: {  	_ =	shalt  }
0x62: {  	_ =	shalt  }
0x63: {  	_ =	shalt  }
0x64: {  	_ =	shalt  }
0x65: {  	_ =	shalt  }
0x66: {  	_ =	shalt  }
0x67: {  	_ =	shalt  }
0x68: {  	_ =	shalt  }
0x69: {  	_ =	shalt  }
0x6a: {  	_ =	shalt  }
0x6b: {  	_ =	shalt  }
0x6c: {  	_ =	shalt  }
0x6d: {  	_ =	shalt  }
0x6e: {  	_ =	shalt  }
0x6f: {  	_ =	shalt  }
0x70: {  	_ =	shalt  }
0x71: {  	_ =	shalt  }
0x72: {  	_ =	shalt  }
0x73: {  	_ =	shalt  }
0x74: {  	_ =	shalt  }
0x75: {  	_ =	shalt  }
0x76: {  	_ =	shalt  }
0x77: {  	_ =	shalt  }
0x78: {  	_ =	shalt  }
0x79: {  	_ =	shalt  }
0x7a: {  	_ =	shalt  }
0x7b: {  	_ =	shalt  }
0x7c: {  	_ =	shalt  }
0x7d: {  	_ =	shalt  }
0x7e: {  	_ =	shalt  }
0x7f: {  	_ =	shalt  }
0x80: {  	_ =	shalt  }
0x81: {  	_ =	shalt  }
0x82: {  	_ =	shalt  }
0x83: {  	_ =	shalt  }
0x84: {  	_ =	shalt  }
0x85: {  	_ =	shalt  }
0x86: {  	_ =	shalt  }
0x87: {  	_ =	shalt  }
.Lfunc_end0:
.L_simem_size_0:
called_computation_lowered:
.L_overlay_start_0:
0x88: {  	s2 =	sld [smem:$0x3FD9]  }
0x89: {  	s3 =	sld [smem:$0x3FFE];
	_ =	sdelay $0x1  }
0x8a: {  	s1 =	srdreg.scid  }
0x8b: {  	s0 =	sand.u32 $0x1, s1  }
0x8c: {  	s17 =	sshll.u32 s0, $0xA;
	s2 =	sadd.s32 s3, s2  }
0x8d: {  	s2 =	sadd.s32 s2, s17  }
0x8e: {  	[smem:$0x3FC4] =	sst s2  }
0x8f: {  	_ = 	snop  }
0x90: {  	s2 =	sld [smem:$0x3FC9]  }
0x91: {  	s18 =	sld [smem:$0x3FD0];
	(tm) =	ssettm $0x1  }
0x92: {  	s4 =	sld [smem:$0x3FFB];
	_ =	sdelay $0x3  }
0x93: {  	_ =	strace s4  }
0x94: {  	s4 =	sld [smem:$0x3FFC];
	_ =	sdelay $0x3  }
0x95: {  	_ =	strace s4  }
0x96: {  	s4 =	sld [smem:$0x3FFD];
	_ =	sdelay $0x3  }
0x97: {  	_ =	strace s4  }
0x98: {  	_ =	strace $0x8FFFFFFF  }
0x99: {  	s19 =	sld [smem:$0x3FDB];
	_ =	sdelay $0x1  }
0x9a: {  	s5 =	simm.s32 $_scs_section_size  }
0x9b: {  	s6 =	simm.s32 $_size__tile_overlayer_lowered;
	s7 =	simm.s32 $_tile_overlayer_lowered  }
0x9c: {  	s22 =	simm.s32 $0x1BFF;
	s21 =	sshll.u32 s7, $0x1;
	s4 =	sadd.s32 s5, s19  }
0x9d: {  	s8 =	simm.s32 $0x0;
	s20 =	sshll.u32 s6, $0x1;
	s6 =	sadd.s32 s21, s4  }
0x9e: {  	[timem:s8], [sflag:s22] =	dma.local [hbm:s6], s20  }
0x9f: {  	_ =	swait.ge [sflag:s22], s20  }
0xa0: {  	s5 =	ssub.s32 $0x0, s20;
	[sflag:s22] =	ssyncset.done $0x0  }
0xa1: {  	[sflag:s22] =	ssyncadd.s32 s5;
	_ =	sdelay $0x1  }
0xa2: {  	s23 =	simm.s32 $0x1B8B  }
0xa3: {  	_ =	swait.ge [sflag:s23], $0x1  }
0xa4: {  	[sflag:s23] =	ssyncset.done $0x0  }
0xa5: {  	s25 =	simm.s32 $0x1B8E;
	s24 =	sld [smem:$0x3FFE];
	[sflag:s23] =	ssyncadd.s32 $0xFFFFFFFF  }
0xa6: {  	s26 =	simm.s32 $execute0_lowered;
	[smem:$0x3FD2] =	sst s25  }
0xa7: {  	s6 =	sshll.u32 s26, $0x1;
	_ =	strace $0x80000046;
	[dreg:$0x1] =	wrdreg $0xFFFFFFFF  }
0xa8: {  	s28 =	simm.s32 $_size_execute0_lowered;
	s4 =	sadd.s32 s4, s6;
	[dreg:$0x0] =	wrdreg $0x0  }
0xa9: {  	s6 =	sshll.u32 s28, $0x1;
	[dreg:$0x2] =	wrdreg s4  }
0xaa: {  	[dreg:$0x3] =	wrdreg s6  }
0xab: {  	[dreg:$0x4] =	wrdreg $0xC0  }
0xac: {  	_ =	task [dreg:s8], $0x5FFFF  }
0xad: {  	[dreg:$0x1] =	wrdreg $0xFFFFFFFF  }
0xae: {  	[dreg:$0x0] =	wrdreg $0x60  }
0xaf: {  	[dreg:$0x2] =	wrdreg s2  }
0xb0: {  	[dreg:$0x3] =	wrdreg s24  }
0xb1: {  	[dreg:$0x4] =	wrdreg s18  }
0xb2: {  	[dreg:$0x5] =	wrdreg $0x141900  }
0xb3: {  	[dreg:$0x6] =	wrdreg $0x144100  }
0xb4: {  	[dreg:$0x7] =	wrdreg $0x9  }
0xb5: {  	_ =	task.clear_ibuf [dreg:s8], $0x8FFFF;
	_ =	strace $0x90000046  }
0xb6: {  	s29 =	simm.s32 $0x9;
	_ =	strace $0x80000048  }
0xb7: {  	_ =	swait.ge [sflag:s29], $0x1  }
0xb8: {  	[sflag:s29] =	ssyncadd.s32 $0xFFFFFFFF  }
0xb9: {  	_ =	strace $0x90000048  }
0xba: {  	_ =	sfence  }
0xbb: {  	s30 =	sld [smem:$0x0];
	_ =	sdelay $0x2  }
0xbc: {  	s31 =	sshll.u32 s1, $0xD;
	s1 =	sshrl.u32 s1, $0x2  }
0xbd: {  	s3 =	sand.u32 $0x4000, s31;
	s1 =	sadd.s32 s1, s30  }
0xbe: {  	s0 =	sor.u32 s3, s0;
	s1 =	sshll.u32 s1, $0x11  }
0xbf: {  	s0 =	sor.u32 s1, s0  }
0xc0: {  	s0 =	sadd.s32 $0x8F2B, s0  }
0xc1: {  	[sflag:s0] =	ssyncadd.remote.s32 $0x1  }
0xc2: {  	_ =	sfence.sel $0xFFFF  }
0xc3: {  	[dreg:$0x0] =	wrdreg $0xFFFFFFFF;
	(pc) =	sbr.abs _section_cstart, $3  }
0xc4: {  	[dreg:$0x1] =	wrdreg $0xFFFFFFFF  }
0xc5: {  	_ =	task.clear_ibuf [dreg:s8], $0x2FFFF;
	_ =	strace $0x9FFFFFFF  }
0xc6: {  	(tm) =	ssettm $0x7FFFFFFF  }
0xc7: {  	_ =	shalt  }
tec
execute0_lowered:
.L_overlay_start_1:
0x0: {  	(tag) =	ssettag $0x1  }
0x1: {  	s7 =	rddreg [dreg:$0x0]  }
0x2: {  	s5 =	rddreg [dreg:$0x1]  }
0x3: {  	s0 =	stileid.u32;
	s6 =	rddreg [dreg:$0x2]  }
0x4: {  	s1 =	srdreg.scid;
	s2 =	rddreg [dreg:$0x3]  }
0x5: {  	s3 =	rddreg [dreg:$0x4];
	s4 =	simm.s32 $0x0;
	s8 =	smul.u32 $0x9C4, s0  }
0x6: {  	s17 =	simm.s32 $0x13F10;
	s18 =	simm.s32 $0x50;
	s11 =	smul.u32 $0xA000, s0  }
0x7: {  	s19 =	simm.s32 $0x13EC0;
	s20 =	simm.s32 $0x1;
	s12 =	smul.u32 $0x280, s0  }
0x8: {  	s9 =	sand.u32 $0x1, s1;
	s1 =	rddreg [dreg:$0x5];
	s26 =	smul.u32 $0x14000, s0  }
0x9: {  	[smem:$0x7FF] =	sst s4;
	p0 =	seq.s32 s0, $0xF;
	s10 =	smul.u32 $0xA0000, s9  }
0xa: {  	s21 =	sshll.u32 s0, $0x6;
	s13 =	smul.u32 $0x2800, s9;
	_ =	strace $0x80000047  }
0xb: {  	s24 =	ssub.s32 $0x2, s9;
	s28 =	sshll.u32 s9, $0x6;
	s30 =	sshll.u32 s9, $0x3  }
0xc: {  	s16 =	smul.u32 $0x9C40, s9;
	s21 =	sor.u32 $0x1C03, s21;
	s22 =	sadd.s32 s8, s5  }
0xd: {  	s25 =	sshrl.u32 s24, $0x1;
	s6 =	sadd.s32 s6, s8;
	s29 =	sor.u32 s28, s26  }
0xe: {  	s9 =	sadd.s32 s12, s2;
	s10 =	sadd.s32 s11, s10;
	s13 =	sadd.s32 s12, s13  }
0xf: {  	s8 =	sshrl.u32 s29, $0x3;
	s31 =	sshrl.u32 s16, $0x2;
	s16 =	simm.s32 $0x4E20  }
0x10: {  	s10 =	sshrl.u32 s10, $0x3;
	s23 =	sshrl.u32 s13, $0x3;
	s13 =	ssub.s32 s24, s25  }
0x11: {  	s24 =	simm.s32 $0x0;
	s14 =	sadd.s32 s10, s5;
	s15 =	sadd.s32 s23, s5  }
0x12: {  	s5 =	sadd.s32 $0xA00, s22;
	s10 =	sadd.s32 s30, s7;
	s7 =	sadd.s32 s7, s8  }
0x13: {  	s13 =	smax.u32 s13, $0x1;
	s22 =	simm.s32 $0x13C40;
	s23 =	simm.s32 $0x9C40  }
0x14: {  	s8 =	sadd.s32 $0x25800, s10;
	s10 =	sadd.s32 s12, s3;
	s11 =	sadd.s32 $0xA800, s15  }
0x15: {  	v0 =	vimm.f32 $1.000000000e+00;
	v1 =	vimm.f32 $0.0e+00;
	s12 =	sadd.s32 $0xB200, s14;
	s14 =	sadd.s32 $0x4E20, s31;
	s15 =	simm.s32 $0x3  }
.LBB2_1:
0x16: {  	[tilespmem:$0x13EC0] =	vst v0  }
0x17: {  	[tilespmem:$0x13ED0] =	vst v0  }
0x18: {  	[tilespmem:$0x13EE0] =	vst v0  }
0x19: {  	[tilespmem:$0x13EF0] =	vst v0  }
0x1a: {  	[tilespmem:$0x13F00] =	vst v0  }
0x1b: {  	[tilespmem:$0x13F10] =	vst v1  }
0x1c: {  	[tilespmem:$0x13F20] =	vst v1  }
0x1d: {  	[tilespmem:$0x13F30] =	vst v1  }
0x1e: {  	[tilespmem:$0x13F40] =	vst v1  }
0x1f: {  	[tilespmem:$0x13F50] =	vst v1  }
0x20: {  	[tilespmem:$0x13F60] =	vst v1  }
0x21: {  	[tilespmem:$0x13F70] =	vst v1  }
0x22: {  	[tilespmem:$0x13F80] =	vst v1  }
0x23: {  	[tilespmem:$0x13F90] =	vst v1  }
0x24: {  	[tilespmem:$0x13FA0] =	vst v1  }
0x25: {  	[tilespmem:$0x13FB0] =	vst v1  }
0x26: {  	[tilespmem:$0x13FC0] =	vst v1  }
0x27: {  	[tilespmem:$0x13FD0] =	vst v1  }
0x28: {  	[tilespmem:$0x13FE0] =	vst v1  }
0x29: {  	[tilespmem:$0x13FF0] =	vst v1  }
0x2a: {  	[tilespmem:$0x14000] =	vst v1  }
0x2b: {  	[tilespmem:$0x14010] =	vst v1  }
0x2c: {  	[tilespmem:$0x14020] =	vst v1  }
0x2d: {  	[tilespmem:$0x14030] =	vst v1  }
0x2e: {  	[tilespmem:$0x14040] =	vst v1  }
0x2f: {  	[tilespmem:$0x14050] =	vst v1  }
0x30: {  	[tilespmem:$0x14060] =	vst v1  }
0x31: {  	[tilespmem:$0x14070] =	vst v1  }
0x32: {  	[tilespmem:$0x14080] =	vst v1  }
0x33: {  	[tilespmem:$0x14090] =	vst v1  }
0x34: {  	[tilespmem:$0x140A0] =	vst v1  }
0x35: {  	[tilespmem:$0x140B0] =	vst v1  }
0x36: {  	[tilespmem:$0x140C0] =	vst v1  }
0x37: {  	[tilespmem:$0x140D0] =	vst v1  }
0x38: {  	[tilespmem:$0x140E0] =	vst v1  }
0x39: {  	[tilespmem:$0x140F0] =	vst v1  }
0x3a: {  	[tilespmem:$0x14100] =	vst v1  }
0x3b: {  	[tilespmem:$0x14110] =	vst v1  }
0x3c: {  	[tilespmem:$0x14120] =	vst v1  }
0x3d: {  	[tilespmem:$0x14130] =	vst v1  }
0x3e: {  	[tilespmem:$0x14140] =	vst v1  }
0x3f: {  	[tilespmem:$0x14150] =	vst v1  }
0x40: {  	[tilespmem:$0x14160] =	vst v1  }
0x41: {  	[tilespmem:$0x14170] =	vst v1  }
0x42: {  	[tilespmem:$0x14180] =	vst v1  }
0x43: {  	[tilespmem:s4], [sflag:$0x3] =	stream.linear.gather [hbm4b:s5+s4], $0x4E20, $0x38;
	[tilespmem:$0x14690] =	vst v63  }
0x44: {  	_ =	swait.ge [sflag:s15], $0x4E20  }
0x45: {  	[sflag:s15] =	ssyncset.done $0x0  }
0x46: {  	[sflag:s15] =	ssyncadd.s32 $0xFFFFB1E0  }
0x47: {  	[tilespmem:s16], [sflag:$0x3] =	stream.linear.gather [hbm4b:s6+s4], $0x4E20, $0x38;
	[tilespmem:$0x14690] =	vst v63  }
0x48: {  	_ =	swait.ge [sflag:s15], $0x4E20  }
0x49: {  	s25 =	simm.s32 @p0 $0x40;
	[sflag:s15] =	ssyncset.done $0x0  }
0x4a: {  	s26 =	simm.s32 @p0 $0x80;
	s28 =	simm.s32 @p0 $0x9C40;
	[sflag:s15] =	ssyncadd.s32 $0xFFFFB1E0  }
0x4b: {  	[tilespmem:s28], [sflag:$0x2] =	stream.strided.gather @p0 [hbm4b:s8+s25], $0x6400, s26, s25, $0x38;
	[tilespmem:$0x14690] =	vst v63  }
0x4c: {  	s25 =	simm.s32 @!p0 $0x40;
	s26 =	simm.s32 @!p0 $0x80;
	s28 =	simm.s32 @!p0 $0x9C40  }
0x4d: {  	[tilespmem:s28], [sflag:$0x2] =	stream.strided.gather @!p0 [hbm4b:s7+s25], $0xA000, s26, s25, $0x38;
	[tilespmem:$0x14690] =	vst v63  }
0x4e: {  	_ = 	snop  }
0x4f: {  	[spmem:s9] =	stream.linear.scatter [tilespmem:s17], [sflag:$0x3], $0x280, $0x38;
	[tilespmem:$0x14690] =	vst v63  }
0x50: {  	_ =	swait.ge [sflag:s15], $0x280  }
0x51: {  	[sflag:s15] =	ssyncset.done $0x0  }
0x52: {  	[sflag:s15] =	ssyncadd.s32 $0xFFFFFD80  }
0x53: {  	[spmem:s10] =	stream.linear.scatter [tilespmem:s17], [sflag:$0x3], $0x280, $0x38;
	[tilespmem:$0x14690] =	vst v63  }
0x54: {  	_ =	swait.ge [sflag:s15], $0x280  }
0x55: {  	[sflag:s15] =	ssyncset.done $0x0  }
0x56: {  	[sflag:s15] =	ssyncadd.s32 $0xFFFFFD80  }
0x57: {  	s31 =	simm.s32 $0x0;
	[bflag:$0x0] =	sbarrier.arrive $0xFFFF  }
0x58: {  	[spmem:s2] =	stream.indirect.scatter.add.f32 [tilespmem:s19], [sflag:$0x1], $0x1, s31, s18, $0xb8;
	[tilespmem:$0x14690] =	vst v63  }
0x59: {  	s26 =	simm.s32 $0x50  }
0x5a: {  	[spmem:s2] =	stream.indirect.scatter.add.f32 [tilespmem:s19], [sflag:$0x1], $0x1, s26, s18, $0xb8;
	[tilespmem:$0x14690] =	vst v63  }
0x5b: {  	s28 =	simm.s32 $0xA0  }
0x5c: {  	[spmem:s2] =	stream.indirect.scatter.add.f32 [tilespmem:s19], [sflag:$0x1], $0x1, s28, s18, $0xb8;
	[tilespmem:$0x14690] =	vst v63  }
0x5d: {  	s30 =	simm.s32 $0xF0  }
0x5e: {  	[spmem:s2] =	stream.indirect.scatter.add.f32 [tilespmem:s19], [sflag:$0x1], $0x1, s30, s18, $0xb8;
	[tilespmem:$0x14690] =	vst v63  }
0x5f: {  	s31 =	simm.s32 $0x140  }
0x60: {  	[spmem:s2] =	stream.indirect.scatter.add.f32 [tilespmem:s19], [sflag:$0x1], $0x1, s31, s18, $0xb8;
	[tilespmem:$0x14690] =	vst v63  }
0x61: {  	s26 =	simm.s32 $0x190  }
0x62: {  	[spmem:s2] =	stream.indirect.scatter.add.f32 [tilespmem:s19], [sflag:$0x1], $0x1, s26, s18, $0xb8;
	[tilespmem:$0x14690] =	vst v63  }
0x63: {  	s28 =	simm.s32 $0x1E0  }
0x64: {  	[spmem:s2] =	stream.indirect.scatter.add.f32 [tilespmem:s19], [sflag:$0x1], $0x1, s28, s18, $0xb8;
	[tilespmem:$0x14690] =	vst v63  }
0x65: {  	s30 =	simm.s32 $0x230  }
0x66: {  	[spmem:s2] =	stream.indirect.scatter.add.f32 [tilespmem:s19], [sflag:$0x1], $0x1, s30, s18, $0xb8;
	[tilespmem:$0x14690] =	vst v63  }
0x67: {  	s31 =	simm.s32 $0x280  }
0x68: {  	[spmem:s2] =	stream.indirect.scatter.add.f32 [tilespmem:s19], [sflag:$0x1], $0x1, s31, s18, $0xb8;
	[tilespmem:$0x14690] =	vst v63  }
0x69: {  	s26 =	simm.s32 $0x2D0  }
0x6a: {  	[spmem:s2] =	stream.indirect.scatter.add.f32 [tilespmem:s19], [sflag:$0x1], $0x1, s26, s18, $0xb8;
	[tilespmem:$0x14690] =	vst v63  }
0x6b: {  	s28 =	simm.s32 $0x320  }
0x6c: {  	[spmem:s2] =	stream.indirect.scatter.add.f32 [tilespmem:s19], [sflag:$0x1], $0x1, s28, s18, $0xb8;
	[tilespmem:$0x14690] =	vst v63  }
0x6d: {  	s30 =	simm.s32 $0x370  }
0x6e: {  	[spmem:s2] =	stream.indirect.scatter.add.f32 [tilespmem:s19], [sflag:$0x1], $0x1, s30, s18, $0xb8;
	[tilespmem:$0x14690] =	vst v63  }
0x6f: {  	s31 =	simm.s32 $0x3C0  }
0x70: {  	[spmem:s2] =	stream.indirect.scatter.add.f32 [tilespmem:s19], [sflag:$0x1], $0x1, s31, s18, $0xb8;
	[tilespmem:$0x14690] =	vst v63  }
0x71: {  	s26 =	simm.s32 $0x410  }
0x72: {  	[spmem:s2] =	stream.indirect.scatter.add.f32 [tilespmem:s19], [sflag:$0x1], $0x1, s26, s18, $0xb8;
	[tilespmem:$0x14690] =	vst v63  }
0x73: {  	s28 =	simm.s32 $0x460  }
0x74: {  	[spmem:s2] =	stream.indirect.scatter.add.f32 [tilespmem:s19], [sflag:$0x1], $0x1, s28, s18, $0xb8;
	[tilespmem:$0x14690] =	vst v63  }
0x75: {  	s30 =	simm.s32 $0x4B0  }
0x76: {  	[spmem:s2] =	stream.indirect.scatter.add.f32 [tilespmem:s19], [sflag:$0x1], $0x1, s30, s18, $0xb8;
	[tilespmem:$0x14690] =	vst v63  }
0x77: {  	s31 =	simm.s32 $0x500  }
0x78: {  	[spmem:s2] =	stream.indirect.scatter.add.f32 [tilespmem:s19], [sflag:$0x1], $0x1, s31, s18, $0xb8;
	[tilespmem:$0x14690] =	vst v63  }
0x79: {  	s26 =	simm.s32 $0x550  }
0x7a: {  	[spmem:s2] =	stream.indirect.scatter.add.f32 [tilespmem:s19], [sflag:$0x1], $0x1, s26, s18, $0xb8;
	[tilespmem:$0x14690] =	vst v63  }
0x7b: {  	s28 =	simm.s32 $0x5A0  }
0x7c: {  	[spmem:s2] =	stream.indirect.scatter.add.f32 [tilespmem:s19], [sflag:$0x1], $0x1, s28, s18, $0xb8;
	[tilespmem:$0x14690] =	vst v63  }
0x7d: {  	s30 =	simm.s32 $0x5F0  }
0x7e: {  	[spmem:s2] =	stream.indirect.scatter.add.f32 [tilespmem:s19], [sflag:$0x1], $0x1, s30, s18, $0xb8;
	[tilespmem:$0x14690] =	vst v63  }
0x7f: {  	s31 =	simm.s32 $0x640  }
0x80: {  	[spmem:s2] =	stream.indirect.scatter.add.f32 [tilespmem:s19], [sflag:$0x1], $0x1, s31, s18, $0xb8;
	[tilespmem:$0x14690] =	vst v63  }
0x81: {  	s26 =	simm.s32 $0x690  }
0x82: {  	[spmem:s2] =	stream.indirect.scatter.add.f32 [tilespmem:s19], [sflag:$0x1], $0x1, s26, s18, $0xb8;
	[tilespmem:$0x14690] =	vst v63  }
0x83: {  	s28 =	simm.s32 $0x6E0  }
0x84: {  	[spmem:s2] =	stream.indirect.scatter.add.f32 [tilespmem:s19], [sflag:$0x1], $0x1, s28, s18, $0xb8;
	[tilespmem:$0x14690] =	vst v63  }
0x85: {  	s30 =	simm.s32 $0x730  }
0x86: {  	[spmem:s2] =	stream.indirect.scatter.add.f32 [tilespmem:s19], [sflag:$0x1], $0x1, s30, s18, $0xb8;
	[tilespmem:$0x14690] =	vst v63  }
0x87: {  	s31 =	simm.s32 $0x780  }
0x88: {  	[spmem:s2] =	stream.indirect.scatter.add.f32 [tilespmem:s19], [sflag:$0x1], $0x1, s31, s18, $0xb8;
	[tilespmem:$0x14690] =	vst v63  }
0x89: {  	_ =	swait.ge [sflag:s20], $0x50  }
0x8a: {  	[sflag:s20] =	ssyncset.done $0x0  }
0x8b: {  	[sflag:s20] =	ssyncadd.s32 $0xFFFFFFB0  }
0x8c: {  	_ =	swait.ge [sflag:s20], $0x50  }
0x8d: {  	[sflag:s20] =	ssyncset.done $0x0  }
0x8e: {  	[sflag:s20] =	ssyncadd.s32 $0xFFFFFFB0  }
0x8f: {  	_ =	swait.ge [sflag:s20], $0x50  }
0x90: {  	[sflag:s20] =	ssyncset.done $0x0  }
0x91: {  	[sflag:s20] =	ssyncadd.s32 $0xFFFFFFB0  }
0x92: {  	_ =	swait.ge [sflag:s20], $0x50  }
0x93: {  	[sflag:s20] =	ssyncset.done $0x0  }
0x94: {  	[sflag:s20] =	ssyncadd.s32 $0xFFFFFFB0  }
0x95: {  	_ =	swait.ge [sflag:s20], $0x50  }
0x96: {  	[sflag:s20] =	ssyncset.done $0x0  }
0x97: {  	[sflag:s20] =	ssyncadd.s32 $0xFFFFFFB0  }
0x98: {  	_ =	swait.ge [sflag:s20], $0x50  }
0x99: {  	[sflag:s20] =	ssyncset.done $0x0  }
0x9a: {  	[sflag:s20] =	ssyncadd.s32 $0xFFFFFFB0  }
0x9b: {  	_ =	swait.ge [sflag:s20], $0x50  }
0x9c: {  	[sflag:s20] =	ssyncset.done $0x0  }
0x9d: {  	[sflag:s20] =	ssyncadd.s32 $0xFFFFFFB0  }
0x9e: {  	_ =	swait.ge [sflag:s20], $0x50  }
0x9f: {  	[sflag:s20] =	ssyncset.done $0x0  }
0xa0: {  	[sflag:s20] =	ssyncadd.s32 $0xFFFFFFB0  }
0xa1: {  	_ =	swait.ge [sflag:s20], $0x50  }
0xa2: {  	[sflag:s20] =	ssyncset.done $0x0  }
0xa3: {  	[sflag:s20] =	ssyncadd.s32 $0xFFFFFFB0  }
0xa4: {  	_ =	swait.ge [sflag:s20], $0x50  }
0xa5: {  	[sflag:s20] =	ssyncset.done $0x0  }
0xa6: {  	[sflag:s20] =	ssyncadd.s32 $0xFFFFFFB0  }
0xa7: {  	_ =	swait.ge [sflag:s20], $0x50  }
0xa8: {  	[sflag:s20] =	ssyncset.done $0x0  }
0xa9: {  	[sflag:s20] =	ssyncadd.s32 $0xFFFFFFB0  }
0xaa: {  	_ =	swait.ge [sflag:s20], $0x50  }
0xab: {  	[sflag:s20] =	ssyncset.done $0x0  }
0xac: {  	[sflag:s20] =	ssyncadd.s32 $0xFFFFFFB0  }
0xad: {  	_ =	swait.ge [sflag:s20], $0x50  }
0xae: {  	[sflag:s20] =	ssyncset.done $0x0  }
0xaf: {  	[sflag:s20] =	ssyncadd.s32 $0xFFFFFFB0  }
0xb0: {  	_ =	swait.ge [sflag:s20], $0x50  }
0xb1: {  	[sflag:s20] =	ssyncset.done $0x0  }
0xb2: {  	[sflag:s20] =	ssyncadd.s32 $0xFFFFFFB0  }
0xb3: {  	_ =	swait.ge [sflag:s20], $0x50  }
0xb4: {  	[sflag:s20] =	ssyncset.done $0x0  }
0xb5: {  	[sflag:s20] =	ssyncadd.s32 $0xFFFFFFB0  }
0xb6: {  	_ =	swait.ge [sflag:s20], $0x50  }
0xb7: {  	[sflag:s20] =	ssyncset.done $0x0  }
0xb8: {  	[sflag:s20] =	ssyncadd.s32 $0xFFFFFFB0  }
0xb9: {  	_ =	swait.ge [sflag:s20], $0x50  }
0xba: {  	[sflag:s20] =	ssyncset.done $0x0  }
0xbb: {  	[sflag:s20] =	ssyncadd.s32 $0xFFFFFFB0  }
0xbc: {  	_ =	swait.ge [sflag:s20], $0x50  }
0xbd: {  	[sflag:s20] =	ssyncset.done $0x0  }
0xbe: {  	[sflag:s20] =	ssyncadd.s32 $0xFFFFFFB0  }
0xbf: {  	_ =	swait.ge [sflag:s20], $0x50  }
0xc0: {  	[sflag:s20] =	ssyncset.done $0x0  }
0xc1: {  	[sflag:s20] =	ssyncadd.s32 $0xFFFFFFB0  }
0xc2: {  	_ =	swait.ge [sflag:s20], $0x50  }
0xc3: {  	[sflag:s20] =	ssyncset.done $0x0  }
0xc4: {  	[sflag:s20] =	ssyncadd.s32 $0xFFFFFFB0  }
0xc5: {  	_ =	swait.ge [sflag:s20], $0x50  }
0xc6: {  	[sflag:s20] =	ssyncset.done $0x0  }
0xc7: {  	[sflag:s20] =	ssyncadd.s32 $0xFFFFFFB0  }
0xc8: {  	_ =	swait.ge [sflag:s20], $0x50  }
0xc9: {  	[sflag:s20] =	ssyncset.done $0x0  }
0xca: {  	[sflag:s20] =	ssyncadd.s32 $0xFFFFFFB0  }
0xcb: {  	_ =	swait.ge [sflag:s20], $0x50  }
0xcc: {  	[sflag:s20] =	ssyncset.done $0x0  }
0xcd: {  	[sflag:s20] =	ssyncadd.s32 $0xFFFFFFB0  }
0xce: {  	_ =	swait.ge [sflag:s20], $0x50  }
0xcf: {  	[sflag:s20] =	ssyncset.done $0x0  }
0xd0: {  	[sflag:s20] =	ssyncadd.s32 $0xFFFFFFB0  }
0xd1: {  	_ =	swait.ge [sflag:s20], $0x50  }
0xd2: {  	s29 =	simm.s32 $0x3E80;
	s25 =	simm.s32 $0x1F40;
	[sflag:s20] =	ssyncset.done $0x0  }
.LBB2_2:
0xd3: {  	s28 =	sshra.s32 s25, $0x2  }
0xd4: {  	[sflag:s20] =	ssyncadd.s32 $0xFFFFFFB0;
	s25 =	smov.u32 s29;
	s26 =	sadd.s32 $0x1F40, s29  }
0xd5: {  	[spmem:s2] =	stream.indirect.scatter.add.f32 [tilespmem:s19], [sflag:$0x1], $0x1, s28, s18, $0xb8;
	[tilespmem:$0x14690] =	vst v63  }
0xd6: {  	p1 =	sne.s32 s29, $0x11940;
	s29 =	sadd.s32 $0x50, s28  }
0xd7: {  	[spmem:s2] =	stream.indirect.scatter.add.f32 [tilespmem:s19], [sflag:$0x1], $0x1, s29, s18, $0xb8;
	[tilespmem:$0x14690] =	vst v63  }
0xd8: {  	s29 =	sadd.s32 $0xA0, s28  }
0xd9: {  	[spmem:s2] =	stream.indirect.scatter.add.f32 [tilespmem:s19], [sflag:$0x1], $0x1, s29, s18, $0xb8;
	[tilespmem:$0x14690] =	vst v63  }
0xda: {  	s29 =	sadd.s32 $0xF0, s28  }
0xdb: {  	[spmem:s2] =	stream.indirect.scatter.add.f32 [tilespmem:s19], [sflag:$0x1], $0x1, s29, s18, $0xb8;
	[tilespmem:$0x14690] =	vst v63  }
0xdc: {  	s29 =	sadd.s32 $0x140, s28  }
0xdd: {  	[spmem:s2] =	stream.indirect.scatter.add.f32 [tilespmem:s19], [sflag:$0x1], $0x1, s29, s18, $0xb8;
	[tilespmem:$0x14690] =	vst v63  }
0xde: {  	s29 =	sadd.s32 $0x190, s28  }
0xdf: {  	[spmem:s2] =	stream.indirect.scatter.add.f32 [tilespmem:s19], [sflag:$0x1], $0x1, s29, s18, $0xb8;
	[tilespmem:$0x14690] =	vst v63  }
0xe0: {  	s29 =	sadd.s32 $0x1E0, s28  }
0xe1: {  	[spmem:s2] =	stream.indirect.scatter.add.f32 [tilespmem:s19], [sflag:$0x1], $0x1, s29, s18, $0xb8;
	[tilespmem:$0x14690] =	vst v63  }
0xe2: {  	s29 =	sadd.s32 $0x230, s28  }
0xe3: {  	[spmem:s2] =	stream.indirect.scatter.add.f32 [tilespmem:s19], [sflag:$0x1], $0x1, s29, s18, $0xb8;
	[tilespmem:$0x14690] =	vst v63  }
0xe4: {  	s29 =	sadd.s32 $0x280, s28  }
0xe5: {  	[spmem:s2] =	stream.indirect.scatter.add.f32 [tilespmem:s19], [sflag:$0x1], $0x1, s29, s18, $0xb8;
	[tilespmem:$0x14690] =	vst v63  }
0xe6: {  	s29 =	sadd.s32 $0x2D0, s28  }
0xe7: {  	[spmem:s2] =	stream.indirect.scatter.add.f32 [tilespmem:s19], [sflag:$0x1], $0x1, s29, s18, $0xb8;
	[tilespmem:$0x14690] =	vst v63  }
0xe8: {  	s29 =	sadd.s32 $0x320, s28  }
0xe9: {  	[spmem:s2] =	stream.indirect.scatter.add.f32 [tilespmem:s19], [sflag:$0x1], $0x1, s29, s18, $0xb8;
	[tilespmem:$0x14690] =	vst v63  }
0xea: {  	s29 =	sadd.s32 $0x370, s28  }
0xeb: {  	[spmem:s2] =	stream.indirect.scatter.add.f32 [tilespmem:s19], [sflag:$0x1], $0x1, s29, s18, $0xb8;
	[tilespmem:$0x14690] =	vst v63  }
0xec: {  	s29 =	sadd.s32 $0x3C0, s28  }
0xed: {  	[spmem:s2] =	stream.indirect.scatter.add.f32 [tilespmem:s19], [sflag:$0x1], $0x1, s29, s18, $0xb8;
	[tilespmem:$0x14690] =	vst v63  }
0xee: {  	s29 =	sadd.s32 $0x410, s28  }
0xef: {  	[spmem:s2] =	stream.indirect.scatter.add.f32 [tilespmem:s19], [sflag:$0x1], $0x1, s29, s18, $0xb8;
	[tilespmem:$0x14690] =	vst v63  }
0xf0: {  	s29 =	sadd.s32 $0x460, s28  }
0xf1: {  	[spmem:s2] =	stream.indirect.scatter.add.f32 [tilespmem:s19], [sflag:$0x1], $0x1, s29, s18, $0xb8;
	[tilespmem:$0x14690] =	vst v63  }
0xf2: {  	s29 =	sadd.s32 $0x4B0, s28  }
0xf3: {  	[spmem:s2] =	stream.indirect.scatter.add.f32 [tilespmem:s19], [sflag:$0x1], $0x1, s29, s18, $0xb8;
	[tilespmem:$0x14690] =	vst v63  }
0xf4: {  	s29 =	sadd.s32 $0x500, s28  }
0xf5: {  	[spmem:s2] =	stream.indirect.scatter.add.f32 [tilespmem:s19], [sflag:$0x1], $0x1, s29, s18, $0xb8;
	[tilespmem:$0x14690] =	vst v63  }
0xf6: {  	s29 =	sadd.s32 $0x550, s28  }
0xf7: {  	[spmem:s2] =	stream.indirect.scatter.add.f32 [tilespmem:s19], [sflag:$0x1], $0x1, s29, s18, $0xb8;
	[tilespmem:$0x14690] =	vst v63  }
0xf8: {  	s29 =	sadd.s32 $0x5A0, s28  }
0xf9: {  	[spmem:s2] =	stream.indirect.scatter.add.f32 [tilespmem:s19], [sflag:$0x1], $0x1, s29, s18, $0xb8;
	[tilespmem:$0x14690] =	vst v63  }
0xfa: {  	s29 =	sadd.s32 $0x5F0, s28  }
0xfb: {  	[spmem:s2] =	stream.indirect.scatter.add.f32 [tilespmem:s19], [sflag:$0x1], $0x1, s29, s18, $0xb8;
	[tilespmem:$0x14690] =	vst v63  }
0xfc: {  	s29 =	sadd.s32 $0x640, s28  }
0xfd: {  	[spmem:s2] =	stream.indirect.scatter.add.f32 [tilespmem:s19], [sflag:$0x1], $0x1, s29, s18, $0xb8;
	[tilespmem:$0x14690] =	vst v63  }
0xfe: {  	s29 =	sadd.s32 $0x690, s28  }
0xff: {  	[spmem:s2] =	stream.indirect.scatter.add.f32 [tilespmem:s19], [sflag:$0x1], $0x1, s29, s18, $0xb8;
	[tilespmem:$0x14690] =	vst v63  }
0x100: {  	s29 =	sadd.s32 $0x6E0, s28  }
0x101: {  	[spmem:s2] =	stream.indirect.scatter.add.f32 [tilespmem:s19], [sflag:$0x1], $0x1, s29, s18, $0xb8;
	[tilespmem:$0x14690] =	vst v63  }
0x102: {  	s29 =	sadd.s32 $0x730, s28  }
0x103: {  	[spmem:s2] =	stream.indirect.scatter.add.f32 [tilespmem:s19], [sflag:$0x1], $0x1, s29, s18, $0xb8;
	[tilespmem:$0x14690] =	vst v63  }
0x104: {  	s28 =	sadd.s32 $0x780, s28  }
0x105: {  	[spmem:s2] =	stream.indirect.scatter.add.f32 [tilespmem:s19], [sflag:$0x1], $0x1, s28, s18, $0xb8;
	[tilespmem:$0x14690] =	vst v63  }
0x106: {  	_ =	swait.ge [sflag:s20], $0x50  }
0x107: {  	[sflag:s20] =	ssyncset.done $0x0  }
0x108: {  	[sflag:s20] =	ssyncadd.s32 $0xFFFFFFB0  }
0x109: {  	_ =	swait.ge [sflag:s20], $0x50  }
0x10a: {  	[sflag:s20] =	ssyncset.done $0x0  }
0x10b: {  	[sflag:s20] =	ssyncadd.s32 $0xFFFFFFB0  }
0x10c: {  	_ =	swait.ge [sflag:s20], $0x50  }
0x10d: {  	[sflag:s20] =	ssyncset.done $0x0  }
0x10e: {  	[sflag:s20] =	ssyncadd.s32 $0xFFFFFFB0  }
0x10f: {  	_ =	swait.ge [sflag:s20], $0x50  }
0x110: {  	[sflag:s20] =	ssyncset.done $0x0  }
0x111: {  	[sflag:s20] =	ssyncadd.s32 $0xFFFFFFB0  }
0x112: {  	_ =	swait.ge [sflag:s20], $0x50  }
0x113: {  	[sflag:s20] =	ssyncset.done $0x0  }
0x114: {  	[sflag:s20] =	ssyncadd.s32 $0xFFFFFFB0  }
0x115: {  	_ =	swait.ge [sflag:s20], $0x50  }
0x116: {  	[sflag:s20] =	ssyncset.done $0x0  }
0x117: {  	[sflag:s20] =	ssyncadd.s32 $0xFFFFFFB0  }
0x118: {  	_ =	swait.ge [sflag:s20], $0x50  }
0x119: {  	[sflag:s20] =	ssyncset.done $0x0  }
0x11a: {  	[sflag:s20] =	ssyncadd.s32 $0xFFFFFFB0  }
0x11b: {  	_ =	swait.ge [sflag:s20], $0x50  }
0x11c: {  	[sflag:s20] =	ssyncset.done $0x0  }
0x11d: {  	[sflag:s20] =	ssyncadd.s32 $0xFFFFFFB0  }
0x11e: {  	_ =	swait.ge [sflag:s20], $0x50  }
0x11f: {  	[sflag:s20] =	ssyncset.done $0x0  }
0x120: {  	[sflag:s20] =	ssyncadd.s32 $0xFFFFFFB0  }
0x121: {  	_ =	swait.ge [sflag:s20], $0x50  }
0x122: {  	[sflag:s20] =	ssyncset.done $0x0  }
0x123: {  	[sflag:s20] =	ssyncadd.s32 $0xFFFFFFB0  }
0x124: {  	_ =	swait.ge [sflag:s20], $0x50  }
0x125: {  	[sflag:s20] =	ssyncset.done $0x0  }
0x126: {  	[sflag:s20] =	ssyncadd.s32 $0xFFFFFFB0  }
0x127: {  	_ =	swait.ge [sflag:s20], $0x50  }
0x128: {  	[sflag:s20] =	ssyncset.done $0x0  }
0x129: {  	[sflag:s20] =	ssyncadd.s32 $0xFFFFFFB0  }
0x12a: {  	_ =	swait.ge [sflag:s20], $0x50  }
0x12b: {  	[sflag:s20] =	ssyncset.done $0x0  }
0x12c: {  	[sflag:s20] =	ssyncadd.s32 $0xFFFFFFB0  }
0x12d: {  	_ =	swait.ge [sflag:s20], $0x50  }
0x12e: {  	[sflag:s20] =	ssyncset.done $0x0  }
0x12f: {  	[sflag:s20] =	ssyncadd.s32 $0xFFFFFFB0  }
0x130: {  	_ =	swait.ge [sflag:s20], $0x50  }
0x131: {  	[sflag:s20] =	ssyncset.done $0x0  }
0x132: {  	[sflag:s20] =	ssyncadd.s32 $0xFFFFFFB0  }
0x133: {  	_ =	swait.ge [sflag:s20], $0x50  }
0x134: {  	[sflag:s20] =	ssyncset.done $0x0  }
0x135: {  	[sflag:s20] =	ssyncadd.s32 $0xFFFFFFB0  }
0x136: {  	_ =	swait.ge [sflag:s20], $0x50  }
0x137: {  	[sflag:s20] =	ssyncset.done $0x0  }
0x138: {  	[sflag:s20] =	ssyncadd.s32 $0xFFFFFFB0  }
0x139: {  	_ =	swait.ge [sflag:s20], $0x50  }
0x13a: {  	[sflag:s20] =	ssyncset.done $0x0  }
0x13b: {  	[sflag:s20] =	ssyncadd.s32 $0xFFFFFFB0  }
0x13c: {  	_ =	swait.ge [sflag:s20], $0x50  }
0x13d: {  	[sflag:s20] =	ssyncset.done $0x0  }
0x13e: {  	[sflag:s20] =	ssyncadd.s32 $0xFFFFFFB0  }
0x13f: {  	_ =	swait.ge [sflag:s20], $0x50  }
0x140: {  	[sflag:s20] =	ssyncset.done $0x0  }
0x141: {  	[sflag:s20] =	ssyncadd.s32 $0xFFFFFFB0  }
0x142: {  	_ =	swait.ge [sflag:s20], $0x50  }
0x143: {  	[sflag:s20] =	ssyncset.done $0x0  }
0x144: {  	[sflag:s20] =	ssyncadd.s32 $0xFFFFFFB0  }
0x145: {  	_ =	swait.ge [sflag:s20], $0x50  }
0x146: {  	[sflag:s20] =	ssyncset.done $0x0  }
0x147: {  	[sflag:s20] =	ssyncadd.s32 $0xFFFFFFB0  }
0x148: {  	_ =	swait.ge [sflag:s20], $0x50  }
0x149: {  	[sflag:s20] =	ssyncset.done $0x0  }
0x14a: {  	[sflag:s20] =	ssyncadd.s32 $0xFFFFFFB0  }
.Ltmp0:
0x14b: {  	_ =	swait.ge [sflag:s20], $0x50;
	(pc) =	sbr.rel @p1 .LBB2_2-.Ltmp0, $4  }
0x14c: {  	[sflag:s20] =	ssyncset.done $0x0  }
0x14d: {  	[sflag:s20] =	ssyncadd.s32 $0xFFFFFFB0  }
0x14e: {  	_ =	swait.ge [sflag:s20], $0x50  }
0x14f: {  	s29 =	smov.u32 s26;
	[sflag:s20] =	ssyncset.done $0x0  }
0x150: {  	s25 =	sshra.s32 s25, $0x2;
	[sflag:s20] =	ssyncadd.s32 $0xFFFFFFB0  }
0x151: {  	[spmem:s2] =	stream.indirect.scatter.add.f32 [tilespmem:s19], [sflag:$0x1], $0x1, s25, s18, $0xb8;
	[tilespmem:$0x14690] =	vst v63  }
0x152: {  	s26 =	sadd.s32 $0x50, s25  }
0x153: {  	[spmem:s2] =	stream.indirect.scatter.add.f32 [tilespmem:s19], [sflag:$0x1], $0x1, s26, s18, $0xb8;
	[tilespmem:$0x14690] =	vst v63  }
0x154: {  	s28 =	sadd.s32 $0xA0, s25  }
0x155: {  	[spmem:s2] =	stream.indirect.scatter.add.f32 [tilespmem:s19], [sflag:$0x1], $0x1, s28, s18, $0xb8;
	[tilespmem:$0x14690] =	vst v63  }
0x156: {  	s30 =	sadd.s32 $0xF0, s25  }
0x157: {  	[spmem:s2] =	stream.indirect.scatter.add.f32 [tilespmem:s19], [sflag:$0x1], $0x1, s30, s18, $0xb8;
	[tilespmem:$0x14690] =	vst v63  }
0x158: {  	s31 =	sadd.s32 $0x140, s25  }
0x159: {  	[spmem:s2] =	stream.indirect.scatter.add.f32 [tilespmem:s19], [sflag:$0x1], $0x1, s31, s18, $0xb8;
	[tilespmem:$0x14690] =	vst v63  }
0x15a: {  	s28 =	sadd.s32 $0x190, s25  }
0x15b: {  	[spmem:s2] =	stream.indirect.scatter.add.f32 [tilespmem:s19], [sflag:$0x1], $0x1, s28, s18, $0xb8;
	[tilespmem:$0x14690] =	vst v63  }
0x15c: {  	s30 =	sadd.s32 $0x1E0, s25  }
0x15d: {  	[spmem:s2] =	stream.indirect.scatter.add.f32 [tilespmem:s19], [sflag:$0x1], $0x1, s30, s18, $0xb8;
	[tilespmem:$0x14690] =	vst v63  }
0x15e: {  	s31 =	sadd.s32 $0x230, s25  }
0x15f: {  	[spmem:s2] =	stream.indirect.scatter.add.f32 [tilespmem:s19], [sflag:$0x1], $0x1, s31, s18, $0xb8;
	[tilespmem:$0x14690] =	vst v63  }
0x160: {  	s28 =	sadd.s32 $0x280, s25  }
0x161: {  	[spmem:s2] =	stream.indirect.scatter.add.f32 [tilespmem:s19], [sflag:$0x1], $0x1, s28, s18, $0xb8;
	[tilespmem:$0x14690] =	vst v63  }
0x162: {  	s30 =	sadd.s32 $0x2D0, s25  }
0x163: {  	[spmem:s2] =	stream.indirect.scatter.add.f32 [tilespmem:s19], [sflag:$0x1], $0x1, s30, s18, $0xb8;
	[tilespmem:$0x14690] =	vst v63  }
0x164: {  	s31 =	sadd.s32 $0x320, s25  }
0x165: {  	[spmem:s2] =	stream.indirect.scatter.add.f32 [tilespmem:s19], [sflag:$0x1], $0x1, s31, s18, $0xb8;
	[tilespmem:$0x14690] =	vst v63  }
0x166: {  	s28 =	sadd.s32 $0x370, s25  }
0x167: {  	[spmem:s2] =	stream.indirect.scatter.add.f32 [tilespmem:s19], [sflag:$0x1], $0x1, s28, s18, $0xb8;
	[tilespmem:$0x14690] =	vst v63  }
0x168: {  	s30 =	sadd.s32 $0x3C0, s25  }
0x169: {  	[spmem:s2] =	stream.indirect.scatter.add.f32 [tilespmem:s19], [sflag:$0x1], $0x1, s30, s18, $0xb8;
	[tilespmem:$0x14690] =	vst v63  }
0x16a: {  	s31 =	sadd.s32 $0x410, s25  }
0x16b: {  	[spmem:s2] =	stream.indirect.scatter.add.f32 [tilespmem:s19], [sflag:$0x1], $0x1, s31, s18, $0xb8;
	[tilespmem:$0x14690] =	vst v63  }
0x16c: {  	s28 =	sadd.s32 $0x460, s25  }
0x16d: {  	[spmem:s2] =	stream.indirect.scatter.add.f32 [tilespmem:s19], [sflag:$0x1], $0x1, s28, s18, $0xb8;
	[tilespmem:$0x14690] =	vst v63  }
0x16e: {  	s30 =	sadd.s32 $0x4B0, s25  }
0x16f: {  	[spmem:s2] =	stream.indirect.scatter.add.f32 [tilespmem:s19], [sflag:$0x1], $0x1, s30, s18, $0xb8;
	[tilespmem:$0x14690] =	vst v63  }
0x170: {  	s31 =	sadd.s32 $0x500, s25  }
0x171: {  	[spmem:s2] =	stream.indirect.scatter.add.f32 [tilespmem:s19], [sflag:$0x1], $0x1, s31, s18, $0xb8;
	[tilespmem:$0x14690] =	vst v63  }
0x172: {  	s28 =	sadd.s32 $0x550, s25  }
0x173: {  	[spmem:s2] =	stream.indirect.scatter.add.f32 [tilespmem:s19], [sflag:$0x1], $0x1, s28, s18, $0xb8;
	[tilespmem:$0x14690] =	vst v63  }
0x174: {  	s30 =	sadd.s32 $0x5A0, s25  }
0x175: {  	[spmem:s2] =	stream.indirect.scatter.add.f32 [tilespmem:s19], [sflag:$0x1], $0x1, s30, s18, $0xb8;
	[tilespmem:$0x14690] =	vst v63  }
0x176: {  	s31 =	sadd.s32 $0x5F0, s25  }
0x177: {  	[spmem:s2] =	stream.indirect.scatter.add.f32 [tilespmem:s19], [sflag:$0x1], $0x1, s31, s18, $0xb8;
	[tilespmem:$0x14690] =	vst v63  }
0x178: {  	s28 =	sadd.s32 $0x640, s25  }
0x179: {  	[spmem:s2] =	stream.indirect.scatter.add.f32 [tilespmem:s19], [sflag:$0x1], $0x1, s28, s18, $0xb8;
	[tilespmem:$0x14690] =	vst v63  }
0x17a: {  	s30 =	sadd.s32 $0x690, s25  }
0x17b: {  	[spmem:s2] =	stream.indirect.scatter.add.f32 [tilespmem:s19], [sflag:$0x1], $0x1, s30, s18, $0xb8;
	[tilespmem:$0x14690] =	vst v63  }
0x17c: {  	s31 =	sadd.s32 $0x6E0, s25  }
0x17d: {  	[spmem:s2] =	stream.indirect.scatter.add.f32 [tilespmem:s19], [sflag:$0x1], $0x1, s31, s18, $0xb8;
	[tilespmem:$0x14690] =	vst v63  }
0x17e: {  	s28 =	sadd.s32 $0x730, s25  }
0x17f: {  	[spmem:s2] =	stream.indirect.scatter.add.f32 [tilespmem:s19], [sflag:$0x1], $0x1, s28, s18, $0xb8;
	[tilespmem:$0x14690] =	vst v63  }
0x180: {  	s25 =	sadd.s32 $0x780, s25  }
0x181: {  	[spmem:s2] =	stream.indirect.scatter.add.f32 [tilespmem:s19], [sflag:$0x1], $0x1, s25, s18, $0xb8;
	[tilespmem:$0x14690] =	vst v63  }
0x182: {  	_ =	swait.ge [sflag:s20], $0x50  }
0x183: {  	[sflag:s20] =	ssyncset.done $0x0  }
0x184: {  	[sflag:s20] =	ssyncadd.s32 $0xFFFFFFB0  }
0x185: {  	_ =	swait.ge [sflag:s20], $0x50  }
0x186: {  	[sflag:s20] =	ssyncset.done $0x0  }
0x187: {  	[sflag:s20] =	ssyncadd.s32 $0xFFFFFFB0  }
0x188: {  	_ =	swait.ge [sflag:s20], $0x50  }
0x189: {  	[sflag:s20] =	ssyncset.done $0x0  }
0x18a: {  	[sflag:s20] =	ssyncadd.s32 $0xFFFFFFB0  }
0x18b: {  	_ =	swait.ge [sflag:s20], $0x50  }
0x18c: {  	[sflag:s20] =	ssyncset.done $0x0  }
0x18d: {  	[sflag:s20] =	ssyncadd.s32 $0xFFFFFFB0  }
0x18e: {  	_ =	swait.ge [sflag:s20], $0x50  }
0x18f: {  	[sflag:s20] =	ssyncset.done $0x0  }
0x190: {  	[sflag:s20] =	ssyncadd.s32 $0xFFFFFFB0  }
0x191: {  	_ =	swait.ge [sflag:s20], $0x50  }
0x192: {  	[sflag:s20] =	ssyncset.done $0x0  }
0x193: {  	[sflag:s20] =	ssyncadd.s32 $0xFFFFFFB0  }
0x194: {  	_ =	swait.ge [sflag:s20], $0x50  }
0x195: {  	[sflag:s20] =	ssyncset.done $0x0  }
0x196: {  	[sflag:s20] =	ssyncadd.s32 $0xFFFFFFB0  }
0x197: {  	_ =	swait.ge [sflag:s20], $0x50  }
0x198: {  	[sflag:s20] =	ssyncset.done $0x0  }
0x199: {  	[sflag:s20] =	ssyncadd.s32 $0xFFFFFFB0  }
0x19a: {  	_ =	swait.ge [sflag:s20], $0x50  }
0x19b: {  	[sflag:s20] =	ssyncset.done $0x0  }
0x19c: {  	[sflag:s20] =	ssyncadd.s32 $0xFFFFFFB0  }
0x19d: {  	_ =	swait.ge [sflag:s20], $0x50  }
0x19e: {  	[sflag:s20] =	ssyncset.done $0x0  }
0x19f: {  	[sflag:s20] =	ssyncadd.s32 $0xFFFFFFB0  }
0x1a0: {  	_ =	swait.ge [sflag:s20], $0x50  }
0x1a1: {  	[sflag:s20] =	ssyncset.done $0x0  }
0x1a2: {  	[sflag:s20] =	ssyncadd.s32 $0xFFFFFFB0  }
0x1a3: {  	_ =	swait.ge [sflag:s20], $0x50  }
0x1a4: {  	[sflag:s20] =	ssyncset.done $0x0  }
0x1a5: {  	[sflag:s20] =	ssyncadd.s32 $0xFFFFFFB0  }
0x1a6: {  	_ =	swait.ge [sflag:s20], $0x50  }
0x1a7: {  	[sflag:s20] =	ssyncset.done $0x0  }
0x1a8: {  	[sflag:s20] =	ssyncadd.s32 $0xFFFFFFB0  }
0x1a9: {  	_ =	swait.ge [sflag:s20], $0x50  }
0x1aa: {  	[sflag:s20] =	ssyncset.done $0x0  }
0x1ab: {  	[sflag:s20] =	ssyncadd.s32 $0xFFFFFFB0  }
0x1ac: {  	_ =	swait.ge [sflag:s20], $0x50  }
0x1ad: {  	[sflag:s20] =	ssyncset.done $0x0  }
0x1ae: {  	[sflag:s20] =	ssyncadd.s32 $0xFFFFFFB0  }
0x1af: {  	_ =	swait.ge [sflag:s20], $0x50  }
0x1b0: {  	[sflag:s20] =	ssyncset.done $0x0  }
0x1b1: {  	[sflag:s20] =	ssyncadd.s32 $0xFFFFFFB0  }
0x1b2: {  	_ =	swait.ge [sflag:s20], $0x50  }
0x1b3: {  	[sflag:s20] =	ssyncset.done $0x0  }
0x1b4: {  	[sflag:s20] =	ssyncadd.s32 $0xFFFFFFB0  }
0x1b5: {  	_ =	swait.ge [sflag:s20], $0x50  }
0x1b6: {  	[sflag:s20] =	ssyncset.done $0x0  }
0x1b7: {  	[sflag:s20] =	ssyncadd.s32 $0xFFFFFFB0  }
0x1b8: {  	_ =	swait.ge [sflag:s20], $0x50  }
0x1b9: {  	[sflag:s20] =	ssyncset.done $0x0  }
0x1ba: {  	[sflag:s20] =	ssyncadd.s32 $0xFFFFFFB0  }
0x1bb: {  	_ =	swait.ge [sflag:s20], $0x50  }
0x1bc: {  	[sflag:s20] =	ssyncset.done $0x0  }
0x1bd: {  	[sflag:s20] =	ssyncadd.s32 $0xFFFFFFB0  }
0x1be: {  	_ =	swait.ge [sflag:s20], $0x50  }
0x1bf: {  	[sflag:s20] =	ssyncset.done $0x0  }
0x1c0: {  	[sflag:s20] =	ssyncadd.s32 $0xFFFFFFB0  }
0x1c1: {  	_ =	swait.ge [sflag:s20], $0x50  }
0x1c2: {  	[sflag:s20] =	ssyncset.done $0x0  }
0x1c3: {  	[sflag:s20] =	ssyncadd.s32 $0xFFFFFFB0  }
0x1c4: {  	_ =	swait.ge [sflag:s20], $0x50  }
0x1c5: {  	[sflag:s20] =	ssyncset.done $0x0  }
0x1c6: {  	[sflag:s20] =	ssyncadd.s32 $0xFFFFFFB0  }
0x1c7: {  	_ =	swait.ge [sflag:s20], $0x50  }
0x1c8: {  	[sflag:s20] =	ssyncset.done $0x0  }
0x1c9: {  	[sflag:s20] =	ssyncadd.s32 $0xFFFFFFB0  }
0x1ca: {  	_ =	swait.ge [sflag:s20], $0x50  }
0x1cb: {  	[sflag:s20] =	ssyncset.done $0x0  }
0x1cc: {  	s25 =	sadd.s32 $0x0, s14;
	[sflag:s20] =	ssyncadd.s32 $0xFFFFFFB0  }
0x1cd: {  	[spmem:s3] =	stream.indirect.scatter.add.f32 [tilespmem:s19], [sflag:$0x1], $0x1, s25, s18, $0xb8;
	[tilespmem:$0x14690] =	vst v63  }
0x1ce: {  	s30 =	sadd.s32 $0x50, s25  }
0x1cf: {  	[spmem:s3] =	stream.indirect.scatter.add.f32 [tilespmem:s19], [sflag:$0x1], $0x1, s30, s18, $0xb8;
	[tilespmem:$0x14690] =	vst v63  }
0x1d0: {  	s31 =	sadd.s32 $0xA0, s25  }
0x1d1: {  	[spmem:s3] =	stream.indirect.scatter.add.f32 [tilespmem:s19], [sflag:$0x1], $0x1, s31, s18, $0xb8;
	[tilespmem:$0x14690] =	vst v63  }
0x1d2: {  	s28 =	sadd.s32 $0xF0, s25  }
0x1d3: {  	[spmem:s3] =	stream.indirect.scatter.add.f32 [tilespmem:s19], [sflag:$0x1], $0x1, s28, s18, $0xb8;
	[tilespmem:$0x14690] =	vst v63  }
0x1d4: {  	s30 =	sadd.s32 $0x140, s25  }
0x1d5: {  	[spmem:s3] =	stream.indirect.scatter.add.f32 [tilespmem:s19], [sflag:$0x1], $0x1, s30, s18, $0xb8;
	[tilespmem:$0x14690] =	vst v63  }
0x1d6: {  	s31 =	sadd.s32 $0x190, s25  }
0x1d7: {  	[spmem:s3] =	stream.indirect.scatter.add.f32 [tilespmem:s19], [sflag:$0x1], $0x1, s31, s18, $0xb8;
	[tilespmem:$0x14690] =	vst v63  }
0x1d8: {  	s28 =	sadd.s32 $0x1E0, s25  }
0x1d9: {  	[spmem:s3] =	stream.indirect.scatter.add.f32 [tilespmem:s19], [sflag:$0x1], $0x1, s28, s18, $0xb8;
	[tilespmem:$0x14690] =	vst v63  }
0x1da: {  	s30 =	sadd.s32 $0x230, s25  }
0x1db: {  	[spmem:s3] =	stream.indirect.scatter.add.f32 [tilespmem:s19], [sflag:$0x1], $0x1, s30, s18, $0xb8;
	[tilespmem:$0x14690] =	vst v63  }
0x1dc: {  	s31 =	sadd.s32 $0x280, s25  }
0x1dd: {  	[spmem:s3] =	stream.indirect.scatter.add.f32 [tilespmem:s19], [sflag:$0x1], $0x1, s31, s18, $0xb8;
	[tilespmem:$0x14690] =	vst v63  }
0x1de: {  	s28 =	sadd.s32 $0x2D0, s25  }
0x1df: {  	[spmem:s3] =	stream.indirect.scatter.add.f32 [tilespmem:s19], [sflag:$0x1], $0x1, s28, s18, $0xb8;
	[tilespmem:$0x14690] =	vst v63  }
0x1e0: {  	s30 =	sadd.s32 $0x320, s25  }
0x1e1: {  	[spmem:s3] =	stream.indirect.scatter.add.f32 [tilespmem:s19], [sflag:$0x1], $0x1, s30, s18, $0xb8;
	[tilespmem:$0x14690] =	vst v63  }
0x1e2: {  	s31 =	sadd.s32 $0x370, s25  }
0x1e3: {  	[spmem:s3] =	stream.indirect.scatter.add.f32 [tilespmem:s19], [sflag:$0x1], $0x1, s31, s18, $0xb8;
	[tilespmem:$0x14690] =	vst v63  }
0x1e4: {  	s28 =	sadd.s32 $0x3C0, s25  }
0x1e5: {  	[spmem:s3] =	stream.indirect.scatter.add.f32 [tilespmem:s19], [sflag:$0x1], $0x1, s28, s18, $0xb8;
	[tilespmem:$0x14690] =	vst v63  }
0x1e6: {  	s30 =	sadd.s32 $0x410, s25  }
0x1e7: {  	[spmem:s3] =	stream.indirect.scatter.add.f32 [tilespmem:s19], [sflag:$0x1], $0x1, s30, s18, $0xb8;
	[tilespmem:$0x14690] =	vst v63  }
0x1e8: {  	s31 =	sadd.s32 $0x460, s25  }
0x1e9: {  	[spmem:s3] =	stream.indirect.scatter.add.f32 [tilespmem:s19], [sflag:$0x1], $0x1, s31, s18, $0xb8;
	[tilespmem:$0x14690] =	vst v63  }
0x1ea: {  	s28 =	sadd.s32 $0x4B0, s25  }
0x1eb: {  	[spmem:s3] =	stream.indirect.scatter.add.f32 [tilespmem:s19], [sflag:$0x1], $0x1, s28, s18, $0xb8;
	[tilespmem:$0x14690] =	vst v63  }
0x1ec: {  	s30 =	sadd.s32 $0x500, s25  }
0x1ed: {  	[spmem:s3] =	stream.indirect.scatter.add.f32 [tilespmem:s19], [sflag:$0x1], $0x1, s30, s18, $0xb8;
	[tilespmem:$0x14690] =	vst v63  }
0x1ee: {  	s31 =	sadd.s32 $0x550, s25  }
0x1ef: {  	[spmem:s3] =	stream.indirect.scatter.add.f32 [tilespmem:s19], [sflag:$0x1], $0x1, s31, s18, $0xb8;
	[tilespmem:$0x14690] =	vst v63  }
0x1f0: {  	s28 =	sadd.s32 $0x5A0, s25  }
0x1f1: {  	[spmem:s3] =	stream.indirect.scatter.add.f32 [tilespmem:s19], [sflag:$0x1], $0x1, s28, s18, $0xb8;
	[tilespmem:$0x14690] =	vst v63  }
0x1f2: {  	s30 =	sadd.s32 $0x5F0, s25  }
0x1f3: {  	[spmem:s3] =	stream.indirect.scatter.add.f32 [tilespmem:s19], [sflag:$0x1], $0x1, s30, s18, $0xb8;
	[tilespmem:$0x14690] =	vst v63  }
0x1f4: {  	s31 =	sadd.s32 $0x640, s25  }
0x1f5: {  	[spmem:s3] =	stream.indirect.scatter.add.f32 [tilespmem:s19], [sflag:$0x1], $0x1, s31, s18, $0xb8;
	[tilespmem:$0x14690] =	vst v63  }
0x1f6: {  	s28 =	sadd.s32 $0x690, s25  }
0x1f7: {  	[spmem:s3] =	stream.indirect.scatter.add.f32 [tilespmem:s19], [sflag:$0x1], $0x1, s28, s18, $0xb8;
	[tilespmem:$0x14690] =	vst v63  }
0x1f8: {  	s30 =	sadd.s32 $0x6E0, s25  }
0x1f9: {  	[spmem:s3] =	stream.indirect.scatter.add.f32 [tilespmem:s19], [sflag:$0x1], $0x1, s30, s18, $0xb8;
	[tilespmem:$0x14690] =	vst v63  }
0x1fa: {  	s31 =	sadd.s32 $0x730, s25  }
0x1fb: {  	[spmem:s3] =	stream.indirect.scatter.add.f32 [tilespmem:s19], [sflag:$0x1], $0x1, s31, s18, $0xb8;
	[tilespmem:$0x14690] =	vst v63  }
0x1fc: {  	s25 =	sadd.s32 $0x780, s25  }
0x1fd: {  	[spmem:s3] =	stream.indirect.scatter.add.f32 [tilespmem:s19], [sflag:$0x1], $0x1, s25, s18, $0xb8;
	[tilespmem:$0x14690] =	vst v63  }
0x1fe: {  	_ =	swait.ge [sflag:s20], $0x50  }
0x1ff: {  	[sflag:s20] =	ssyncset.done $0x0  }
0x200: {  	[sflag:s20] =	ssyncadd.s32 $0xFFFFFFB0  }
0x201: {  	_ =	swait.ge [sflag:s20], $0x50  }
0x202: {  	[sflag:s20] =	ssyncset.done $0x0  }
0x203: {  	[sflag:s20] =	ssyncadd.s32 $0xFFFFFFB0  }
0x204: {  	_ =	swait.ge [sflag:s20], $0x50  }
0x205: {  	[sflag:s20] =	ssyncset.done $0x0  }
0x206: {  	[sflag:s20] =	ssyncadd.s32 $0xFFFFFFB0  }
0x207: {  	_ =	swait.ge [sflag:s20], $0x50  }
0x208: {  	[sflag:s20] =	ssyncset.done $0x0  }
0x209: {  	[sflag:s20] =	ssyncadd.s32 $0xFFFFFFB0  }
0x20a: {  	_ =	swait.ge [sflag:s20], $0x50  }
0x20b: {  	[sflag:s20] =	ssyncset.done $0x0  }
0x20c: {  	[sflag:s20] =	ssyncadd.s32 $0xFFFFFFB0  }
0x20d: {  	_ =	swait.ge [sflag:s20], $0x50  }
0x20e: {  	[sflag:s20] =	ssyncset.done $0x0  }
0x20f: {  	[sflag:s20] =	ssyncadd.s32 $0xFFFFFFB0  }
0x210: {  	_ =	swait.ge [sflag:s20], $0x50  }
0x211: {  	[sflag:s20] =	ssyncset.done $0x0  }
0x212: {  	[sflag:s20] =	ssyncadd.s32 $0xFFFFFFB0  }
0x213: {  	_ =	swait.ge [sflag:s20], $0x50  }
0x214: {  	[sflag:s20] =	ssyncset.done $0x0  }
0x215: {  	[sflag:s20] =	ssyncadd.s32 $0xFFFFFFB0  }
0x216: {  	_ =	swait.ge [sflag:s20], $0x50  }
0x217: {  	[sflag:s20] =	ssyncset.done $0x0  }
0x218: {  	[sflag:s20] =	ssyncadd.s32 $0xFFFFFFB0  }
0x219: {  	_ =	swait.ge [sflag:s20], $0x50  }
0x21a: {  	[sflag:s20] =	ssyncset.done $0x0  }
0x21b: {  	[sflag:s20] =	ssyncadd.s32 $0xFFFFFFB0  }
0x21c: {  	_ =	swait.ge [sflag:s20], $0x50  }
0x21d: {  	[sflag:s20] =	ssyncset.done $0x0  }
0x21e: {  	[sflag:s20] =	ssyncadd.s32 $0xFFFFFFB0  }
0x21f: {  	_ =	swait.ge [sflag:s20], $0x50  }
0x220: {  	[sflag:s20] =	ssyncset.done $0x0  }
0x221: {  	[sflag:s20] =	ssyncadd.s32 $0xFFFFFFB0  }
0x222: {  	_ =	swait.ge [sflag:s20], $0x50  }
0x223: {  	[sflag:s20] =	ssyncset.done $0x0  }
0x224: {  	[sflag:s20] =	ssyncadd.s32 $0xFFFFFFB0  }
0x225: {  	_ =	swait.ge [sflag:s20], $0x50  }
0x226: {  	[sflag:s20] =	ssyncset.done $0x0  }
0x227: {  	[sflag:s20] =	ssyncadd.s32 $0xFFFFFFB0  }
0x228: {  	_ =	swait.ge [sflag:s20], $0x50  }
0x229: {  	[sflag:s20] =	ssyncset.done $0x0  }
0x22a: {  	[sflag:s20] =	ssyncadd.s32 $0xFFFFFFB0  }
0x22b: {  	_ =	swait.ge [sflag:s20], $0x50  }
0x22c: {  	[sflag:s20] =	ssyncset.done $0x0  }
0x22d: {  	[sflag:s20] =	ssyncadd.s32 $0xFFFFFFB0  }
0x22e: {  	_ =	swait.ge [sflag:s20], $0x50  }
0x22f: {  	[sflag:s20] =	ssyncset.done $0x0  }
0x230: {  	[sflag:s20] =	ssyncadd.s32 $0xFFFFFFB0  }
0x231: {  	_ =	swait.ge [sflag:s20], $0x50  }
0x232: {  	[sflag:s20] =	ssyncset.done $0x0  }
0x233: {  	[sflag:s20] =	ssyncadd.s32 $0xFFFFFFB0  }
0x234: {  	_ =	swait.ge [sflag:s20], $0x50  }
0x235: {  	[sflag:s20] =	ssyncset.done $0x0  }
0x236: {  	[sflag:s20] =	ssyncadd.s32 $0xFFFFFFB0  }
0x237: {  	_ =	swait.ge [sflag:s20], $0x50  }
0x238: {  	[sflag:s20] =	ssyncset.done $0x0  }
0x239: {  	[sflag:s20] =	ssyncadd.s32 $0xFFFFFFB0  }
0x23a: {  	_ =	swait.ge [sflag:s20], $0x50  }
0x23b: {  	[sflag:s20] =	ssyncset.done $0x0  }
0x23c: {  	[sflag:s20] =	ssyncadd.s32 $0xFFFFFFB0  }
0x23d: {  	_ =	swait.ge [sflag:s20], $0x50  }
0x23e: {  	[sflag:s20] =	ssyncset.done $0x0  }
0x23f: {  	[sflag:s20] =	ssyncadd.s32 $0xFFFFFFB0  }
0x240: {  	_ =	swait.ge [sflag:s20], $0x50  }
0x241: {  	[sflag:s20] =	ssyncset.done $0x0  }
0x242: {  	[sflag:s20] =	ssyncadd.s32 $0xFFFFFFB0  }
0x243: {  	_ =	swait.ge [sflag:s20], $0x50  }
0x244: {  	[sflag:s20] =	ssyncset.done $0x0  }
0x245: {  	[sflag:s20] =	ssyncadd.s32 $0xFFFFFFB0  }
0x246: {  	_ =	swait.ge [sflag:s20], $0x50  }
0x247: {  	s29 =	simm.s32 $0x3E80;
	s26 =	simm.s32 $0x7D0;
	[sflag:s20] =	ssyncset.done $0x0  }
.LBB2_4:
0x248: {  	s28 =	sadd.s32 s26, s14  }
0x249: {  	[sflag:s20] =	ssyncadd.s32 $0xFFFFFFB0;
	s26 =	smov.u32 s29;
	s25 =	sadd.s32 $0x1F40, s29  }
0x24a: {  	[spmem:s3] =	stream.indirect.scatter.add.f32 [tilespmem:s19], [sflag:$0x1], $0x1, s28, s18, $0xb8;
	[tilespmem:$0x14690] =	vst v63  }
0x24b: {  	p1 =	sne.s32 s29, $0x7D00;
	s29 =	sadd.s32 $0x50, s28  }
0x24c: {  	[spmem:s3] =	stream.indirect.scatter.add.f32 [tilespmem:s19], [sflag:$0x1], $0x1, s29, s18, $0xb8;
	[tilespmem:$0x14690] =	vst v63  }
0x24d: {  	s29 =	sadd.s32 $0xA0, s28  }
0x24e: {  	[spmem:s3] =	stream.indirect.scatter.add.f32 [tilespmem:s19], [sflag:$0x1], $0x1, s29, s18, $0xb8;
	[tilespmem:$0x14690] =	vst v63  }
0x24f: {  	s29 =	sadd.s32 $0xF0, s28  }
0x250: {  	[spmem:s3] =	stream.indirect.scatter.add.f32 [tilespmem:s19], [sflag:$0x1], $0x1, s29, s18, $0xb8;
	[tilespmem:$0x14690] =	vst v63  }
0x251: {  	s29 =	sadd.s32 $0x140, s28  }
0x252: {  	[spmem:s3] =	stream.indirect.scatter.add.f32 [tilespmem:s19], [sflag:$0x1], $0x1, s29, s18, $0xb8;
	[tilespmem:$0x14690] =	vst v63  }
0x253: {  	s29 =	sadd.s32 $0x190, s28  }
0x254: {  	[spmem:s3] =	stream.indirect.scatter.add.f32 [tilespmem:s19], [sflag:$0x1], $0x1, s29, s18, $0xb8;
	[tilespmem:$0x14690] =	vst v63  }
0x255: {  	s29 =	sadd.s32 $0x1E0, s28  }
0x256: {  	[spmem:s3] =	stream.indirect.scatter.add.f32 [tilespmem:s19], [sflag:$0x1], $0x1, s29, s18, $0xb8;
	[tilespmem:$0x14690] =	vst v63  }
0x257: {  	s29 =	sadd.s32 $0x230, s28  }
0x258: {  	[spmem:s3] =	stream.indirect.scatter.add.f32 [tilespmem:s19], [sflag:$0x1], $0x1, s29, s18, $0xb8;
	[tilespmem:$0x14690] =	vst v63  }
0x259: {  	s29 =	sadd.s32 $0x280, s28  }
0x25a: {  	[spmem:s3] =	stream.indirect.scatter.add.f32 [tilespmem:s19], [sflag:$0x1], $0x1, s29, s18, $0xb8;
	[tilespmem:$0x14690] =	vst v63  }
0x25b: {  	s29 =	sadd.s32 $0x2D0, s28  }
0x25c: {  	[spmem:s3] =	stream.indirect.scatter.add.f32 [tilespmem:s19], [sflag:$0x1], $0x1, s29, s18, $0xb8;
	[tilespmem:$0x14690] =	vst v63  }
0x25d: {  	s29 =	sadd.s32 $0x320, s28  }
0x25e: {  	[spmem:s3] =	stream.indirect.scatter.add.f32 [tilespmem:s19], [sflag:$0x1], $0x1, s29, s18, $0xb8;
	[tilespmem:$0x14690] =	vst v63  }
0x25f: {  	s29 =	sadd.s32 $0x370, s28  }
0x260: {  	[spmem:s3] =	stream.indirect.scatter.add.f32 [tilespmem:s19], [sflag:$0x1], $0x1, s29, s18, $0xb8;
	[tilespmem:$0x14690] =	vst v63  }
0x261: {  	s29 =	sadd.s32 $0x3C0, s28  }
0x262: {  	[spmem:s3] =	stream.indirect.scatter.add.f32 [tilespmem:s19], [sflag:$0x1], $0x1, s29, s18, $0xb8;
	[tilespmem:$0x14690] =	vst v63  }
0x263: {  	s29 =	sadd.s32 $0x410, s28  }
0x264: {  	[spmem:s3] =	stream.indirect.scatter.add.f32 [tilespmem:s19], [sflag:$0x1], $0x1, s29, s18, $0xb8;
	[tilespmem:$0x14690] =	vst v63  }
0x265: {  	s29 =	sadd.s32 $0x460, s28  }
0x266: {  	[spmem:s3] =	stream.indirect.scatter.add.f32 [tilespmem:s19], [sflag:$0x1], $0x1, s29, s18, $0xb8;
	[tilespmem:$0x14690] =	vst v63  }
0x267: {  	s29 =	sadd.s32 $0x4B0, s28  }
0x268: {  	[spmem:s3] =	stream.indirect.scatter.add.f32 [tilespmem:s19], [sflag:$0x1], $0x1, s29, s18, $0xb8;
	[tilespmem:$0x14690] =	vst v63  }
0x269: {  	s29 =	sadd.s32 $0x500, s28  }
0x26a: {  	[spmem:s3] =	stream.indirect.scatter.add.f32 [tilespmem:s19], [sflag:$0x1], $0x1, s29, s18, $0xb8;
	[tilespmem:$0x14690] =	vst v63  }
0x26b: {  	s29 =	sadd.s32 $0x550, s28  }
0x26c: {  	[spmem:s3] =	stream.indirect.scatter.add.f32 [tilespmem:s19], [sflag:$0x1], $0x1, s29, s18, $0xb8;
	[tilespmem:$0x14690] =	vst v63  }
0x26d: {  	s29 =	sadd.s32 $0x5A0, s28  }
0x26e: {  	[spmem:s3] =	stream.indirect.scatter.add.f32 [tilespmem:s19], [sflag:$0x1], $0x1, s29, s18, $0xb8;
	[tilespmem:$0x14690] =	vst v63  }
0x26f: {  	s29 =	sadd.s32 $0x5F0, s28  }
0x270: {  	[spmem:s3] =	stream.indirect.scatter.add.f32 [tilespmem:s19], [sflag:$0x1], $0x1, s29, s18, $0xb8;
	[tilespmem:$0x14690] =	vst v63  }
0x271: {  	s29 =	sadd.s32 $0x640, s28  }
0x272: {  	[spmem:s3] =	stream.indirect.scatter.add.f32 [tilespmem:s19], [sflag:$0x1], $0x1, s29, s18, $0xb8;
	[tilespmem:$0x14690] =	vst v63  }
0x273: {  	s29 =	sadd.s32 $0x690, s28  }
0x274: {  	[spmem:s3] =	stream.indirect.scatter.add.f32 [tilespmem:s19], [sflag:$0x1], $0x1, s29, s18, $0xb8;
	[tilespmem:$0x14690] =	vst v63  }
0x275: {  	s29 =	sadd.s32 $0x6E0, s28  }
0x276: {  	[spmem:s3] =	stream.indirect.scatter.add.f32 [tilespmem:s19], [sflag:$0x1], $0x1, s29, s18, $0xb8;
	[tilespmem:$0x14690] =	vst v63  }
0x277: {  	s29 =	sadd.s32 $0x730, s28  }
0x278: {  	[spmem:s3] =	stream.indirect.scatter.add.f32 [tilespmem:s19], [sflag:$0x1], $0x1, s29, s18, $0xb8;
	[tilespmem:$0x14690] =	vst v63  }
0x279: {  	s28 =	sadd.s32 $0x780, s28  }
0x27a: {  	[spmem:s3] =	stream.indirect.scatter.add.f32 [tilespmem:s19], [sflag:$0x1], $0x1, s28, s18, $0xb8;
	[tilespmem:$0x14690] =	vst v63  }
0x27b: {  	_ =	swait.ge [sflag:s20], $0x50  }
0x27c: {  	[sflag:s20] =	ssyncset.done $0x0  }
0x27d: {  	[sflag:s20] =	ssyncadd.s32 $0xFFFFFFB0  }
0x27e: {  	_ =	swait.ge [sflag:s20], $0x50  }
0x27f: {  	[sflag:s20] =	ssyncset.done $0x0  }
0x280: {  	[sflag:s20] =	ssyncadd.s32 $0xFFFFFFB0  }
0x281: {  	_ =	swait.ge [sflag:s20], $0x50  }
0x282: {  	[sflag:s20] =	ssyncset.done $0x0  }
0x283: {  	[sflag:s20] =	ssyncadd.s32 $0xFFFFFFB0  }
0x284: {  	_ =	swait.ge [sflag:s20], $0x50  }
0x285: {  	[sflag:s20] =	ssyncset.done $0x0  }
0x286: {  	[sflag:s20] =	ssyncadd.s32 $0xFFFFFFB0  }
0x287: {  	_ =	swait.ge [sflag:s20], $0x50  }
0x288: {  	[sflag:s20] =	ssyncset.done $0x0  }
0x289: {  	[sflag:s20] =	ssyncadd.s32 $0xFFFFFFB0  }
0x28a: {  	_ =	swait.ge [sflag:s20], $0x50  }
0x28b: {  	[sflag:s20] =	ssyncset.done $0x0  }
0x28c: {  	[sflag:s20] =	ssyncadd.s32 $0xFFFFFFB0  }
0x28d: {  	_ =	swait.ge [sflag:s20], $0x50  }
0x28e: {  	[sflag:s20] =	ssyncset.done $0x0  }
0x28f: {  	[sflag:s20] =	ssyncadd.s32 $0xFFFFFFB0  }
0x290: {  	_ =	swait.ge [sflag:s20], $0x50  }
0x291: {  	[sflag:s20] =	ssyncset.done $0x0  }
0x292: {  	[sflag:s20] =	ssyncadd.s32 $0xFFFFFFB0  }
0x293: {  	_ =	swait.ge [sflag:s20], $0x50  }
0x294: {  	[sflag:s20] =	ssyncset.done $0x0  }
0x295: {  	[sflag:s20] =	ssyncadd.s32 $0xFFFFFFB0  }
0x296: {  	_ =	swait.ge [sflag:s20], $0x50  }
0x297: {  	[sflag:s20] =	ssyncset.done $0x0  }
0x298: {  	[sflag:s20] =	ssyncadd.s32 $0xFFFFFFB0  }
0x299: {  	_ =	swait.ge [sflag:s20], $0x50  }
0x29a: {  	[sflag:s20] =	ssyncset.done $0x0  }
0x29b: {  	[sflag:s20] =	ssyncadd.s32 $0xFFFFFFB0  }
0x29c: {  	_ =	swait.ge [sflag:s20], $0x50  }
0x29d: {  	[sflag:s20] =	ssyncset.done $0x0  }
0x29e: {  	[sflag:s20] =	ssyncadd.s32 $0xFFFFFFB0  }
0x29f: {  	_ =	swait.ge [sflag:s20], $0x50  }
0x2a0: {  	[sflag:s20] =	ssyncset.done $0x0  }
0x2a1: {  	[sflag:s20] =	ssyncadd.s32 $0xFFFFFFB0  }
0x2a2: {  	_ =	swait.ge [sflag:s20], $0x50  }
0x2a3: {  	[sflag:s20] =	ssyncset.done $0x0  }
0x2a4: {  	[sflag:s20] =	ssyncadd.s32 $0xFFFFFFB0  }
0x2a5: {  	_ =	swait.ge [sflag:s20], $0x50  }
0x2a6: {  	[sflag:s20] =	ssyncset.done $0x0  }
0x2a7: {  	[sflag:s20] =	ssyncadd.s32 $0xFFFFFFB0  }
0x2a8: {  	_ =	swait.ge [sflag:s20], $0x50  }
0x2a9: {  	[sflag:s20] =	ssyncset.done $0x0  }
0x2aa: {  	[sflag:s20] =	ssyncadd.s32 $0xFFFFFFB0  }
0x2ab: {  	_ =	swait.ge [sflag:s20], $0x50  }
0x2ac: {  	[sflag:s20] =	ssyncset.done $0x0  }
0x2ad: {  	[sflag:s20] =	ssyncadd.s32 $0xFFFFFFB0  }
0x2ae: {  	_ =	swait.ge [sflag:s20], $0x50  }
0x2af: {  	[sflag:s20] =	ssyncset.done $0x0  }
0x2b0: {  	[sflag:s20] =	ssyncadd.s32 $0xFFFFFFB0  }
0x2b1: {  	_ =	swait.ge [sflag:s20], $0x50  }
0x2b2: {  	[sflag:s20] =	ssyncset.done $0x0  }
0x2b3: {  	[sflag:s20] =	ssyncadd.s32 $0xFFFFFFB0  }
0x2b4: {  	_ =	swait.ge [sflag:s20], $0x50  }
0x2b5: {  	[sflag:s20] =	ssyncset.done $0x0  }
0x2b6: {  	[sflag:s20] =	ssyncadd.s32 $0xFFFFFFB0  }
0x2b7: {  	_ =	swait.ge [sflag:s20], $0x50  }
0x2b8: {  	[sflag:s20] =	ssyncset.done $0x0  }
0x2b9: {  	[sflag:s20] =	ssyncadd.s32 $0xFFFFFFB0  }
0x2ba: {  	_ =	swait.ge [sflag:s20], $0x50  }
0x2bb: {  	[sflag:s20] =	ssyncset.done $0x0  }
0x2bc: {  	[sflag:s20] =	ssyncadd.s32 $0xFFFFFFB0  }
0x2bd: {  	_ =	swait.ge [sflag:s20], $0x50  }
0x2be: {  	[sflag:s20] =	ssyncset.done $0x0  }
0x2bf: {  	[sflag:s20] =	ssyncadd.s32 $0xFFFFFFB0  }
.Ltmp1:
0x2c0: {  	_ =	swait.ge [sflag:s20], $0x50;
	(pc) =	sbr.rel @p1 .LBB2_4-.Ltmp1, $4  }
0x2c1: {  	[sflag:s20] =	ssyncset.done $0x0  }
0x2c2: {  	[sflag:s20] =	ssyncadd.s32 $0xFFFFFFB0  }
0x2c3: {  	_ =	swait.ge [sflag:s20], $0x50  }
0x2c4: {  	s26 =	sshra.s32 s26, $0x2;
	s29 =	smov.u32 s25;
	[sflag:s20] =	ssyncset.done $0x0  }
0x2c5: {  	s25 =	sadd.s32 s26, s14;
	[sflag:s20] =	ssyncadd.s32 $0xFFFFFFB0  }
0x2c6: {  	[spmem:s3] =	stream.indirect.scatter.add.f32 [tilespmem:s19], [sflag:$0x1], $0x1, s25, s18, $0xb8;
	[tilespmem:$0x14690] =	vst v63  }
0x2c7: {  	s26 =	sadd.s32 $0x50, s25  }
0x2c8: {  	[spmem:s3] =	stream.indirect.scatter.add.f32 [tilespmem:s19], [sflag:$0x1], $0x1, s26, s18, $0xb8;
	[tilespmem:$0x14690] =	vst v63  }
0x2c9: {  	s29 =	sadd.s32 $0xA0, s25  }
0x2ca: {  	[spmem:s3] =	stream.indirect.scatter.add.f32 [tilespmem:s19], [sflag:$0x1], $0x1, s29, s18, $0xb8;
	[tilespmem:$0x14690] =	vst v63  }
0x2cb: {  	s30 =	sadd.s32 $0xF0, s25  }
0x2cc: {  	[spmem:s3] =	stream.indirect.scatter.add.f32 [tilespmem:s19], [sflag:$0x1], $0x1, s30, s18, $0xb8;
	[tilespmem:$0x14690] =	vst v63  }
0x2cd: {  	s31 =	sadd.s32 $0x140, s25  }
0x2ce: {  	[spmem:s3] =	stream.indirect.scatter.add.f32 [tilespmem:s19], [sflag:$0x1], $0x1, s31, s18, $0xb8;
	[tilespmem:$0x14690] =	vst v63  }
0x2cf: {  	s28 =	sadd.s32 $0x190, s25  }
0x2d0: {  	[spmem:s3] =	stream.indirect.scatter.add.f32 [tilespmem:s19], [sflag:$0x1], $0x1, s28, s18, $0xb8;
	[tilespmem:$0x14690] =	vst v63  }
0x2d1: {  	s29 =	sadd.s32 $0x1E0, s25  }
0x2d2: {  	[spmem:s3] =	stream.indirect.scatter.add.f32 [tilespmem:s19], [sflag:$0x1], $0x1, s29, s18, $0xb8;
	[tilespmem:$0x14690] =	vst v63  }
0x2d3: {  	s30 =	sadd.s32 $0x230, s25  }
0x2d4: {  	[spmem:s3] =	stream.indirect.scatter.add.f32 [tilespmem:s19], [sflag:$0x1], $0x1, s30, s18, $0xb8;
	[tilespmem:$0x14690] =	vst v63  }
0x2d5: {  	s31 =	sadd.s32 $0x280, s25  }
0x2d6: {  	[spmem:s3] =	stream.indirect.scatter.add.f32 [tilespmem:s19], [sflag:$0x1], $0x1, s31, s18, $0xb8;
	[tilespmem:$0x14690] =	vst v63  }
0x2d7: {  	s28 =	sadd.s32 $0x2D0, s25  }
0x2d8: {  	[spmem:s3] =	stream.indirect.scatter.add.f32 [tilespmem:s19], [sflag:$0x1], $0x1, s28, s18, $0xb8;
	[tilespmem:$0x14690] =	vst v63  }
0x2d9: {  	s29 =	sadd.s32 $0x320, s25  }
0x2da: {  	[spmem:s3] =	stream.indirect.scatter.add.f32 [tilespmem:s19], [sflag:$0x1], $0x1, s29, s18, $0xb8;
	[tilespmem:$0x14690] =	vst v63  }
0x2db: {  	s30 =	sadd.s32 $0x370, s25  }
0x2dc: {  	[spmem:s3] =	stream.indirect.scatter.add.f32 [tilespmem:s19], [sflag:$0x1], $0x1, s30, s18, $0xb8;
	[tilespmem:$0x14690] =	vst v63  }
0x2dd: {  	s31 =	sadd.s32 $0x3C0, s25  }
0x2de: {  	[spmem:s3] =	stream.indirect.scatter.add.f32 [tilespmem:s19], [sflag:$0x1], $0x1, s31, s18, $0xb8;
	[tilespmem:$0x14690] =	vst v63  }
0x2df: {  	s28 =	sadd.s32 $0x410, s25  }
0x2e0: {  	[spmem:s3] =	stream.indirect.scatter.add.f32 [tilespmem:s19], [sflag:$0x1], $0x1, s28, s18, $0xb8;
	[tilespmem:$0x14690] =	vst v63  }
0x2e1: {  	s29 =	sadd.s32 $0x460, s25  }
0x2e2: {  	[spmem:s3] =	stream.indirect.scatter.add.f32 [tilespmem:s19], [sflag:$0x1], $0x1, s29, s18, $0xb8;
	[tilespmem:$0x14690] =	vst v63  }
0x2e3: {  	s30 =	sadd.s32 $0x4B0, s25  }
0x2e4: {  	[spmem:s3] =	stream.indirect.scatter.add.f32 [tilespmem:s19], [sflag:$0x1], $0x1, s30, s18, $0xb8;
	[tilespmem:$0x14690] =	vst v63  }
0x2e5: {  	s31 =	sadd.s32 $0x500, s25  }
0x2e6: {  	[spmem:s3] =	stream.indirect.scatter.add.f32 [tilespmem:s19], [sflag:$0x1], $0x1, s31, s18, $0xb8;
	[tilespmem:$0x14690] =	vst v63  }
0x2e7: {  	s28 =	sadd.s32 $0x550, s25  }
0x2e8: {  	[spmem:s3] =	stream.indirect.scatter.add.f32 [tilespmem:s19], [sflag:$0x1], $0x1, s28, s18, $0xb8;
	[tilespmem:$0x14690] =	vst v63  }
0x2e9: {  	s29 =	sadd.s32 $0x5A0, s25  }
0x2ea: {  	[spmem:s3] =	stream.indirect.scatter.add.f32 [tilespmem:s19], [sflag:$0x1], $0x1, s29, s18, $0xb8;
	[tilespmem:$0x14690] =	vst v63  }
0x2eb: {  	s30 =	sadd.s32 $0x5F0, s25  }
0x2ec: {  	[spmem:s3] =	stream.indirect.scatter.add.f32 [tilespmem:s19], [sflag:$0x1], $0x1, s30, s18, $0xb8;
	[tilespmem:$0x14690] =	vst v63  }
0x2ed: {  	s31 =	sadd.s32 $0x640, s25  }
0x2ee: {  	[spmem:s3] =	stream.indirect.scatter.add.f32 [tilespmem:s19], [sflag:$0x1], $0x1, s31, s18, $0xb8;
	[tilespmem:$0x14690] =	vst v63  }
0x2ef: {  	s28 =	sadd.s32 $0x690, s25  }
0x2f0: {  	[spmem:s3] =	stream.indirect.scatter.add.f32 [tilespmem:s19], [sflag:$0x1], $0x1, s28, s18, $0xb8;
	[tilespmem:$0x14690] =	vst v63  }
0x2f1: {  	s29 =	sadd.s32 $0x6E0, s25  }
0x2f2: {  	[spmem:s3] =	stream.indirect.scatter.add.f32 [tilespmem:s19], [sflag:$0x1], $0x1, s29, s18, $0xb8;
	[tilespmem:$0x14690] =	vst v63  }
0x2f3: {  	s30 =	sadd.s32 $0x730, s25  }
0x2f4: {  	[spmem:s3] =	stream.indirect.scatter.add.f32 [tilespmem:s19], [sflag:$0x1], $0x1, s30, s18, $0xb8;
	[tilespmem:$0x14690] =	vst v63  }
0x2f5: {  	s25 =	sadd.s32 $0x780, s25  }
0x2f6: {  	[spmem:s3] =	stream.indirect.scatter.add.f32 [tilespmem:s19], [sflag:$0x1], $0x1, s25, s18, $0xb8;
	[tilespmem:$0x14690] =	vst v63  }
0x2f7: {  	_ =	swait.ge [sflag:s20], $0x50  }
0x2f8: {  	[sflag:s20] =	ssyncset.done $0x0  }
0x2f9: {  	[sflag:s20] =	ssyncadd.s32 $0xFFFFFFB0  }
0x2fa: {  	_ =	swait.ge [sflag:s20], $0x50  }
0x2fb: {  	[sflag:s20] =	ssyncset.done $0x0  }
0x2fc: {  	[sflag:s20] =	ssyncadd.s32 $0xFFFFFFB0  }
0x2fd: {  	_ =	swait.ge [sflag:s20], $0x50  }
0x2fe: {  	[sflag:s20] =	ssyncset.done $0x0  }
0x2ff: {  	[sflag:s20] =	ssyncadd.s32 $0xFFFFFFB0  }
0x300: {  	_ =	swait.ge [sflag:s20], $0x50  }
0x301: {  	[sflag:s20] =	ssyncset.done $0x0  }
0x302: {  	[sflag:s20] =	ssyncadd.s32 $0xFFFFFFB0  }
0x303: {  	_ =	swait.ge [sflag:s20], $0x50  }
0x304: {  	[sflag:s20] =	ssyncset.done $0x0  }
0x305: {  	[sflag:s20] =	ssyncadd.s32 $0xFFFFFFB0  }
0x306: {  	_ =	swait.ge [sflag:s20], $0x50  }
0x307: {  	[sflag:s20] =	ssyncset.done $0x0  }
0x308: {  	[sflag:s20] =	ssyncadd.s32 $0xFFFFFFB0  }
0x309: {  	_ =	swait.ge [sflag:s20], $0x50  }
0x30a: {  	[sflag:s20] =	ssyncset.done $0x0  }
0x30b: {  	[sflag:s20] =	ssyncadd.s32 $0xFFFFFFB0  }
0x30c: {  	_ =	swait.ge [sflag:s20], $0x50  }
0x30d: {  	[sflag:s20] =	ssyncset.done $0x0  }
0x30e: {  	[sflag:s20] =	ssyncadd.s32 $0xFFFFFFB0  }
0x30f: {  	_ =	swait.ge [sflag:s20], $0x50  }
0x310: {  	[sflag:s20] =	ssyncset.done $0x0  }
0x311: {  	[sflag:s20] =	ssyncadd.s32 $0xFFFFFFB0  }
0x312: {  	_ =	swait.ge [sflag:s20], $0x50  }
0x313: {  	[sflag:s20] =	ssyncset.done $0x0  }
0x314: {  	[sflag:s20] =	ssyncadd.s32 $0xFFFFFFB0  }
0x315: {  	_ =	swait.ge [sflag:s20], $0x50  }
0x316: {  	[sflag:s20] =	ssyncset.done $0x0  }
0x317: {  	[sflag:s20] =	ssyncadd.s32 $0xFFFFFFB0  }
0x318: {  	_ =	swait.ge [sflag:s20], $0x50  }
0x319: {  	[sflag:s20] =	ssyncset.done $0x0  }
0x31a: {  	[sflag:s20] =	ssyncadd.s32 $0xFFFFFFB0  }
0x31b: {  	_ =	swait.ge [sflag:s20], $0x50  }
0x31c: {  	[sflag:s20] =	ssyncset.done $0x0  }
0x31d: {  	[sflag:s20] =	ssyncadd.s32 $0xFFFFFFB0  }
0x31e: {  	_ =	swait.ge [sflag:s20], $0x50  }
0x31f: {  	[sflag:s20] =	ssyncset.done $0x0  }
0x320: {  	[sflag:s20] =	ssyncadd.s32 $0xFFFFFFB0  }
0x321: {  	_ =	swait.ge [sflag:s20], $0x50  }
0x322: {  	[sflag:s20] =	ssyncset.done $0x0  }
0x323: {  	[sflag:s20] =	ssyncadd.s32 $0xFFFFFFB0  }
0x324: {  	_ =	swait.ge [sflag:s20], $0x50  }
0x325: {  	[sflag:s20] =	ssyncset.done $0x0  }
0x326: {  	[sflag:s20] =	ssyncadd.s32 $0xFFFFFFB0  }
0x327: {  	_ =	swait.ge [sflag:s20], $0x50  }
0x328: {  	[sflag:s20] =	ssyncset.done $0x0  }
0x329: {  	[sflag:s20] =	ssyncadd.s32 $0xFFFFFFB0  }
0x32a: {  	_ =	swait.ge [sflag:s20], $0x50  }
0x32b: {  	[sflag:s20] =	ssyncset.done $0x0  }
0x32c: {  	[sflag:s20] =	ssyncadd.s32 $0xFFFFFFB0  }
0x32d: {  	_ =	swait.ge [sflag:s20], $0x50  }
0x32e: {  	[sflag:s20] =	ssyncset.done $0x0  }
0x32f: {  	[sflag:s20] =	ssyncadd.s32 $0xFFFFFFB0  }
0x330: {  	_ =	swait.ge [sflag:s20], $0x50  }
0x331: {  	[sflag:s20] =	ssyncset.done $0x0  }
0x332: {  	[sflag:s20] =	ssyncadd.s32 $0xFFFFFFB0  }
0x333: {  	_ =	swait.ge [sflag:s20], $0x50  }
0x334: {  	[sflag:s20] =	ssyncset.done $0x0  }
0x335: {  	[sflag:s20] =	ssyncadd.s32 $0xFFFFFFB0  }
0x336: {  	_ =	swait.ge [sflag:s20], $0x50  }
0x337: {  	[sflag:s20] =	ssyncset.done $0x0  }
0x338: {  	[sflag:s20] =	ssyncadd.s32 $0xFFFFFFB0  }
0x339: {  	_ =	swait.ge [sflag:s20], $0x50  }
0x33a: {  	[sflag:s20] =	ssyncset.done $0x0  }
0x33b: {  	[sflag:s20] =	ssyncadd.s32 $0xFFFFFFB0  }
0x33c: {  	_ =	swait.ge [sflag:s20], $0x50  }
0x33d: {  	[sflag:s20] =	ssyncset.done $0x0  }
0x33e: {  	[sflag:s20] =	ssyncadd.s32 $0xFFFFFFB0  }
0x33f: {  	_ =	swait.ge [sflag:s20], $0x50  }
0x340: {  	[sflag:s20] =	ssyncset.done $0x0  }
0x341: {  	[sflag:s20] =	ssyncadd.s32 $0xFFFFFFB0  }
0x342: {  	s31 =	sshrl.u32 s10, $0x3;
	[bflag:$0x0] =	sbarrier.arrive $0xFFFF  }
0x343: {  	[hbm:s11], [sflag:s21] =	dma.local [spmem:s31], $0x50  }
0x344: {  	_ =	swait.ge [sflag:s15], $0x50  }
0x345: {  	[sflag:s15] =	ssyncset.done $0x0  }
0x346: {  	[sflag:s15] =	ssyncadd.s32 $0xFFFFFFB0  }
0x347: {  	[tilespmem:s22], [sflag:$0x3] =	stream.linear.gather [spmem:s9], $0x280, $0x38;
	[tilespmem:$0x14690] =	vst v63  }
0x348: {  	_ =	swait.ge [sflag:s15], $0x280  }
0x349: {  	[sflag:s15] =	ssyncset.done $0x0  }
0x34a: {  	s26 =	simm.s32 $0x40;
	s25 =	simm.s32 $0x0;
	[sflag:s15] =	ssyncadd.s32 $0xFFFFFD80  }
.LBB2_6:
0x34b: {  	p1 =	sne.s32 s26, $0x9C0;
	v2 =	vld [tilespmem:s25+$0x13C40];
	_ =	sdelay $0x4  }
0x34c: {  	v2 =	vmax.f32 v2, $1.000000000e+00  }
0x34d: {  	v3 =	vshrl.u32 v2, $0x1;
	v2 =	vmul.f32 $5.000000000e-01, v2  }
0x34e: {  	v3 =	vsub.s32 $0x5F3759DF, v3  }
0x34f: {  	v4 =	vmul.f32 v3, v2;
	_ =	sdelay $0x1  }
0x350: {  	v4 =	vmul.f32 v3, v4;
	_ =	sdelay $0x1  }
0x351: {  	v4 =	vsub.f32 $1.500000000e+00, v4;
	_ =	sdelay $0x1  }
0x352: {  	v3 =	vmul.f32 v3, v4;
	_ =	sdelay $0x1  }
0x353: {  	v4 =	vmul.f32 v3, v2;
	_ =	sdelay $0x1  }
0x354: {  	v4 =	vmul.f32 v4, v3;
	_ =	sdelay $0x1  }
0x355: {  	v4 =	vsub.f32 $1.500000000e+00, v4;
	_ =	sdelay $0x1  }
0x356: {  	v3 =	vmul.f32 v4, v3;
	_ =	sdelay $0x1  }
0x357: {  	v2 =	vmul.f32 v3, v2;
	_ =	sdelay $0x1  }
0x358: {  	v2 =	vmul.f32 v2, v3;
	_ =	sdelay $0x1  }
.Ltmp2:
0x359: {  	v2 =	vsub.f32 $1.500000000e+00, v2;
	(pc) =	sbr.rel @p1 .LBB2_6-.Ltmp2, $3  }
0x35a: {  	_ = 	snop  }
0x35b: {  	v2 =	vmul.f32 v2, v3;
	_ =	sdelay $0x1  }
0x35c: {  	[tilespmem:s25+$0x13C40] =	vst v2;
	s25 =	sshra.s32 s26, $0x2;
	s26 =	sadd.s32 $0x40, s26  }
0x35d: {  	v2 =	vld [tilespmem:s25+$0x13C40];
	_ =	sdelay $0x4  }
0x35e: {  	v2 =	vmax.f32 v2, $1.000000000e+00  }
0x35f: {  	v3 =	vshrl.u32 v2, $0x1;
	v2 =	vmul.f32 $5.000000000e-01, v2  }
0x360: {  	v3 =	vsub.s32 $0x5F3759DF, v3  }
0x361: {  	v4 =	vmul.f32 v3, v2;
	_ =	sdelay $0x1  }
0x362: {  	v4 =	vmul.f32 v3, v4;
	_ =	sdelay $0x1  }
0x363: {  	v4 =	vsub.f32 $1.500000000e+00, v4;
	_ =	sdelay $0x1  }
0x364: {  	v3 =	vmul.f32 v3, v4;
	_ =	sdelay $0x1  }
0x365: {  	v4 =	vmul.f32 v3, v2;
	_ =	sdelay $0x1  }
0x366: {  	v4 =	vmul.f32 v4, v3;
	_ =	sdelay $0x1  }
0x367: {  	v4 =	vsub.f32 $1.500000000e+00, v4;
	_ =	sdelay $0x1  }
0x368: {  	v3 =	vmul.f32 v4, v3;
	_ =	sdelay $0x1  }
0x369: {  	v2 =	vmul.f32 v3, v2;
	_ =	sdelay $0x1  }
0x36a: {  	v2 =	vmul.f32 v2, v3;
	_ =	sdelay $0x1  }
0x36b: {  	v2 =	vsub.f32 $1.500000000e+00, v2;
	_ =	sdelay $0x1  }
0x36c: {  	v2 =	vmul.f32 v2, v3;
	_ =	sdelay $0x1  }
0x36d: {  	[tilespmem:s25+$0x13C40] =	vst v2;
	s25 =	simm.s32 @p0 $0x2  }
0x36e: {  	_ =	swait.ge @p0 [sflag:s25], $0x6400  }
0x36f: {  	[sflag:s25] =	ssyncset.done @p0 $0x0  }
0x370: {  	s26 =	simm.s32 $0x0;
	[sflag:s25] =	ssyncadd.s32 @p0 $0xFFFF9C00;
	s25 =	simm.s32 @!p0 $0x2  }
0x371: {  	v2 =	vmov s26;
	_ =	swait.ge @!p0 [sflag:s25], $0xA000  }
0x372: {  	[sflag:s25] =	ssyncset.done @!p0 $0x0  }
0x373: {  	[sflag:s25] =	ssyncadd.s32 @!p0 $0xFFFF6000;
	s25 =	simm.s32 $0x9C60  }
0x374: {  	v4 =	vld [tilespmem:s25+$0xFFFFFFF0]  }
0x375: {  	v5 =	vld [tilespmem:s25+$0x10]  }
0x376: {  	v7 =	vld.idx.msk [tilespmem:v2+s22+$0x0], $0xffff  }
0x377: {  	v2 =	vld [tilespmem:s25+$0xFFFFFFE0]  }
0x378: {  	v8 =	vld [tilespmem:s25+$0x0];
	_ =	sdelay $0x3  }
0x379: {  	s28 =	simm.s32 $0x1;
	v3 =	vmul.f32 v2, v7;
	v6 =	vmul.f32 v5, v7  }
0x37a: {  	s26 =	simm.s32 $0x2;
	v2 =	vmov s28;
	v5 =	vmul.f32 v4, v7;
	v4 =	vmul.f32 v8, v7;
	s28 =	simm.s32 $0x9C60  }
.LBB2_8:
0x37b: {  	p1 =	sne.s32 s26, $0x27F  }
0x37c: {  	[tilespmem:s25+$0x10] =	vst v6;
	s28 =	sadd.s32 $0x40, s28;
	s29 =	smov.u32 s26;
	s26 =	sadd.s32 $0x1, s26  }
0x37d: {  	[tilespmem:s25+$0xFFFFFFE0] =	vst v3  }
0x37e: {  	v7 =	vld [tilespmem:s28+$0xFFFFFFF0];
	[tilespmem:s25+$0xFFFFFFF0] =	vst v5  }
0x37f: {  	v5 =	vld [tilespmem:s28+$0x10];
	[tilespmem:s25+$0x0] =	vst v4;
	s25 =	smov.u32 s28  }
0x380: {  	v4 =	vld.idx.msk [tilespmem:v2+s22+$0x0], $0xffff  }
0x381: {  	v2 =	vld [tilespmem:s28+$0xFFFFFFE0]  }
0x382: {  	v8 =	vld [tilespmem:s28+$0x0]  }
.Ltmp3:
0x383: {  	(pc) =	sbr.rel @p1 .LBB2_8-.Ltmp3, $3  }
0x384: {  	_ =	sdelay $0x1  }
0x385: {  	v6 =	vmul.f32 v5, v4;
	v3 =	vmul.f32 v2, v4  }
0x386: {  	v5 =	vmul.f32 v7, v4;
	v2 =	vmov s29;
	v4 =	vmul.f32 v8, v4  }
0x387: {  	[tilespmem:s25+$0x10] =	vst v6  }
0x388: {  	s26 =	sadd.s32 $0x40, s28;
	[tilespmem:s25+$0xFFFFFFE0] =	vst v3  }
0x389: {  	v3 =	vld [tilespmem:s26+$0xFFFFFFF0];
	[tilespmem:s25+$0xFFFFFFF0] =	vst v5  }
0x38a: {  	v5 =	vld [tilespmem:s26+$0x10];
	[tilespmem:s25+$0x0] =	vst v4  }
0x38b: {  	v2 =	vld.idx.msk [tilespmem:v2+s22+$0x0], $0xffff  }
0x38c: {  	v4 =	vld [tilespmem:s26+$0xFFFFFFE0];
	_ =	sdelay $0x1  }
0x38d: {  	v6 =	vld [tilespmem:s26+$0x0];
	_ =	sdelay $0x1  }
0x38e: {  	v5 =	vmul.f32 v5, v2  }
0x38f: {  	v4 =	vmul.f32 v4, v2  }
0x390: {  	v3 =	vmul.f32 v3, v2;
	[tilespmem:s26+$0x10] =	vst v5  }
0x391: {  	s24 =	sadd.s32 $0x1, s24;
	v2 =	vmul.f32 v6, v2;
	[tilespmem:s26+$0xFFFFFFE0] =	vst v4  }
0x392: {  	p1 =	sne.s32 s24, s13;
	[tilespmem:s26+$0xFFFFFFF0] =	vst v3  }
.Ltmp4:
0x393: {  	[tilespmem:s26+$0x0] =	vst v2;
	(pc) =	sbr.rel @p1 .LBB2_1-.Ltmp4, $4  }
0x394: {  	[hbm4b:s12+s4] =	stream.linear.scatter [tilespmem:s23], [sflag:$0x3], $0xA000, $0x38;
	[tilespmem:$0x14690] =	vst v63  }
0x395: {  	_ =	swait.ge [sflag:s15], $0xA000  }
0x396: {  	[sflag:s15] =	ssyncset.done $0x0  }
0x397: {  	[sflag:s15] =	ssyncadd.s32 $0xFFFF6000  }
0x398: {  	_ =	sfence.sel $0x180000  }
0x399: {  	[bflag:$0x0] =	sbarrier.arrive $0xFFFF  }
0x39a: {  	p0 =	sne.s32 s0, $0x0;
	_ =	strace $0x90000047  }
0x39b: {  	s0 =	sadd.s32 @!p0 $0x100000, s1;
	[bflag:$0x2] =	sbarrier.arrive $0xFFFF  }
0x39c: {  	[sflag:s0] =	ssyncadd.tile.s32 @!p0 $0x1;
	_ =	shalt  }
.Lfunc_end2:
_tile_overlayer_lowered:
.L_overlay_start_2:
0x39d: {  	(tag) =	ssettag $0x2  }
0x39e: {  	s0 =	rddreg [dreg:$0x0];
	s2 =	stileid.u32  }
0x39f: {  	s1 =	rddreg [dreg:$0x1];
	p0 =	sne.s32 s2, $0x0  }
0x3a0: {  	s3 =	rddreg [dreg:$0x2];
	[bflag:$0x3] =	sbarrier.arrive $0xFFFF;
	s2 =	simm.s32 @!p0 $0x1C03  }
0x3a1: {  	[timem:s3], [sflag:s2] =	dma.local @!p0 [hbm:s0], s1  }
0x3a2: {  	s0 =	simm.s32 @!p0 $0x3  }
0x3a3: {  	_ =	swait.ge @!p0 [sflag:s0], s1  }
0x3a4: {  	s1 =	ssub.s32 @!p0 $0x0, s1;
	[sflag:s0] =	ssyncset.done @!p0 $0x0  }
0x3a5: {  	[sflag:s0] =	ssyncadd.s32 @!p0 s1  }
0x3a6: {  	[bflag:$0x3] =	sbarrier.arrive $0xFFFF  }
0x3a7: {  	_ =	shalt  }

// kernel: kernel.8.cloned.1.call-start
scs
__scs_entry_jumppad:
0x0: {  	(pc) =	sbr.rel $0x88, $3  }
0x1: {  	(tag) =	ssettag $0x0;
	lr =	simm.s32 $0x1  }
0x2: {  	[smem:$0x3F9D] =	sst lr;
	_ =	strace $0xD0000000  }
0x3: {  	_ = 	snop  }
0x4: {  	_ = 	snop  }
0x5: {  	_ = 	snop  }
0x6: {  	_ = 	snop  }
0x7: {  	_ = 	snop  }
__scs_overlays_trampoline_lowered:
0x8: {  	[smem:$0x3FAC] =	sst s0  }
0x9: {  	[smem:$0x3FAD] =	sst s1  }
0xa: {  	[smem:$0x3FAE] =	sst s2  }
0xb: {  	[smem:$0x3FAF] =	sst s3  }
0xc: {  	[smem:$0x3FB0] =	sst s4  }
0xd: {  	[smem:$0x3FB1] =	sst s5  }
0xe: {  	[smem:$0x3FB2] =	sst s6  }
0xf: {  	[smem:$0x3FB3] =	sst s7  }
0x10: {  	[smem:$0x3FB4] =	sst s8  }
0x11: {  	[smem:$0x3FB5] =	sst s9;
	s0 =	simm.s32 @!p0 $0x0  }
0x12: {  	s1 =	sld [smem:$0x3F9B];
	s0 =	simm.s32 @p0 $0x1  }
0x13: {  	[smem:$0x3FB6] =	sst s0;
	s0 =	simm.s32 @!p1 $0x0  }
0x14: {  	s2 =	sld [smem:$0x3F9A];
	s0 =	simm.s32 @p1 $0x1  }
0x15: {  	[smem:$0x3FB7] =	sst s0;
	s0 =	simm.s32 @!p2 $0x0  }
0x16: {  	s3 =	sld [smem:$0x3FDB];
	s0 =	simm.s32 @p2 $0x1  }
0x17: {  	s4 =	simm.s32 $0x1BF5;
	[smem:$0x3FB9] =	sst s0  }
0x18: {  	s0 =	sld [smem:$0x3F9C];
	_ =	swait.ge [sflag:s4], $0x0  }
0x19: {  	s7 =	sld [smem:$0x3F9D]  }
0x1a: {  	s8 =	sadd.s32 $0xFFFFE003, lr  }
0x1b: {  	s9 =	sadd.s32 $0xFFFFFEF7, lr;
	s5 =	simm.s32 $0xFFFFFFFF;
	p2 =	slt.u32 s8, $0xFFFFF086  }
0x1c: {  	p1 =	slt.u32 s9, $0xF7A;
	s5 =	simm.s32 @!p2 $0x0  }
0x1d: {  	s5 =	simm.s32 @p1 $0x1;
	p0 =	seq.s32 s7, s2  }
0x1e: {  	s7 =	smul.u32 @!p0 $0xF7A, s2;
	p2 =	seq.s32 @!p0 s5, $0x0  }
0x1f: {  	s9 =	smul.u32 $0xF7A, s1;
	s8 =	simm.s32 @!p0 $0x1BF5;
	p2 =	por !p2, p0  }
0x20: {  	[sflag:s8] =	ssyncset.s32 @!p0 $0xFFFFF086;
	s6 =	sadd.s32 @!p0 s3, s7;
	s7 =	simm.s32 @!p0 $0x108  }
0x21: {  	s3 =	sadd.s32 s3, s9;
	s6 =	sadd.s32 @!p0 $0x88, s6;
	s7 =	simm.s32 @p2 $0x1082  }
0x22: {  	[simem:s7], [sflag:s8] =	dma.local @!p0 [hbm:s6], $0xF7A  }
0x23: {  	s9 =	sor.u32 $0xD0000000, s2;
	s6 =	simm.s32 $0x108;
	_ =	swait.ge @!p0 [sflag:s8], $0x0  }
0x24: {  	s3 =	sadd.s32 $0x88, s3;
	s6 =	simm.s32 @!p1 $0x1082;
	[sflag:s4] =	ssyncset.s32 $0xFFFFF086  }
0x25: {  	[simem:s6], [sflag:s4] =	dma.local [hbm:s3], $0xF7A  }
0x26: {  	[smem:$0x3F9D] =	sst s1;
	(tag) =	ssettag s2;
	_ =	strace s9  }
0x27: {  	s1 =	sld [smem:$0x3FAD]  }
0x28: {  	s2 =	sld [smem:$0x3FAE]  }
0x29: {  	s4 =	sld [smem:$0x3FB0]  }
0x2a: {  	p0 =	seq.s32 s5, $0x0;
	s5 =	sld [smem:$0x3FB1]  }
0x2b: {  	s6 =	sld [smem:$0x3FB2]  }
0x2c: {  	s7 =	sld [smem:$0x3FB3]  }
0x2d: {  	s3 =	simm.s32 $0x108;
	s8 =	sld [smem:$0x3FB4]  }
0x2e: {  	s3 =	simm.s32 @!p0 $0x1082;
	s9 =	sld [smem:$0x3FB5]  }
0x2f: {  	lr =	sadd.s32 s0, s3;
	s0 =	sld [smem:$0x3FAC]  }
0x30: {  	s3 =	sld [smem:$0x3FAF]  }
0x31: {  	[smem:$0x3FB8] =	sst s10  }
0x32: {  	s10 =	sld [smem:$0x3FB6];
	_ =	sdelay $0x3  }
0x33: {  	p0 =	seq.s32 s10, $0x1;
	s10 =	sld [smem:$0x3FB8];
	_ =	sdelay $0x3  }
0x34: {  	[smem:$0x3FB8] =	sst s10  }
0x35: {  	s10 =	sld [smem:$0x3FB7];
	_ =	sdelay $0x3  }
0x36: {  	p1 =	seq.s32 s10, $0x1;
	s10 =	sld [smem:$0x3FB8];
	_ =	sdelay $0x3  }
0x37: {  	[smem:$0x3FB8] =	sst s10  }
0x38: {  	s10 =	sld [smem:$0x3FB9]  }
0x39: {  	_ = 	snop;
	(pc) =	sbr.ind lr, $3  }
0x3a: {  	_ = 	snop  }
0x3b: {  	_ = 	snop  }
0x3c: {  	p2 =	seq.s32 s10, $0x1;
	s10 =	sld [smem:$0x3FB8]  }
0x3d: {  	_ =	shalt  }
0x3e: {  	_ =	shalt  }
0x3f: {  	_ =	shalt  }
0x40: {  	_ =	shalt  }
0x41: {  	_ =	shalt  }
0x42: {  	_ =	shalt  }
0x43: {  	_ =	shalt  }
0x44: {  	_ =	shalt  }
0x45: {  	_ =	shalt  }
0x46: {  	_ =	shalt  }
0x47: {  	_ =	shalt  }
0x48: {  	_ =	shalt  }
0x49: {  	_ =	shalt  }
0x4a: {  	_ =	shalt  }
0x4b: {  	_ =	shalt  }
0x4c: {  	_ =	shalt  }
0x4d: {  	_ =	shalt  }
0x4e: {  	_ =	shalt  }
0x4f: {  	_ =	shalt  }
0x50: {  	_ =	shalt  }
0x51: {  	_ =	shalt  }
0x52: {  	_ =	shalt  }
0x53: {  	_ =	shalt  }
0x54: {  	_ =	shalt  }
0x55: {  	_ =	shalt  }
0x56: {  	_ =	shalt  }
0x57: {  	_ =	shalt  }
0x58: {  	_ =	shalt  }
0x59: {  	_ =	shalt  }
0x5a: {  	_ =	shalt  }
0x5b: {  	_ =	shalt  }
0x5c: {  	_ =	shalt  }
0x5d: {  	_ =	shalt  }
0x5e: {  	_ =	shalt  }
0x5f: {  	_ =	shalt  }
0x60: {  	_ =	shalt  }
0x61: {  	_ =	shalt  }
0x62: {  	_ =	shalt  }
0x63: {  	_ =	shalt  }
0x64: {  	_ =	shalt  }
0x65: {  	_ =	shalt  }
0x66: {  	_ =	shalt  }
0x67: {  	_ =	shalt  }
0x68: {  	_ =	shalt  }
0x69: {  	_ =	shalt  }
0x6a: {  	_ =	shalt  }
0x6b: {  	_ =	shalt  }
0x6c: {  	_ =	shalt  }
0x6d: {  	_ =	shalt  }
0x6e: {  	_ =	shalt  }
0x6f: {  	_ =	shalt  }
0x70: {  	_ =	shalt  }
0x71: {  	_ =	shalt  }
0x72: {  	_ =	shalt  }
0x73: {  	_ =	shalt  }
0x74: {  	_ =	shalt  }
0x75: {  	_ =	shalt  }
0x76: {  	_ =	shalt  }
0x77: {  	_ =	shalt  }
0x78: {  	_ =	shalt  }
0x79: {  	_ =	shalt  }
0x7a: {  	_ =	shalt  }
0x7b: {  	_ =	shalt  }
0x7c: {  	_ =	shalt  }
0x7d: {  	_ =	shalt  }
0x7e: {  	_ =	shalt  }
0x7f: {  	_ =	shalt  }
0x80: {  	_ =	shalt  }
0x81: {  	_ =	shalt  }
0x82: {  	_ =	shalt  }
0x83: {  	_ =	shalt  }
0x84: {  	_ =	shalt  }
0x85: {  	_ =	shalt  }
0x86: {  	_ =	shalt  }
0x87: {  	_ =	shalt  }
.Lfunc_end0:
.L_simem_size_0:
called_computation.1_lowered:
.L_overlay_start_0:
0x88: {  	s2 =	sld [smem:$0x3FD9]  }
0x89: {  	s3 =	sld [smem:$0x3FFE];
	_ =	sdelay $0x1  }
0x8a: {  	s1 =	srdreg.scid  }
0x8b: {  	s0 =	sand.u32 $0x1, s1  }
0x8c: {  	s17 =	sshll.u32 s0, $0xA;
	s2 =	sadd.s32 s3, s2  }
0x8d: {  	s2 =	sadd.s32 s2, s17  }
0x8e: {  	[smem:$0x3FC4] =	sst s2  }
0x8f: {  	_ = 	snop  }
0x90: {  	s2 =	sld [smem:$0x3FD0];
	(tm) =	ssettm $0x1  }
0x91: {  	s18 =	sld [smem:$0x3FFB];
	_ =	sdelay $0x3  }
0x92: {  	_ =	strace s18  }
0x93: {  	s3 =	sld [smem:$0x3FFC];
	_ =	sdelay $0x3  }
0x94: {  	_ =	strace s3  }
0x95: {  	s3 =	sld [smem:$0x3FFD];
	_ =	sdelay $0x3  }
0x96: {  	_ =	strace s3  }
0x97: {  	_ =	strace $0x8FFFFFFF  }
0x98: {  	s19 =	sld [smem:$0x3FDB];
	_ =	sdelay $0x1  }
0x99: {  	s4 =	simm.s32 $_scs_section_size  }
0x9a: {  	s5 =	simm.s32 $_size__tile_overlayer_lowered;
	s6 =	simm.s32 $_tile_overlayer_lowered  }
0x9b: {  	s22 =	simm.s32 $0x1BFF;
	s21 =	sshll.u32 s6, $0x1;
	s3 =	sadd.s32 s4, s19  }
0x9c: {  	s7 =	simm.s32 $0x0;
	s20 =	sshll.u32 s5, $0x1;
	s5 =	sadd.s32 s21, s3  }
0x9d: {  	[timem:s7], [sflag:s22] =	dma.local [hbm:s5], s20  }
0x9e: {  	_ =	swait.ge [sflag:s22], s20  }
0x9f: {  	s4 =	ssub.s32 $0x0, s20;
	[sflag:s22] =	ssyncset.done $0x0  }
0xa0: {  	[sflag:s22] =	ssyncadd.s32 s4;
	_ =	sdelay $0x1  }
0xa1: {  	s23 =	simm.s32 $0x1B8B  }
0xa2: {  	_ =	swait.ge [sflag:s23], $0x1  }
0xa3: {  	[sflag:s23] =	ssyncset.done $0x0  }
0xa4: {  	s25 =	simm.s32 $0x1B8E;
	s24 =	sld [smem:$0x3FFE];
	[sflag:s23] =	ssyncadd.s32 $0xFFFFFFFF  }
0xa5: {  	s26 =	simm.s32 $execute0_lowered;
	[smem:$0x3FD2] =	sst s25  }
0xa6: {  	s5 =	sshll.u32 s26, $0x1;
	_ =	strace $0x80000049;
	[dreg:$0x1] =	wrdreg $0xFFFFFFFF  }
0xa7: {  	s28 =	simm.s32 $_size_execute0_lowered;
	s3 =	sadd.s32 s3, s5;
	[dreg:$0x0] =	wrdreg $0x0  }
0xa8: {  	s5 =	sshll.u32 s28, $0x1;
	[dreg:$0x2] =	wrdreg s3  }
0xa9: {  	[dreg:$0x3] =	wrdreg s5  }
0xaa: {  	[dreg:$0x4] =	wrdreg $0xC0  }
0xab: {  	_ =	task [dreg:s7], $0x5FFFF  }
0xac: {  	[dreg:$0x1] =	wrdreg $0xFFFFFFFF  }
0xad: {  	[dreg:$0x0] =	wrdreg $0x60  }
0xae: {  	[dreg:$0x2] =	wrdreg s24  }
0xaf: {  	[dreg:$0x3] =	wrdreg s2  }
0xb0: {  	[dreg:$0x4] =	wrdreg $0xD4400  }
0xb1: {  	[dreg:$0x5] =	wrdreg $0x9  }
0xb2: {  	_ =	task.clear_ibuf [dreg:s7], $0x6FFFF;
	_ =	strace $0x90000049  }
0xb3: {  	s29 =	simm.s32 $0x9;
	_ =	strace $0x8000004B  }
0xb4: {  	_ =	swait.ge [sflag:s29], $0x1  }
0xb5: {  	[sflag:s29] =	ssyncadd.s32 $0xFFFFFFFF  }
0xb6: {  	_ =	strace $0x9000004B  }
0xb7: {  	_ =	sfence  }
0xb8: {  	s30 =	sld [smem:$0x0];
	_ =	sdelay $0x2  }
0xb9: {  	s31 =	sshll.u32 s1, $0xD;
	s1 =	sshrl.u32 s1, $0x2  }
0xba: {  	s3 =	sand.u32 $0x4000, s31;
	s1 =	sadd.s32 s1, s30  }
0xbb: {  	s0 =	sor.u32 s3, s0;
	s1 =	sshll.u32 s1, $0x11  }
0xbc: {  	s0 =	sor.u32 s1, s0  }
0xbd: {  	s0 =	sadd.s32 $0x8F2B, s0  }
0xbe: {  	[sflag:s0] =	ssyncadd.remote.s32 $0x1  }
0xbf: {  	_ =	sfence.sel $0xFFFF  }
0xc0: {  	[dreg:$0x0] =	wrdreg $0xFFFFFFFF;
	(pc) =	sbr.abs _section_cstart, $3  }
0xc1: {  	[dreg:$0x1] =	wrdreg $0xFFFFFFFF  }
0xc2: {  	_ =	task.clear_ibuf [dreg:s7], $0x2FFFF;
	_ =	strace $0x9FFFFFFF  }
0xc3: {  	(tm) =	ssettm $0x7FFFFFFF  }
tec
execute0_lowered:
.L_overlay_start_1:
0x0: {  	(tag) =	ssettag $0x1  }
0x1: {  	s0 =	rddreg [dreg:$0x0]  }
0x2: {  	s15 =	rddreg [dreg:$0x1];
	s1 =	srdreg.scid  }
0x3: {  	s2 =	rddreg [dreg:$0x2];
	s26 =	stileid.u32;
	s3 =	simm.s32 $0x0  }
0x4: {  	s19 =	simm.s32 $0xC440;
	s20 =	simm.s32 $0x3;
	s22 =	simm.s32 $0x50  }
0x5: {  	s23 =	simm.s32 $0x9C40;
	s24 =	simm.s32 $0xB040;
	s16 =	smul.u32 $0x9C4, s26  }
0x6: {  	s25 =	simm.s32 $0x1;
	s29 =	simm.s32 $0x9BA0;
	s6 =	smul.u32 $0xA000, s26  }
0x7: {  	s30 =	simm.s32 $0x9BF0;
	s4 =	sand.u32 $0x1, s1;
	s8 =	smul.u32 $0x28000, s26  }
0x8: {  	[smem:$0x7FF] =	sst s3;
	s26 =	simm.s32 $0x2;
	s5 =	smul.u32 $0xA0000, s4  }
0x9: {  	_ =	strace $0x8000004A;
	s4 =	ssub.s32 $0x2, s4;
	s14 =	sadd.s32 s16, s0  }
0xa: {  	s28 =	sshrl.u32 s8, $0x2;
	s31 =	sshrl.u32 s4, $0x1;
	s15 =	sadd.s32 s15, s16  }
0xb: {  	s7 =	sshrl.u32 s5, $0x3;
	s5 =	sadd.s32 s6, s5;
	s13 =	sadd.s32 s28, s2  }
0xc: {  	s18 =	ssub.s32 s4, s31;
	s4 =	sadd.s32 s6, s2;
	s14 =	sadd.s32 $0xA00, s14  }
0xd: {  	s17 =	sadd.s32 s7, s0;
	s5 =	sshrl.u32 s5, $0x3;
	s6 =	sadd.s32 $0x2000, s13  }
0xe: {  	s7 =	sadd.s32 $0x3000, s13;
	s8 =	sadd.s32 $0x4000, s13;
	s9 =	sadd.s32 $0x5000, s13  }
0xf: {  	s10 =	sadd.s32 $0x6000, s13;
	s11 =	sadd.s32 $0x7000, s13;
	s12 =	sadd.s32 $0x8000, s13  }
0x10: {  	s18 =	smax.u32 s18, $0x1;
	s0 =	sadd.s32 s5, s0;
	s5 =	sadd.s32 $0x1000, s13  }
0x11: {  	v0 =	vimm.f32 $0.0e+00;
	s13 =	sadd.s32 $0x9000, s13;
	s16 =	sadd.s32 $0xB200, s17;
	s17 =	sadd.s32 $0x33200, s0  }
.LBB2_1:
0x12: {  	s0 =	simm.s32 $0x100;
	s31 =	simm.s32 $0x0  }
.LBB2_2:
0x13: {  	p0 =	sne.s32 s0, $0x3F00;
	[tilespmem:s31+$0xC470] =	vst v0;
	s1 =	smov.u32 s0;
	s0 =	sadd.s32 $0x100, s0  }
.Ltmp0:
0x14: {  	[tilespmem:s31+$0xC460] =	vst v0;
	(pc) =	sbr.rel @p0 .LBB2_2-.Ltmp0, $3  }
0x15: {  	[tilespmem:s31+$0xC440] =	vst v0  }
0x16: {  	[tilespmem:s31+$0xC450] =	vst v0;
	_ =	sdelay $0x1  }
0x17: {  	s31 =	sshra.s32 s1, $0x2  }
0x18: {  	[tilespmem:s31+$0xC470] =	vst v0  }
0x19: {  	[tilespmem:s31+$0xC460] =	vst v0  }
0x1a: {  	[tilespmem:s31+$0xC440] =	vst v0  }
0x1b: {  	[tilespmem:s31+$0xC450] =	vst v0  }
0x1c: {  	[spmem:s4] =	stream.linear.scatter [tilespmem:s19], [sflag:$0x3], $0x1000, $0x38;
	[tilespmem:$0x17440] =	vst v63  }
0x1d: {  	_ =	swait.ge [sflag:s20], $0x1000  }
0x1e: {  	[sflag:s20] =	ssyncset.done $0x0  }
0x1f: {  	[sflag:s20] =	ssyncadd.s32 $0xFFFFF000  }
0x20: {  	[spmem:s5] =	stream.linear.scatter [tilespmem:s19], [sflag:$0x3], $0x1000, $0x38;
	[tilespmem:$0x17440] =	vst v63  }
0x21: {  	_ =	swait.ge [sflag:s20], $0x1000  }
0x22: {  	[sflag:s20] =	ssyncset.done $0x0  }
0x23: {  	[sflag:s20] =	ssyncadd.s32 $0xFFFFF000  }
0x24: {  	[spmem:s6] =	stream.linear.scatter [tilespmem:s19], [sflag:$0x3], $0x1000, $0x38;
	[tilespmem:$0x17440] =	vst v63  }
0x25: {  	_ =	swait.ge [sflag:s20], $0x1000  }
0x26: {  	[sflag:s20] =	ssyncset.done $0x0  }
0x27: {  	[sflag:s20] =	ssyncadd.s32 $0xFFFFF000  }
0x28: {  	[spmem:s7] =	stream.linear.scatter [tilespmem:s19], [sflag:$0x3], $0x1000, $0x38;
	[tilespmem:$0x17440] =	vst v63  }
0x29: {  	_ =	swait.ge [sflag:s20], $0x1000  }
0x2a: {  	[sflag:s20] =	ssyncset.done $0x0  }
0x2b: {  	[sflag:s20] =	ssyncadd.s32 $0xFFFFF000  }
0x2c: {  	[spmem:s8] =	stream.linear.scatter [tilespmem:s19], [sflag:$0x3], $0x1000, $0x38;
	[tilespmem:$0x17440] =	vst v63  }
0x2d: {  	_ =	swait.ge [sflag:s20], $0x1000  }
0x2e: {  	[sflag:s20] =	ssyncset.done $0x0  }
0x2f: {  	[sflag:s20] =	ssyncadd.s32 $0xFFFFF000  }
0x30: {  	[spmem:s9] =	stream.linear.scatter [tilespmem:s19], [sflag:$0x3], $0x1000, $0x38;
	[tilespmem:$0x17440] =	vst v63  }
0x31: {  	_ =	swait.ge [sflag:s20], $0x1000  }
0x32: {  	[sflag:s20] =	ssyncset.done $0x0  }
0x33: {  	[sflag:s20] =	ssyncadd.s32 $0xFFFFF000  }
0x34: {  	[spmem:s10] =	stream.linear.scatter [tilespmem:s19], [sflag:$0x3], $0x1000, $0x38;
	[tilespmem:$0x17440] =	vst v63  }
0x35: {  	_ =	swait.ge [sflag:s20], $0x1000  }
0x36: {  	[sflag:s20] =	ssyncset.done $0x0  }
0x37: {  	[sflag:s20] =	ssyncadd.s32 $0xFFFFF000  }
0x38: {  	[spmem:s11] =	stream.linear.scatter [tilespmem:s19], [sflag:$0x3], $0x1000, $0x38;
	[tilespmem:$0x17440] =	vst v63  }
0x39: {  	_ =	swait.ge [sflag:s20], $0x1000  }
0x3a: {  	[sflag:s20] =	ssyncset.done $0x0  }
0x3b: {  	[sflag:s20] =	ssyncadd.s32 $0xFFFFF000  }
0x3c: {  	[spmem:s12] =	stream.linear.scatter [tilespmem:s19], [sflag:$0x3], $0x1000, $0x38;
	[tilespmem:$0x17440] =	vst v63  }
0x3d: {  	_ =	swait.ge [sflag:s20], $0x1000  }
0x3e: {  	[sflag:s20] =	ssyncset.done $0x0  }
0x3f: {  	[sflag:s20] =	ssyncadd.s32 $0xFFFFF000  }
0x40: {  	[spmem:s13] =	stream.linear.scatter [tilespmem:s19], [sflag:$0x3], $0x1000, $0x38;
	[tilespmem:$0x17440] =	vst v63  }
0x41: {  	_ =	swait.ge [sflag:s20], $0x1000  }
0x42: {  	[sflag:s20] =	ssyncset.done $0x0  }
0x43: {  	s0 =	simm.s32 $0x0;
	[sflag:s20] =	ssyncadd.s32 $0xFFFFF000  }
0x44: {  	[tilespmem:s0], [sflag:$0x3] =	stream.linear.gather [hbm4b:s14+s0], $0x4E20, $0x38;
	[tilespmem:$0x17440] =	vst v63  }
0x45: {  	_ =	swait.ge [sflag:s20], $0x4E20  }
0x46: {  	[sflag:s20] =	ssyncset.done $0x0  }
0x47: {  	s1 =	simm.s32 $0x4E20;
	[sflag:s20] =	ssyncadd.s32 $0xFFFFB1E0  }
0x48: {  	[tilespmem:s1], [sflag:$0x3] =	stream.linear.gather [hbm4b:s15+s0], $0x4E20, $0x38;
	[tilespmem:$0x17440] =	vst v63  }
0x49: {  	_ =	swait.ge [sflag:s20], $0x4E20  }
0x4a: {  	[sflag:s20] =	ssyncset.done $0x0  }
0x4b: {  	[sflag:s20] =	ssyncadd.s32 $0xFFFFB1E0  }
0x4c: {  	[bflag:$0x0] =	sbarrier.arrive $0xFFFF  }
0x4d: {  	[tilespmem:s23], [sflag:$0x1] =	stream.indirect.gather [hbm4b:s16+s22], $0x40, s0, s22, $0xb8;
	[tilespmem:$0x17440] =	vst v63  }
0x4e: {  	s28 =	simm.s32 $0x50  }
0x4f: {  	[tilespmem:s24], [sflag:$0x2] =	stream.indirect.gather [hbm4b:s16+s22], $0x40, s28, s22, $0xb8;
	[tilespmem:$0x17440] =	vst v63  }
0x50: {  	_ =	swait.ge [sflag:s25], $0x1400  }
0x51: {  	[sflag:s25] =	ssyncset.done $0x0  }
0x52: {  	s1 =	simm.s32 $0x4E20;
	[sflag:s25] =	ssyncadd.s32 $0xFFFFEC00  }
0x53: {  	[spmem:s2] =	stream.indirect.scatter.add.f32 [tilespmem:s23], [sflag:$0x3], $0x40, s1, s22, $0xb8;
	[tilespmem:$0x17440] =	vst v63  }
0x54: {  	_ =	swait.ge [sflag:s20], $0x1400  }
0x55: {  	[sflag:s20] =	ssyncset.done $0x0  }
0x56: {  	s21 =	simm.s32 $0xA0;
	[sflag:s20] =	ssyncadd.s32 $0xFFFFEC00  }
0x57: {  	[tilespmem:s23], [sflag:$0x1] =	stream.indirect.gather [hbm4b:s16+s22], $0x40, s21, s22, $0xb8;
	[tilespmem:$0x17440] =	vst v63  }
0x58: {  	_ =	swait.ge [sflag:s26], $0x1400  }
0x59: {  	[sflag:s26] =	ssyncset.done $0x0  }
0x5a: {  	s28 =	simm.s32 $0x4E70;
	[sflag:s26] =	ssyncadd.s32 $0xFFFFEC00  }
0x5b: {  	[spmem:s2] =	stream.indirect.scatter.add.f32 [tilespmem:s24], [sflag:$0x3], $0x40, s28, s22, $0xb8;
	[tilespmem:$0x17440] =	vst v63  }
0x5c: {  	_ =	swait.ge [sflag:s20], $0x1400  }
0x5d: {  	s31 =	simm.s32 $0xA0;
	s0 =	simm.s32 $0x500;
	[sflag:s20] =	ssyncset.done $0x0  }
.LBB2_4:
0x5e: {  	s1 =	sadd.s32 $0x50, s31  }
0x5f: {  	[sflag:s20] =	ssyncadd.s32 $0xFFFFEC00;
	s21 =	smov.u32 s0;
	s28 =	sadd.s32 $0x280, s0  }
0x60: {  	[tilespmem:s24], [sflag:$0x2] =	stream.indirect.gather [hbm4b:s16+s22], $0x40, s1, s22, $0xb8;
	[tilespmem:$0x17440] =	vst v63  }
0x61: {  	p0 =	sne.s32 s0, $0x13380;
	_ =	swait.ge [sflag:s25], $0x1400  }
0x62: {  	[sflag:s25] =	ssyncset.done $0x0  }
0x63: {  	s0 =	sadd.s32 $0x4E20, s31;
	[sflag:s25] =	ssyncadd.s32 $0xFFFFEC00  }
0x64: {  	[spmem:s2] =	stream.indirect.scatter.add.f32 [tilespmem:s23], [sflag:$0x3], $0x40, s0, s22, $0xb8;
	[tilespmem:$0x17440] =	vst v63  }
0x65: {  	_ =	swait.ge [sflag:s20], $0x1400  }
0x66: {  	[sflag:s20] =	ssyncset.done $0x0  }
0x67: {  	s0 =	sadd.s32 $0xA0, s31;
	[sflag:s20] =	ssyncadd.s32 $0xFFFFEC00  }
0x68: {  	[tilespmem:s23], [sflag:$0x1] =	stream.indirect.gather [hbm4b:s16+s22], $0x40, s0, s22, $0xb8;
	[tilespmem:$0x17440] =	vst v63  }
0x69: {  	_ =	swait.ge [sflag:s26], $0x1400  }
.Ltmp1:
0x6a: {  	[sflag:s26] =	ssyncset.done $0x0;
	(pc) =	sbr.rel @p0 .LBB2_4-.Ltmp1, $4  }
0x6b: {  	s0 =	sadd.s32 $0x4E70, s31;
	[sflag:s26] =	ssyncadd.s32 $0xFFFFEC00  }
0x6c: {  	[spmem:s2] =	stream.indirect.scatter.add.f32 [tilespmem:s24], [sflag:$0x3], $0x40, s0, s22, $0xb8;
	[tilespmem:$0x17440] =	vst v63  }
0x6d: {  	_ =	swait.ge [sflag:s20], $0x1400  }
0x6e: {  	s31 =	sshra.s32 s21, $0x2;
	s0 =	smov.u32 s28;
	[sflag:s20] =	ssyncset.done $0x0  }
0x6f: {  	s0 =	sadd.s32 $0x50, s31;
	[sflag:s20] =	ssyncadd.s32 $0xFFFFEC00  }
0x70: {  	[tilespmem:s24], [sflag:$0x2] =	stream.indirect.gather [hbm4b:s16+s22], $0x40, s0, s22, $0xb8;
	[tilespmem:$0x17440] =	vst v63  }
0x71: {  	_ =	swait.ge [sflag:s25], $0x1400  }
0x72: {  	[sflag:s25] =	ssyncset.done $0x0  }
0x73: {  	s28 =	sadd.s32 $0x4E20, s31;
	[sflag:s25] =	ssyncadd.s32 $0xFFFFEC00  }
0x74: {  	[spmem:s2] =	stream.indirect.scatter.add.f32 [tilespmem:s23], [sflag:$0x3], $0x40, s28, s22, $0xb8;
	[tilespmem:$0x17440] =	vst v63  }
0x75: {  	_ =	swait.ge [sflag:s20], $0x1400  }
0x76: {  	[sflag:s20] =	ssyncset.done $0x0  }
0x77: {  	s1 =	sadd.s32 $0xA0, s31;
	[sflag:s20] =	ssyncadd.s32 $0xFFFFEC00  }
0x78: {  	[tilespmem:s23], [sflag:$0x1] =	stream.indirect.gather [hbm4b:s16+s22], $0x40, s1, s22, $0xb8;
	[tilespmem:$0x17440] =	vst v63  }
0x79: {  	_ =	swait.ge [sflag:s26], $0x1400  }
0x7a: {  	[sflag:s26] =	ssyncset.done $0x0  }
0x7b: {  	s21 =	sadd.s32 $0x4E70, s31;
	[sflag:s26] =	ssyncadd.s32 $0xFFFFEC00  }
0x7c: {  	[spmem:s2] =	stream.indirect.scatter.add.f32 [tilespmem:s24], [sflag:$0x3], $0x40, s21, s22, $0xb8;
	[tilespmem:$0x17440] =	vst v63  }
0x7d: {  	_ =	swait.ge [sflag:s20], $0x1400  }
0x7e: {  	[sflag:s20] =	ssyncset.done $0x0  }
0x7f: {  	s28 =	simm.s32 $0x4DD0;
	[sflag:s20] =	ssyncadd.s32 $0xFFFFEC00  }
0x80: {  	[tilespmem:s24], [sflag:$0x2] =	stream.indirect.gather [hbm4b:s16+s22], $0x40, s28, s22, $0xb8;
	[tilespmem:$0x17440] =	vst v63  }
0x81: {  	_ =	swait.ge [sflag:s25], $0x1400  }
0x82: {  	[sflag:s25] =	ssyncset.done $0x0  }
0x83: {  	[sflag:s25] =	ssyncadd.s32 $0xFFFFEC00  }
0x84: {  	[spmem:s2] =	stream.indirect.scatter.add.f32 [tilespmem:s23], [sflag:$0x3], $0x40, s29, s22, $0xb8;
	[tilespmem:$0x17440] =	vst v63  }
0x85: {  	_ =	swait.ge [sflag:s20], $0x1400  }
0x86: {  	[sflag:s20] =	ssyncset.done $0x0  }
0x87: {  	[sflag:s20] =	ssyncadd.s32 $0xFFFFEC00  }
0x88: {  	_ =	swait.ge [sflag:s26], $0x1400  }
0x89: {  	[sflag:s26] =	ssyncset.done $0x0  }
0x8a: {  	[sflag:s26] =	ssyncadd.s32 $0xFFFFEC00  }
0x8b: {  	[spmem:s2] =	stream.indirect.scatter.add.f32 [tilespmem:s24], [sflag:$0x3], $0x40, s30, s22, $0xb8;
	[tilespmem:$0x17440] =	vst v63  }
0x8c: {  	s31 =	stileid.u32;
	_ =	swait.ge [sflag:s20], $0x1400  }
0x8d: {  	s3 =	sadd.s32 $0x1, s3;
	s0 =	sshll.u32 s31, $0x6;
	[sflag:s20] =	ssyncset.done $0x0  }
0x8e: {  	p0 =	sne.s32 s3, s18;
	s0 =	sor.u32 $0x1C03, s0;
	[sflag:s20] =	ssyncadd.s32 $0xFFFFEC00  }
.Ltmp2:
0x8f: {  	s1 =	sshrl.u32 s4, $0x3;
	[bflag:$0x0] =	sbarrier.arrive $0xFFFF;
	(pc) =	sbr.rel @p0 .LBB2_1-.Ltmp2, $4  }
0x90: {  	[hbm:s17], [sflag:s0] =	dma.local [spmem:s1], $0x1400  }
0x91: {  	_ =	swait.ge [sflag:s20], $0x1400  }
0x92: {  	[sflag:s20] =	ssyncset.done $0x0  }
0x93: {  	[sflag:s20] =	ssyncadd.s32 $0xFFFFEC00  }
0x94: {  	_ =	sfence.sel $0x180000  }
0x95: {  	[bflag:$0x0] =	sbarrier.arrive $0xFFFF  }
0x96: {  	_ =	strace $0x9000004A  }
0x97: {  	s0 =	stileid.u32;
	[bflag:$0x2] =	sbarrier.arrive $0xFFFF  }
0x98: {  	p0 =	sne.s32 s0, $0x0;
	s0 =	rddreg [dreg:$0x3]  }
0x99: {  	s0 =	sadd.s32 @!p0 $0x100000, s0  }
0x9a: {  	[sflag:s0] =	ssyncadd.tile.s32 @!p0 $0x1;
	_ =	shalt  }
.Lfunc_end2:
_tile_overlayer_lowered:
.L_overlay_start_2:
0x9b: {  	(tag) =	ssettag $0x2  }
0x9c: {  	s0 =	rddreg [dreg:$0x0];
	s2 =	stileid.u32  }
0x9d: {  	s1 =	rddreg [dreg:$0x1];
	p0 =	sne.s32 s2, $0x0  }
0x9e: {  	s3 =	rddreg [dreg:$0x2];
	[bflag:$0x3] =	sbarrier.arrive $0xFFFF;
	s2 =	simm.s32 @!p0 $0x1C03  }
0x9f: {  	[timem:s3], [sflag:s2] =	dma.local @!p0 [hbm:s0], s1  }
0xa0: {  	s0 =	simm.s32 @!p0 $0x3  }
0xa1: {  	_ =	swait.ge @!p0 [sflag:s0], s1  }
0xa2: {  	s1 =	ssub.s32 @!p0 $0x0, s1;
	[sflag:s0] =	ssyncset.done @!p0 $0x0  }
0xa3: {  	[sflag:s0] =	ssyncadd.s32 @!p0 s1  }
0xa4: {  	[bflag:$0x3] =	sbarrier.arrive $0xFFFF  }
0xa5: {  	_ =	shalt  }

</sc_bundles>
